<compile_context>
chip_gen: v7x
topology: tpu7x:2x2x1
jax: 0.10.2.dev20260603
libtpu: 0.0.44.dev20260713+nightly
codegen_flags: <defaults>
</compile_context>

<pallas_src>
import functools

import jax
import jax.numpy as jnp
from jax import lax
from jax.experimental import pallas as pl
from jax.experimental.pallas import tpu as pltpu
from jax.experimental.pallas import tpu_sc as plsc

B = 16384
D = 64
NUM_BOUNDARIES = 100
PAD_BOUND = 128
EMB_DIM = 32
VOCAB_PAD = 128

ROWS_PER_BLOCK = 8192
GRID = B // ROWS_PER_BLOCK

_info = plsc.get_sparse_core_info()
NC = _info.num_cores
NS = _info.num_subcores
B_PER_W = B // (NC * NS)
TABLE_WORDS = VOCAB_PAD * EMB_DIM
ROWS_W = B_PER_W * EMB_DIM
N_COLT = B_PER_W // 128
N_BAND = EMB_DIM // 8


def _bucket_body(qt_ref, dt_ref, b_ref, out_ref):
    p = qt_ref[...] * dt_ref[...]
    f = jnp.sum(p, axis=0)
    cmp = f[None, :] >= b_ref[...]
    out_ref[...] = jnp.sum(cmp.astype(jnp.int32), axis=0)


def _compute_buckets(query_t, doc_t, boundaries_col):
    return pl.pallas_call(
        _bucket_body,
        grid=(GRID,),
        in_specs=[
            pl.BlockSpec((D, ROWS_PER_BLOCK), lambda i: (0, i)),
            pl.BlockSpec((D, ROWS_PER_BLOCK), lambda i: (0, i)),
            pl.BlockSpec((PAD_BOUND, 1), lambda i: (0, 0)),
        ],
        out_specs=pl.BlockSpec((ROWS_PER_BLOCK,), lambda i: (i,)),
        out_shape=jax.ShapeDtypeStruct((B,), jnp.int32),
    )(query_t, doc_t, boundaries_col)


@functools.partial(
    pl.kernel,
    mesh=plsc.VectorSubcoreMesh(core_axis_name="c", subcore_axis_name="s"),
    out_type=jax.ShapeDtypeStruct((EMB_DIM, B), jnp.float32),
    compiler_params=pltpu.CompilerParams(needs_layout_passes=False),
    scratch_types=[
        pltpu.VMEM((B_PER_W,), jnp.int32),
        pltpu.VMEM((TABLE_WORDS,), jnp.float32),
        pltpu.VMEM((ROWS_W // 128, 128), jnp.float32),
        pltpu.SemaphoreType.DMA,
        pltpu.SemaphoreType.DMA,
    ],
)
def _sc_gather(table_hbm, idx_hbm, out_hbm, idx_v, table_v, rows_v, sem, sem2):
    cid = lax.axis_index("c")
    sid = lax.axis_index("s")
    wid = sid * NC + cid

    cp_idx = pltpu.async_copy(idx_hbm.at[pl.ds(wid * B_PER_W, B_PER_W)], idx_v, sem2)
    cp_tab = pltpu.async_copy(table_hbm, table_v, sem2)
    cp_idx.wait()
    cp_tab.wait()

    def make_gather_group(c):
        def gather_group(g, carry):
            bucket_vec = idx_v[pl.ds(g * 16, 16)]
            src_base = bucket_vec * EMB_DIM
            l0 = (g - c * 8) * 16
            for e in range(EMB_DIM):
                vals = plsc.load_gather(table_v, [src_base + e])
                row = (e // 8) * (N_COLT * 8) + c * 8 + (e % 8)
                rows_v[row, pl.ds(l0, 16)] = vals
            return carry
        return gather_group

    copies = []
    for c in range(N_COLT):
        lax.fori_loop(c * 8, (c + 1) * 8, make_gather_group(c), 0)
        for k in range(N_BAND):
            local_r0 = (k * N_COLT + c) * 8
            copies.append(pltpu.async_copy(
                rows_v.at[pl.ds(local_r0, 8)],
                out_hbm.at[pl.ds(k * 8, 8),
                           pl.ds(wid * B_PER_W + c * 128, 128)],
                sem,
            ))
    for cp in copies:
        cp.wait()


def kernel(query, doc, boundaries, emb_table):
    boundaries_col = jnp.concatenate(
        [boundaries,
         jnp.full((PAD_BOUND - NUM_BOUNDARIES,), jnp.inf, jnp.float32)])[:, None]
    bucket = _compute_buckets(query.T, doc.T, boundaries_col)
    table_padded = jnp.zeros((VOCAB_PAD, EMB_DIM), jnp.float32).at[:101].set(emb_table)
    out_t = _sc_gather(table_padded.reshape(-1), bucket)
    return out_t.T

# --- scband reference (transcript-rebuilt; emitter-appended) ---
"""Pipeline reference for scband-mapped-dot-product-52767968199031 (READ-ONLY COPY).

The authoritative reference and input builder live on the scoring server;
editing this copy changes nothing except your own understanding.
"""

import jax, jax.numpy as jnp
import numpy as np

B = 16384
D = 64
NUM_BOUNDARIES = 100
VOCAB = NUM_BOUNDARIES + 1
EMB_DIM = 32


def setup_inputs(seed: int = 0) -> dict:
    key = jax.random.key(seed)
    k1, k2, k3 = jax.random.split(key, 3)
    query = jax.random.normal(k1, (B, D), dtype=jnp.float32)
    doc = jax.random.normal(k2, (B, D), dtype=jnp.float32)
    # sorted bucket boundaries covering the dot-product range (std ~ sqrt(D) = 8)
    boundaries = jnp.asarray(np.linspace(-30.0, 30.0, NUM_BOUNDARIES), dtype=jnp.float32)
    emb_table = jax.random.normal(k3, (VOCAB, EMB_DIM), dtype=jnp.float32) * 0.02
    return {"query": query, "doc": doc, "boundaries": boundaries, "emb_table": emb_table}


def reference(query, doc, boundaries, emb_table):
    # mapped_dot_product surrogate: per-row dot product of query/doc features
    feature = jnp.sum(query * doc, axis=-1)  # [B]
    # my_bucketize: bucket index = number of boundaries <= feature (tf.Bucketize semantics)
    bucket = jnp.searchsorted(boundaries, feature, side="right")  # int32 in [0, 100]
    # one_hot @ embedding_table, exactly as in the original call()
    one_hot = jax.nn.one_hot(bucket, boundaries.shape[0] + 1, dtype=jnp.float32)  # [B, 101]
    out = jnp.matmul(one_hot, emb_table)  # [B, 32]
    return out

if __name__ == "__main__":
    import jax
    _d = setup_inputs()
    print(jax.jit(kernel)(*tuple(_d.values())))

</pallas_src>

<mosaic_0001>
#map = affine_map<(d0, d1) -> (0)>
#map1 = affine_map<(d0, d1) -> (0, 0)>
module attributes {stable_mosaic.version = 14 : i64} {
  func.func @_sc_gather(%arg0: i32, %arg1: i32, %arg2: memref<4096xf32, #tpu.memory_space<hbm>>, %arg3: memref<16384xi32, #tpu.memory_space<hbm>>, %arg4: memref<32x16384xf32, #tpu.memory_space<hbm>>, %arg5: memref<512xi32, #tpu.memory_space<vmem>>, %arg6: memref<4096xf32, #tpu.memory_space<vmem>>, %arg7: memref<128x128xf32, #tpu.memory_space<vmem>>, %arg8: memref<!tpu.dma_semaphore, #tpu.memory_space<semaphore_mem>>, %arg9: memref<!tpu.dma_semaphore, #tpu.memory_space<semaphore_mem>>) attributes {dimension_semantics = [#tpu.dimension_semantics<core_parallel>, #tpu.dimension_semantics<subcore_parallel>], iteration_bounds = array<i64: 2, 16>, scalar_prefetch = 0 : i64, scratch_operands = 5 : i64, tpu.core_type = #tpu.core_type<sc_vector_subcore>, window_params = [{transform_indices = #map}, {transform_indices = #map}, {transform_indices = #map1}]} {
    %mul3A = arith.constant 2 : i32
    %mul3A_0 = arith.muli %arg1, %mul3A : i32
    %add3A = arith.addi %mul3A_0, %arg0 : i32
    %mul3A_1 = arith.constant 512 : i32
    %mul3A_2 = arith.muli %add3A, %mul3A_1 : i32
    %dma_start3A = tpu.memref_slice %arg3[%mul3A_2] : memref<16384xi32, #tpu.memory_space<hbm>> -> memref<512xi32, #tpu.memory_space<hbm>>
    %dma_start3A_3 = tpu.memref_slice %arg3[%mul3A_2] : memref<16384xi32, #tpu.memory_space<hbm>> -> memref<512xi32, #tpu.memory_space<hbm>>
    tpu.enqueue_dma source(%dma_start3A_3 : memref<512xi32, #tpu.memory_space<hbm>>) target(%arg5 : memref<512xi32, #tpu.memory_space<vmem>>) target_semaphore(%arg9 : memref<!tpu.dma_semaphore, #tpu.memory_space<semaphore_mem>>)
    tpu.enqueue_dma source(%arg2 : memref<4096xf32, #tpu.memory_space<hbm>>) target(%arg6 : memref<4096xf32, #tpu.memory_space<vmem>>) target_semaphore(%arg9 : memref<!tpu.dma_semaphore, #tpu.memory_space<semaphore_mem>>)
    %dma_wait3A = tpu.memref_slice %arg3[%mul3A_2] : memref<16384xi32, #tpu.memory_space<hbm>> -> memref<512xi32, #tpu.memory_space<hbm>>
    %dma_wait3A_4 = tpu.memref_slice %arg3[%mul3A_2] : memref<16384xi32, #tpu.memory_space<hbm>> -> memref<512xi32, #tpu.memory_space<hbm>>
    tpu.wait_dma2 semaphore(%arg9 : memref<!tpu.dma_semaphore, #tpu.memory_space<semaphore_mem>>) src(%dma_wait3A_4 : memref<512xi32, #tpu.memory_space<hbm>>) dst(%arg5 : memref<512xi32, #tpu.memory_space<vmem>>)
    tpu.wait_dma2 semaphore(%arg9 : memref<!tpu.dma_semaphore, #tpu.memory_space<semaphore_mem>>) src(%arg2 : memref<4096xf32, #tpu.memory_space<hbm>>) dst(%arg6 : memref<4096xf32, #tpu.memory_space<vmem>>)
    %scan3A = arith.constant 0 : i32
    %scan3A_5 = arith.constant 0 : i32
    %scan3A_6 = arith.constant 8 : i32
    %scan3A_7 = arith.addi %scan3A_5, %scan3A_6 : i32
    %scan3A_8 = arith.constant 1 : i32
    scf.for %scan3A_412 = %scan3A_5 to %scan3A_7 step %scan3A_8  : i32 {
      %mul3A_413 = arith.constant 16 : i32
      %mul3A_414 = arith.muli %scan3A_412, %mul3A_413 : i32
      %get3A = arith.index_cast %mul3A_414 : i32 to index
      %get3A_415 = tpu.vector_load %arg5[%get3A] {strides = array<i32>} : memref<512xi32, #tpu.memory_space<vmem>>, vector<16xi32>,
      %mul3A_416 = arith.constant 32 : i32
      %mul3A_417 = vector.broadcast %mul3A_416 : i32 to vector<16xi32>
      %mul3A_418 = arith.muli %get3A_415, %mul3A_417 : vector<16xi32>
      %sub3A = arith.constant 0 : i32
      %sub3A_419 = arith.subi %scan3A_412, %sub3A : i32
      %mul3A_420 = arith.constant 16 : i32
      %mul3A_421 = arith.muli %sub3A_419, %mul3A_420 : i32
      %add3A_422 = arith.constant 0 : i32
      %add3A_423 = vector.broadcast %add3A_422 : i32 to vector<16xi32>
      %add3A_424 = arith.addi %mul3A_418, %add3A_423 : vector<16xi32>
      %gather3A = tpu.vector_load_idx %arg6[%add3A_424] : memref<4096xf32, #tpu.memory_space<vmem>>[vector<16xi32>], vector<16xf32>,
      %swap3A = arith.constant 0 : i32
      %swap3A_425 = arith.index_cast %swap3A : i32 to index
      %swap3A_426 = arith.index_cast %mul3A_421 : i32 to index
      %swap3A_427 = tpu.vector_load %arg7[%swap3A_425, %swap3A_426] {strides = array<i32>} : memref<128x128xf32, #tpu.memory_space<vmem>>, vector<16xf32>,
      tpu.vector_store %arg7[%swap3A_425, %swap3A_426], %gather3A {strides = array<i32>} : memref<128x128xf32, #tpu.memory_space<vmem>>, vector<16xf32>,
      %add3A_428 = arith.constant 1 : i32
      %add3A_429 = vector.broadcast %add3A_428 : i32 to vector<16xi32>
      %add3A_430 = arith.addi %mul3A_418, %add3A_429 : vector<16xi32>
      %gather3A_431 = tpu.vector_load_idx %arg6[%add3A_430] : memref<4096xf32, #tpu.memory_space<vmem>>[vector<16xi32>], vector<16xf32>,
      %swap3A_432 = arith.constant 1 : i32
      %swap3A_433 = arith.index_cast %swap3A_432 : i32 to index
      %swap3A_434 = arith.index_cast %mul3A_421 : i32 to index
      %swap3A_435 = tpu.vector_load %arg7[%swap3A_433, %swap3A_434] {strides = array<i32>} : memref<128x128xf32, #tpu.memory_space<vmem>>, vector<16xf32>,
      tpu.vector_store %arg7[%swap3A_433, %swap3A_434], %gather3A_431 {strides = array<i32>} : memref<128x128xf32, #tpu.memory_space<vmem>>, vector<16xf32>,
      %add3A_436 = arith.constant 2 : i32
      %add3A_437 = vector.broadcast %add3A_436 : i32 to vector<16xi32>
      %add3A_438 = arith.addi %mul3A_418, %add3A_437 : vector<16xi32>
      %gather3A_439 = tpu.vector_load_idx %arg6[%add3A_438] : memref<4096xf32, #tpu.memory_space<vmem>>[vector<16xi32>], vector<16xf32>,
      %swap3A_440 = arith.constant 2 : i32
      %swap3A_441 = arith.index_cast %swap3A_440 : i32 to index
      %swap3A_442 = arith.index_cast %mul3A_421 : i32 to index
      %swap3A_443 = tpu.vector_load %arg7[%swap3A_441, %swap3A_442] {strides = array<i32>} : memref<128x128xf32, #tpu.memory_space<vmem>>, vector<16xf32>,
      tpu.vector_store %arg7[%swap3A_441, %swap3A_442], %gather3A_439 {strides = array<i32>} : memref<128x128xf32, #tpu.memory_space<vmem>>, vector<16xf32>,
      %add3A_444 = arith.constant 3 : i32
      %add3A_445 = vector.broadcast %add3A_444 : i32 to vector<16xi32>
      %add3A_446 = arith.addi %mul3A_418, %add3A_445 : vector<16xi32>
      %gather3A_447 = tpu.vector_load_idx %arg6[%add3A_446] : memref<4096xf32, #tpu.memory_space<vmem>>[vector<16xi32>], vector<16xf32>,
      %swap3A_448 = arith.constant 3 : i32
      %swap3A_449 = arith.index_cast %swap3A_448 : i32 to index
      %swap3A_450 = arith.index_cast %mul3A_421 : i32 to index
      %swap3A_451 = tpu.vector_load %arg7[%swap3A_449, %swap3A_450] {strides = array<i32>} : memref<128x128xf32, #tpu.memory_space<vmem>>, vector<16xf32>,
      tpu.vector_store %arg7[%swap3A_449, %swap3A_450], %gather3A_447 {strides = array<i32>} : memref<128x128xf32, #tpu.memory_space<vmem>>, vector<16xf32>,
      %add3A_452 = arith.constant 4 : i32
      %add3A_453 = vector.broadcast %add3A_452 : i32 to vector<16xi32>
      %add3A_454 = arith.addi %mul3A_418, %add3A_453 : vector<16xi32>
      %gather3A_455 = tpu.vector_load_idx %arg6[%add3A_454] : memref<4096xf32, #tpu.memory_space<vmem>>[vector<16xi32>], vector<16xf32>,
      %swap3A_456 = arith.constant 4 : i32
      %swap3A_457 = arith.index_cast %swap3A_456 : i32 to index
      %swap3A_458 = arith.index_cast %mul3A_421 : i32 to index
      %swap3A_459 = tpu.vector_load %arg7[%swap3A_457, %swap3A_458] {strides = array<i32>} : memref<128x128xf32, #tpu.memory_space<vmem>>, vector<16xf32>,
      tpu.vector_store %arg7[%swap3A_457, %swap3A_458], %gather3A_455 {strides = array<i32>} : memref<128x128xf32, #tpu.memory_space<vmem>>, vector<16xf32>,
      %add3A_460 = arith.constant 5 : i32
      %add3A_461 = vector.broadcast %add3A_460 : i32 to vector<16xi32>
      %add3A_462 = arith.addi %mul3A_418, %add3A_461 : vector<16xi32>
      %gather3A_463 = tpu.vector_load_idx %arg6[%add3A_462] : memref<4096xf32, #tpu.memory_space<vmem>>[vector<16xi32>], vector<16xf32>,
      %swap3A_464 = arith.constant 5 : i32
      %swap3A_465 = arith.index_cast %swap3A_464 : i32 to index
      %swap3A_466 = arith.index_cast %mul3A_421 : i32 to index
      %swap3A_467 = tpu.vector_load %arg7[%swap3A_465, %swap3A_466] {strides = array<i32>} : memref<128x128xf32, #tpu.memory_space<vmem>>, vector<16xf32>,
      tpu.vector_store %arg7[%swap3A_465, %swap3A_466], %gather3A_463 {strides = array<i32>} : memref<128x128xf32, #tpu.memory_space<vmem>>, vector<16xf32>,
      %add3A_468 = arith.constant 6 : i32
      %add3A_469 = vector.broadcast %add3A_468 : i32 to vector<16xi32>
      %add3A_470 = arith.addi %mul3A_418, %add3A_469 : vector<16xi32>
      %gather3A_471 = tpu.vector_load_idx %arg6[%add3A_470] : memref<4096xf32, #tpu.memory_space<vmem>>[vector<16xi32>], vector<16xf32>,
      %swap3A_472 = arith.constant 6 : i32
      %swap3A_473 = arith.index_cast %swap3A_472 : i32 to index
      %swap3A_474 = arith.index_cast %mul3A_421 : i32 to index
      %swap3A_475 = tpu.vector_load %arg7[%swap3A_473, %swap3A_474] {strides = array<i32>} : memref<128x128xf32, #tpu.memory_space<vmem>>, vector<16xf32>,
      tpu.vector_store %arg7[%swap3A_473, %swap3A_474], %gather3A_471 {strides = array<i32>} : memref<128x128xf32, #tpu.memory_space<vmem>>, vector<16xf32>,
      %add3A_476 = arith.constant 7 : i32
      %add3A_477 = vector.broadcast %add3A_476 : i32 to vector<16xi32>
      %add3A_478 = arith.addi %mul3A_418, %add3A_477 : vector<16xi32>
      %gather3A_479 = tpu.vector_load_idx %arg6[%add3A_478] : memref<4096xf32, #tpu.memory_space<vmem>>[vector<16xi32>], vector<16xf32>,
      %swap3A_480 = arith.constant 7 : i32
      %swap3A_481 = arith.index_cast %swap3A_480 : i32 to index
      %swap3A_482 = arith.index_cast %mul3A_421 : i32 to index
      %swap3A_483 = tpu.vector_load %arg7[%swap3A_481, %swap3A_482] {strides = array<i32>} : memref<128x128xf32, #tpu.memory_space<vmem>>, vector<16xf32>,
      tpu.vector_store %arg7[%swap3A_481, %swap3A_482], %gather3A_479 {strides = array<i32>} : memref<128x128xf32, #tpu.memory_space<vmem>>, vector<16xf32>,
      %add3A_484 = arith.constant 8 : i32
      %add3A_485 = vector.broadcast %add3A_484 : i32 to vector<16xi32>
      %add3A_486 = arith.addi %mul3A_418, %add3A_485 : vector<16xi32>
      %gather3A_487 = tpu.vector_load_idx %arg6[%add3A_486] : memref<4096xf32, #tpu.memory_space<vmem>>[vector<16xi32>], vector<16xf32>,
      %swap3A_488 = arith.constant 32 : i32
      %swap3A_489 = arith.index_cast %swap3A_488 : i32 to index
      %swap3A_490 = arith.index_cast %mul3A_421 : i32 to index
      %swap3A_491 = tpu.vector_load %arg7[%swap3A_489, %swap3A_490] {strides = array<i32>} : memref<128x128xf32, #tpu.memory_space<vmem>>, vector<16xf32>,
      tpu.vector_store %arg7[%swap3A_489, %swap3A_490], %gather3A_487 {strides = array<i32>} : memref<128x128xf32, #tpu.memory_space<vmem>>, vector<16xf32>,
      %add3A_492 = arith.constant 9 : i32
      %add3A_493 = vector.broadcast %add3A_492 : i32 to vector<16xi32>
      %add3A_494 = arith.addi %mul3A_418, %add3A_493 : vector<16xi32>
      %gather3A_495 = tpu.vector_load_idx %arg6[%add3A_494] : memref<4096xf32, #tpu.memory_space<vmem>>[vector<16xi32>], vector<16xf32>,
      %swap3A_496 = arith.constant 33 : i32
      %swap3A_497 = arith.index_cast %swap3A_496 : i32 to index
      %swap3A_498 = arith.index_cast %mul3A_421 : i32 to index
      %swap3A_499 = tpu.vector_load %arg7[%swap3A_497, %swap3A_498] {strides = array<i32>} : memref<128x128xf32, #tpu.memory_space<vmem>>, vector<16xf32>,
      tpu.vector_store %arg7[%swap3A_497, %swap3A_498], %gather3A_495 {strides = array<i32>} : memref<128x128xf32, #tpu.memory_space<vmem>>, vector<16xf32>,
      %add3A_500 = arith.constant 10 : i32
      %add3A_501 = vector.broadcast %add3A_500 : i32 to vector<16xi32>
      %add3A_502 = arith.addi %mul3A_418, %add3A_501 : vector<16xi32>
      %gather3A_503 = tpu.vector_load_idx %arg6[%add3A_502] : memref<4096xf32, #tpu.memory_space<vmem>>[vector<16xi32>], vector<16xf32>,
      %swap3A_504 = arith.constant 34 : i32
      %swap3A_505 = arith.index_cast %swap3A_504 : i32 to index
      %swap3A_506 = arith.index_cast %mul3A_421 : i32 to index
      %swap3A_507 = tpu.vector_load %arg7[%swap3A_505, %swap3A_506] {strides = array<i32>} : memref<128x128xf32, #tpu.memory_space<vmem>>, vector<16xf32>,
      tpu.vector_store %arg7[%swap3A_505, %swap3A_506], %gather3A_503 {strides = array<i32>} : memref<128x128xf32, #tpu.memory_space<vmem>>, vector<16xf32>,
      %add3A_508 = arith.constant 11 : i32
      %add3A_509 = vector.broadcast %add3A_508 : i32 to vector<16xi32>
      %add3A_510 = arith.addi %mul3A_418, %add3A_509 : vector<16xi32>
      %gather3A_511 = tpu.vector_load_idx %arg6[%add3A_510] : memref<4096xf32, #tpu.memory_space<vmem>>[vector<16xi32>], vector<16xf32>,
      %swap3A_512 = arith.constant 35 : i32
      %swap3A_513 = arith.index_cast %swap3A_512 : i32 to index
      %swap3A_514 = arith.index_cast %mul3A_421 : i32 to index
      %swap3A_515 = tpu.vector_load %arg7[%swap3A_513, %swap3A_514] {strides = array<i32>} : memref<128x128xf32, #tpu.memory_space<vmem>>, vector<16xf32>,
      tpu.vector_store %arg7[%swap3A_513, %swap3A_514], %gather3A_511 {strides = array<i32>} : memref<128x128xf32, #tpu.memory_space<vmem>>, vector<16xf32>,
      %add3A_516 = arith.constant 12 : i32
      %add3A_517 = vector.broadcast %add3A_516 : i32 to vector<16xi32>
      %add3A_518 = arith.addi %mul3A_418, %add3A_517 : vector<16xi32>
      %gather3A_519 = tpu.vector_load_idx %arg6[%add3A_518] : memref<4096xf32, #tpu.memory_space<vmem>>[vector<16xi32>], vector<16xf32>,
      %swap3A_520 = arith.constant 36 : i32
      %swap3A_521 = arith.index_cast %swap3A_520 : i32 to index
      %swap3A_522 = arith.index_cast %mul3A_421 : i32 to index
      %swap3A_523 = tpu.vector_load %arg7[%swap3A_521, %swap3A_522] {strides = array<i32>} : memref<128x128xf32, #tpu.memory_space<vmem>>, vector<16xf32>,
      tpu.vector_store %arg7[%swap3A_521, %swap3A_522], %gather3A_519 {strides = array<i32>} : memref<128x128xf32, #tpu.memory_space<vmem>>, vector<16xf32>,
      %add3A_524 = arith.constant 13 : i32
      %add3A_525 = vector.broadcast %add3A_524 : i32 to vector<16xi32>
      %add3A_526 = arith.addi %mul3A_418, %add3A_525 : vector<16xi32>
      %gather3A_527 = tpu.vector_load_idx %arg6[%add3A_526] : memref<4096xf32, #tpu.memory_space<vmem>>[vector<16xi32>], vector<16xf32>,
      %swap3A_528 = arith.constant 37 : i32
      %swap3A_529 = arith.index_cast %swap3A_528 : i32 to index
      %swap3A_530 = arith.index_cast %mul3A_421 : i32 to index
      %swap3A_531 = tpu.vector_load %arg7[%swap3A_529, %swap3A_530] {strides = array<i32>} : memref<128x128xf32, #tpu.memory_space<vmem>>, vector<16xf32>,
      tpu.vector_store %arg7[%swap3A_529, %swap3A_530], %gather3A_527 {strides = array<i32>} : memref<128x128xf32, #tpu.memory_space<vmem>>, vector<16xf32>,
      %add3A_532 = arith.constant 14 : i32
      %add3A_533 = vector.broadcast %add3A_532 : i32 to vector<16xi32>
      %add3A_534 = arith.addi %mul3A_418, %add3A_533 : vector<16xi32>
      %gather3A_535 = tpu.vector_load_idx %arg6[%add3A_534] : memref<4096xf32, #tpu.memory_space<vmem>>[vector<16xi32>], vector<16xf32>,
      %swap3A_536 = arith.constant 38 : i32
      %swap3A_537 = arith.index_cast %swap3A_536 : i32 to index
      %swap3A_538 = arith.index_cast %mul3A_421 : i32 to index
      %swap3A_539 = tpu.vector_load %arg7[%swap3A_537, %swap3A_538] {strides = array<i32>} : memref<128x128xf32, #tpu.memory_space<vmem>>, vector<16xf32>,
      tpu.vector_store %arg7[%swap3A_537, %swap3A_538], %gather3A_535 {strides = array<i32>} : memref<128x128xf32, #tpu.memory_space<vmem>>, vector<16xf32>,
      %add3A_540 = arith.constant 15 : i32
      %add3A_541 = vector.broadcast %add3A_540 : i32 to vector<16xi32>
      %add3A_542 = arith.addi %mul3A_418, %add3A_541 : vector<16xi32>
      %gather3A_543 = tpu.vector_load_idx %arg6[%add3A_542] : memref<4096xf32, #tpu.memory_space<vmem>>[vector<16xi32>], vector<16xf32>,
      %swap3A_544 = arith.constant 39 : i32
      %swap3A_545 = arith.index_cast %swap3A_544 : i32 to index
      %swap3A_546 = arith.index_cast %mul3A_421 : i32 to index
      %swap3A_547 = tpu.vector_load %arg7[%swap3A_545, %swap3A_546] {strides = array<i32>} : memref<128x128xf32, #tpu.memory_space<vmem>>, vector<16xf32>,
      tpu.vector_store %arg7[%swap3A_545, %swap3A_546], %gather3A_543 {strides = array<i32>} : memref<128x128xf32, #tpu.memory_space<vmem>>, vector<16xf32>,
      %add3A_548 = arith.constant 16 : i32
      %add3A_549 = vector.broadcast %add3A_548 : i32 to vector<16xi32>
      %add3A_550 = arith.addi %mul3A_418, %add3A_549 : vector<16xi32>
      %gather3A_551 = tpu.vector_load_idx %arg6[%add3A_550] : memref<4096xf32, #tpu.memory_space<vmem>>[vector<16xi32>], vector<16xf32>,
      %swap3A_552 = arith.constant 64 : i32
      %swap3A_553 = arith.index_cast %swap3A_552 : i32 to index
      %swap3A_554 = arith.index_cast %mul3A_421 : i32 to index
      %swap3A_555 = tpu.vector_load %arg7[%swap3A_553, %swap3A_554] {strides = array<i32>} : memref<128x128xf32, #tpu.memory_space<vmem>>, vector<16xf32>,
      tpu.vector_store %arg7[%swap3A_553, %swap3A_554], %gather3A_551 {strides = array<i32>} : memref<128x128xf32, #tpu.memory_space<vmem>>, vector<16xf32>,
      %add3A_556 = arith.constant 17 : i32
      %add3A_557 = vector.broadcast %add3A_556 : i32 to vector<16xi32>
      %add3A_558 = arith.addi %mul3A_418, %add3A_557 : vector<16xi32>
      %gather3A_559 = tpu.vector_load_idx %arg6[%add3A_558] : memref<4096xf32, #tpu.memory_space<vmem>>[vector<16xi32>], vector<16xf32>,
      %swap3A_560 = arith.constant 65 : i32
      %swap3A_561 = arith.index_cast %swap3A_560 : i32 to index
      %swap3A_562 = arith.index_cast %mul3A_421 : i32 to index
      %swap3A_563 = tpu.vector_load %arg7[%swap3A_561, %swap3A_562] {strides = array<i32>} : memref<128x128xf32, #tpu.memory_space<vmem>>, vector<16xf32>,
      tpu.vector_store %arg7[%swap3A_561, %swap3A_562], %gather3A_559 {strides = array<i32>} : memref<128x128xf32, #tpu.memory_space<vmem>>, vector<16xf32>,
      %add3A_564 = arith.constant 18 : i32
      %add3A_565 = vector.broadcast %add3A_564 : i32 to vector<16xi32>
      %add3A_566 = arith.addi %mul3A_418, %add3A_565 : vector<16xi32>
      %gather3A_567 = tpu.vector_load_idx %arg6[%add3A_566] : memref<4096xf32, #tpu.memory_space<vmem>>[vector<16xi32>], vector<16xf32>,
      %swap3A_568 = arith.constant 66 : i32
      %swap3A_569 = arith.index_cast %swap3A_568 : i32 to index
      %swap3A_570 = arith.index_cast %mul3A_421 : i32 to index
      %swap3A_571 = tpu.vector_load %arg7[%swap3A_569, %swap3A_570] {strides = array<i32>} : memref<128x128xf32, #tpu.memory_space<vmem>>, vector<16xf32>,
      tpu.vector_store %arg7[%swap3A_569, %swap3A_570], %gather3A_567 {strides = array<i32>} : memref<128x128xf32, #tpu.memory_space<vmem>>, vector<16xf32>,
      %add3A_572 = arith.constant 19 : i32
      %add3A_573 = vector.broadcast %add3A_572 : i32 to vector<16xi32>
      %add3A_574 = arith.addi %mul3A_418, %add3A_573 : vector<16xi32>
      %gather3A_575 = tpu.vector_load_idx %arg6[%add3A_574] : memref<4096xf32, #tpu.memory_space<vmem>>[vector<16xi32>], vector<16xf32>,
      %swap3A_576 = arith.constant 67 : i32
      %swap3A_577 = arith.index_cast %swap3A_576 : i32 to index
      %swap3A_578 = arith.index_cast %mul3A_421 : i32 to index
      %swap3A_579 = tpu.vector_load %arg7[%swap3A_577, %swap3A_578] {strides = array<i32>} : memref<128x128xf32, #tpu.memory_space<vmem>>, vector<16xf32>,
      tpu.vector_store %arg7[%swap3A_577, %swap3A_578], %gather3A_575 {strides = array<i32>} : memref<128x128xf32, #tpu.memory_space<vmem>>, vector<16xf32>,
      %add3A_580 = arith.constant 20 : i32
      %add3A_581 = vector.broadcast %add3A_580 : i32 to vector<16xi32>
      %add3A_582 = arith.addi %mul3A_418, %add3A_581 : vector<16xi32>
      %gather3A_583 = tpu.vector_load_idx %arg6[%add3A_582] : memref<4096xf32, #tpu.memory_space<vmem>>[vector<16xi32>], vector<16xf32>,
      %swap3A_584 = arith.constant 68 : i32
      %swap3A_585 = arith.index_cast %swap3A_584 : i32 to index
      %swap3A_586 = arith.index_cast %mul3A_421 : i32 to index
      %swap3A_587 = tpu.vector_load %arg7[%swap3A_585, %swap3A_586] {strides = array<i32>} : memref<128x128xf32, #tpu.memory_space<vmem>>, vector<16xf32>,
      tpu.vector_store %arg7[%swap3A_585, %swap3A_586], %gather3A_583 {strides = array<i32>} : memref<128x128xf32, #tpu.memory_space<vmem>>, vector<16xf32>,
      %add3A_588 = arith.constant 21 : i32
      %add3A_589 = vector.broadcast %add3A_588 : i32 to vector<16xi32>
      %add3A_590 = arith.addi %mul3A_418, %add3A_589 : vector<16xi32>
      %gather3A_591 = tpu.vector_load_idx %arg6[%add3A_590] : memref<4096xf32, #tpu.memory_space<vmem>>[vector<16xi32>], vector<16xf32>,
      %swap3A_592 = arith.constant 69 : i32
      %swap3A_593 = arith.index_cast %swap3A_592 : i32 to index
      %swap3A_594 = arith.index_cast %mul3A_421 : i32 to index
      %swap3A_595 = tpu.vector_load %arg7[%swap3A_593, %swap3A_594] {strides = array<i32>} : memref<128x128xf32, #tpu.memory_space<vmem>>, vector<16xf32>,
      tpu.vector_store %arg7[%swap3A_593, %swap3A_594], %gather3A_591 {strides = array<i32>} : memref<128x128xf32, #tpu.memory_space<vmem>>, vector<16xf32>,
      %add3A_596 = arith.constant 22 : i32
      %add3A_597 = vector.broadcast %add3A_596 : i32 to vector<16xi32>
      %add3A_598 = arith.addi %mul3A_418, %add3A_597 : vector<16xi32>
      %gather3A_599 = tpu.vector_load_idx %arg6[%add3A_598] : memref<4096xf32, #tpu.memory_space<vmem>>[vector<16xi32>], vector<16xf32>,
      %swap3A_600 = arith.constant 70 : i32
      %swap3A_601 = arith.index_cast %swap3A_600 : i32 to index
      %swap3A_602 = arith.index_cast %mul3A_421 : i32 to index
      %swap3A_603 = tpu.vector_load %arg7[%swap3A_601, %swap3A_602] {strides = array<i32>} : memref<128x128xf32, #tpu.memory_space<vmem>>, vector<16xf32>,
      tpu.vector_store %arg7[%swap3A_601, %swap3A_602], %gather3A_599 {strides = array<i32>} : memref<128x128xf32, #tpu.memory_space<vmem>>, vector<16xf32>,
      %add3A_604 = arith.constant 23 : i32
      %add3A_605 = vector.broadcast %add3A_604 : i32 to vector<16xi32>
      %add3A_606 = arith.addi %mul3A_418, %add3A_605 : vector<16xi32>
      %gather3A_607 = tpu.vector_load_idx %arg6[%add3A_606] : memref<4096xf32, #tpu.memory_space<vmem>>[vector<16xi32>], vector<16xf32>,
      %swap3A_608 = arith.constant 71 : i32
      %swap3A_609 = arith.index_cast %swap3A_608 : i32 to index
      %swap3A_610 = arith.index_cast %mul3A_421 : i32 to index
      %swap3A_611 = tpu.vector_load %arg7[%swap3A_609, %swap3A_610] {strides = array<i32>} : memref<128x128xf32, #tpu.memory_space<vmem>>, vector<16xf32>,
      tpu.vector_store %arg7[%swap3A_609, %swap3A_610], %gather3A_607 {strides = array<i32>} : memref<128x128xf32, #tpu.memory_space<vmem>>, vector<16xf32>,
      %add3A_612 = arith.constant 24 : i32
      %add3A_613 = vector.broadcast %add3A_612 : i32 to vector<16xi32>
      %add3A_614 = arith.addi %mul3A_418, %add3A_613 : vector<16xi32>
      %gather3A_615 = tpu.vector_load_idx %arg6[%add3A_614] : memref<4096xf32, #tpu.memory_space<vmem>>[vector<16xi32>], vector<16xf32>,
      %swap3A_616 = arith.constant 96 : i32
      %swap3A_617 = arith.index_cast %swap3A_616 : i32 to index
      %swap3A_618 = arith.index_cast %mul3A_421 : i32 to index
      %swap3A_619 = tpu.vector_load %arg7[%swap3A_617, %swap3A_618] {strides = array<i32>} : memref<128x128xf32, #tpu.memory_space<vmem>>, vector<16xf32>,
      tpu.vector_store %arg7[%swap3A_617, %swap3A_618], %gather3A_615 {strides = array<i32>} : memref<128x128xf32, #tpu.memory_space<vmem>>, vector<16xf32>,
      %add3A_620 = arith.constant 25 : i32
      %add3A_621 = vector.broadcast %add3A_620 : i32 to vector<16xi32>
      %add3A_622 = arith.addi %mul3A_418, %add3A_621 : vector<16xi32>
      %gather3A_623 = tpu.vector_load_idx %arg6[%add3A_622] : memref<4096xf32, #tpu.memory_space<vmem>>[vector<16xi32>], vector<16xf32>,
      %swap3A_624 = arith.constant 97 : i32
      %swap3A_625 = arith.index_cast %swap3A_624 : i32 to index
      %swap3A_626 = arith.index_cast %mul3A_421 : i32 to index
      %swap3A_627 = tpu.vector_load %arg7[%swap3A_625, %swap3A_626] {strides = array<i32>} : memref<128x128xf32, #tpu.memory_space<vmem>>, vector<16xf32>,
      tpu.vector_store %arg7[%swap3A_625, %swap3A_626], %gather3A_623 {strides = array<i32>} : memref<128x128xf32, #tpu.memory_space<vmem>>, vector<16xf32>,
      %add3A_628 = arith.constant 26 : i32
      %add3A_629 = vector.broadcast %add3A_628 : i32 to vector<16xi32>
      %add3A_630 = arith.addi %mul3A_418, %add3A_629 : vector<16xi32>
      %gather3A_631 = tpu.vector_load_idx %arg6[%add3A_630] : memref<4096xf32, #tpu.memory_space<vmem>>[vector<16xi32>], vector<16xf32>,
      %swap3A_632 = arith.constant 98 : i32
      %swap3A_633 = arith.index_cast %swap3A_632 : i32 to index
      %swap3A_634 = arith.index_cast %mul3A_421 : i32 to index
      %swap3A_635 = tpu.vector_load %arg7[%swap3A_633, %swap3A_634] {strides = array<i32>} : memref<128x128xf32, #tpu.memory_space<vmem>>, vector<16xf32>,
      tpu.vector_store %arg7[%swap3A_633, %swap3A_634], %gather3A_631 {strides = array<i32>} : memref<128x128xf32, #tpu.memory_space<vmem>>, vector<16xf32>,
      %add3A_636 = arith.constant 27 : i32
      %add3A_637 = vector.broadcast %add3A_636 : i32 to vector<16xi32>
      %add3A_638 = arith.addi %mul3A_418, %add3A_637 : vector<16xi32>
      %gather3A_639 = tpu.vector_load_idx %arg6[%add3A_638] : memref<4096xf32, #tpu.memory_space<vmem>>[vector<16xi32>], vector<16xf32>,
      %swap3A_640 = arith.constant 99 : i32
      %swap3A_641 = arith.index_cast %swap3A_640 : i32 to index
      %swap3A_642 = arith.index_cast %mul3A_421 : i32 to index
      %swap3A_643 = tpu.vector_load %arg7[%swap3A_641, %swap3A_642] {strides = array<i32>} : memref<128x128xf32, #tpu.memory_space<vmem>>, vector<16xf32>,
      tpu.vector_store %arg7[%swap3A_641, %swap3A_642], %gather3A_639 {strides = array<i32>} : memref<128x128xf32, #tpu.memory_space<vmem>>, vector<16xf32>,
      %add3A_644 = arith.constant 28 : i32
      %add3A_645 = vector.broadcast %add3A_644 : i32 to vector<16xi32>
      %add3A_646 = arith.addi %mul3A_418, %add3A_645 : vector<16xi32>
      %gather3A_647 = tpu.vector_load_idx %arg6[%add3A_646] : memref<4096xf32, #tpu.memory_space<vmem>>[vector<16xi32>], vector<16xf32>,
      %swap3A_648 = arith.constant 100 : i32
      %swap3A_649 = arith.index_cast %swap3A_648 : i32 to index
      %swap3A_650 = arith.index_cast %mul3A_421 : i32 to index
      %swap3A_651 = tpu.vector_load %arg7[%swap3A_649, %swap3A_650] {strides = array<i32>} : memref<128x128xf32, #tpu.memory_space<vmem>>, vector<16xf32>,
      tpu.vector_store %arg7[%swap3A_649, %swap3A_650], %gather3A_647 {strides = array<i32>} : memref<128x128xf32, #tpu.memory_space<vmem>>, vector<16xf32>,
      %add3A_652 = arith.constant 29 : i32
      %add3A_653 = vector.broadcast %add3A_652 : i32 to vector<16xi32>
      %add3A_654 = arith.addi %mul3A_418, %add3A_653 : vector<16xi32>
      %gather3A_655 = tpu.vector_load_idx %arg6[%add3A_654] : memref<4096xf32, #tpu.memory_space<vmem>>[vector<16xi32>], vector<16xf32>,
      %swap3A_656 = arith.constant 101 : i32
      %swap3A_657 = arith.index_cast %swap3A_656 : i32 to index
      %swap3A_658 = arith.index_cast %mul3A_421 : i32 to index
      %swap3A_659 = tpu.vector_load %arg7[%swap3A_657, %swap3A_658] {strides = array<i32>} : memref<128x128xf32, #tpu.memory_space<vmem>>, vector<16xf32>,
      tpu.vector_store %arg7[%swap3A_657, %swap3A_658], %gather3A_655 {strides = array<i32>} : memref<128x128xf32, #tpu.memory_space<vmem>>, vector<16xf32>,
      %add3A_660 = arith.constant 30 : i32
      %add3A_661 = vector.broadcast %add3A_660 : i32 to vector<16xi32>
      %add3A_662 = arith.addi %mul3A_418, %add3A_661 : vector<16xi32>
      %gather3A_663 = tpu.vector_load_idx %arg6[%add3A_662] : memref<4096xf32, #tpu.memory_space<vmem>>[vector<16xi32>], vector<16xf32>,
      %swap3A_664 = arith.constant 102 : i32
      %swap3A_665 = arith.index_cast %swap3A_664 : i32 to index
      %swap3A_666 = arith.index_cast %mul3A_421 : i32 to index
      %swap3A_667 = tpu.vector_load %arg7[%swap3A_665, %swap3A_666] {strides = array<i32>} : memref<128x128xf32, #tpu.memory_space<vmem>>, vector<16xf32>,
      tpu.vector_store %arg7[%swap3A_665, %swap3A_666], %gather3A_663 {strides = array<i32>} : memref<128x128xf32, #tpu.memory_space<vmem>>, vector<16xf32>,
      %add3A_668 = arith.constant 31 : i32
      %add3A_669 = vector.broadcast %add3A_668 : i32 to vector<16xi32>
      %add3A_670 = arith.addi %mul3A_418, %add3A_669 : vector<16xi32>
      %gather3A_671 = tpu.vector_load_idx %arg6[%add3A_670] : memref<4096xf32, #tpu.memory_space<vmem>>[vector<16xi32>], vector<16xf32>,
      %swap3A_672 = arith.constant 103 : i32
      %swap3A_673 = arith.index_cast %swap3A_672 : i32 to index
      %swap3A_674 = arith.index_cast %mul3A_421 : i32 to index
      %swap3A_675 = tpu.vector_load %arg7[%swap3A_673, %swap3A_674] {strides = array<i32>} : memref<128x128xf32, #tpu.memory_space<vmem>>, vector<16xf32>,
      tpu.vector_store %arg7[%swap3A_673, %swap3A_674], %gather3A_671 {strides = array<i32>} : memref<128x128xf32, #tpu.memory_space<vmem>>, vector<16xf32>,
    }
    %scan3A_9 = arith.constant 8 : i32
    %mul3A_10 = arith.constant 512 : i32
    %mul3A_11 = arith.muli %add3A, %mul3A_10 : i32
    %add3A_12 = arith.constant 0 : i32
    %add3A_13 = arith.addi %mul3A_11, %add3A_12 : i32
    %dma_start3A_14 = arith.constant 0 : i32
    %dma_start3A_15 = arith.constant 0 : i32
    %dma_start3A_16 = tpu.memref_slice %arg7[%dma_start3A_14, %dma_start3A_15] : memref<128x128xf32, #tpu.memory_space<vmem>> -> memref<8x128xf32, #tpu.memory_space<vmem>>
    %dma_start3A_17 = arith.constant 0 : i32
    %dma_start3A_18 = tpu.memref_slice %arg4[%dma_start3A_17, %add3A_13] : memref<32x16384xf32, #tpu.memory_space<hbm>> -> memref<8x128xf32, #tpu.memory_space<hbm>>
    %dma_start3A_19 = arith.constant 0 : i32
    %dma_start3A_20 = tpu.memref_slice %arg4[%dma_start3A_19, %add3A_13] : memref<32x16384xf32, #tpu.memory_space<hbm>> -> memref<8x128xf32, #tpu.memory_space<hbm>>
    %dma_start3A_21 = arith.constant 0 : i32
    %dma_start3A_22 = arith.constant 0 : i32
    %dma_start3A_23 = tpu.memref_slice %arg7[%dma_start3A_21, %dma_start3A_22] : memref<128x128xf32, #tpu.memory_space<vmem>> -> memref<8x128xf32, #tpu.memory_space<vmem>>
    tpu.enqueue_dma source(%dma_start3A_23 : memref<8x128xf32, #tpu.memory_space<vmem>>) target(%dma_start3A_20 : memref<8x128xf32, #tpu.memory_space<hbm>>) target_semaphore(%arg8 : memref<!tpu.dma_semaphore, #tpu.memory_space<semaphore_mem>>)
    %mul3A_24 = arith.constant 512 : i32
    %mul3A_25 = arith.muli %add3A, %mul3A_24 : i32
    %add3A_26 = arith.constant 0 : i32
    %add3A_27 = arith.addi %mul3A_25, %add3A_26 : i32
    %dma_start3A_28 = arith.constant 32 : i32
    %dma_start3A_29 = arith.constant 0 : i32
    %dma_start3A_30 = tpu.memref_slice %arg7[%dma_start3A_28, %dma_start3A_29] : memref<128x128xf32, #tpu.memory_space<vmem>> -> memref<8x128xf32, #tpu.memory_space<vmem>>
    %dma_start3A_31 = arith.constant 8 : i32
    %dma_start3A_32 = tpu.memref_slice %arg4[%dma_start3A_31, %add3A_27] : memref<32x16384xf32, #tpu.memory_space<hbm>> -> memref<8x128xf32, #tpu.memory_space<hbm>>
    %dma_start3A_33 = arith.constant 8 : i32
    %dma_start3A_34 = tpu.memref_slice %arg4[%dma_start3A_33, %add3A_27] : memref<32x16384xf32, #tpu.memory_space<hbm>> -> memref<8x128xf32, #tpu.memory_space<hbm>>
    %dma_start3A_35 = arith.constant 32 : i32
    %dma_start3A_36 = arith.constant 0 : i32
    %dma_start3A_37 = tpu.memref_slice %arg7[%dma_start3A_35, %dma_start3A_36] : memref<128x128xf32, #tpu.memory_space<vmem>> -> memref<8x128xf32, #tpu.memory_space<vmem>>
    tpu.enqueue_dma source(%dma_start3A_37 : memref<8x128xf32, #tpu.memory_space<vmem>>) target(%dma_start3A_34 : memref<8x128xf32, #tpu.memory_space<hbm>>) target_semaphore(%arg8 : memref<!tpu.dma_semaphore, #tpu.memory_space<semaphore_mem>>)
    %mul3A_38 = arith.constant 512 : i32
    %mul3A_39 = arith.muli %add3A, %mul3A_38 : i32
    %add3A_40 = arith.constant 0 : i32
    %add3A_41 = arith.addi %mul3A_39, %add3A_40 : i32
    %dma_start3A_42 = arith.constant 64 : i32
    %dma_start3A_43 = arith.constant 0 : i32
    %dma_start3A_44 = tpu.memref_slice %arg7[%dma_start3A_42, %dma_start3A_43] : memref<128x128xf32, #tpu.memory_space<vmem>> -> memref<8x128xf32, #tpu.memory_space<vmem>>
    %dma_start3A_45 = arith.constant 16 : i32
    %dma_start3A_46 = tpu.memref_slice %arg4[%dma_start3A_45, %add3A_41] : memref<32x16384xf32, #tpu.memory_space<hbm>> -> memref<8x128xf32, #tpu.memory_space<hbm>>
    %dma_start3A_47 = arith.constant 16 : i32
    %dma_start3A_48 = tpu.memref_slice %arg4[%dma_start3A_47, %add3A_41] : memref<32x16384xf32, #tpu.memory_space<hbm>> -> memref<8x128xf32, #tpu.memory_space<hbm>>
    %dma_start3A_49 = arith.constant 64 : i32
    %dma_start3A_50 = arith.constant 0 : i32
    %dma_start3A_51 = tpu.memref_slice %arg7[%dma_start3A_49, %dma_start3A_50] : memref<128x128xf32, #tpu.memory_space<vmem>> -> memref<8x128xf32, #tpu.memory_space<vmem>>
    tpu.enqueue_dma source(%dma_start3A_51 : memref<8x128xf32, #tpu.memory_space<vmem>>) target(%dma_start3A_48 : memref<8x128xf32, #tpu.memory_space<hbm>>) target_semaphore(%arg8 : memref<!tpu.dma_semaphore, #tpu.memory_space<semaphore_mem>>)
    %mul3A_52 = arith.constant 512 : i32
    %mul3A_53 = arith.muli %add3A, %mul3A_52 : i32
    %add3A_54 = arith.constant 0 : i32
    %add3A_55 = arith.addi %mul3A_53, %add3A_54 : i32
    %dma_start3A_56 = arith.constant 96 : i32
    %dma_start3A_57 = arith.constant 0 : i32
    %dma_start3A_58 = tpu.memref_slice %arg7[%dma_start3A_56, %dma_start3A_57] : memref<128x128xf32, #tpu.memory_space<vmem>> -> memref<8x128xf32, #tpu.memory_space<vmem>>
    %dma_start3A_59 = arith.constant 24 : i32
    %dma_start3A_60 = tpu.memref_slice %arg4[%dma_start3A_59, %add3A_55] : memref<32x16384xf32, #tpu.memory_space<hbm>> -> memref<8x128xf32, #tpu.memory_space<hbm>>
    %dma_start3A_61 = arith.constant 24 : i32
    %dma_start3A_62 = tpu.memref_slice %arg4[%dma_start3A_61, %add3A_55] : memref<32x16384xf32, #tpu.memory_space<hbm>> -> memref<8x128xf32, #tpu.memory_space<hbm>>
    %dma_start3A_63 = arith.constant 96 : i32
    %dma_start3A_64 = arith.constant 0 : i32
    %dma_start3A_65 = tpu.memref_slice %arg7[%dma_start3A_63, %dma_start3A_64] : memref<128x128xf32, #tpu.memory_space<vmem>> -> memref<8x128xf32, #tpu.memory_space<vmem>>
    tpu.enqueue_dma source(%dma_start3A_65 : memref<8x128xf32, #tpu.memory_space<vmem>>) target(%dma_start3A_62 : memref<8x128xf32, #tpu.memory_space<hbm>>) target_semaphore(%arg8 : memref<!tpu.dma_semaphore, #tpu.memory_space<semaphore_mem>>)
    %scan3A_66 = arith.constant 0 : i32
    %scan3A_67 = arith.constant 8 : i32
    %scan3A_68 = arith.constant 8 : i32
    %scan3A_69 = arith.addi %scan3A_67, %scan3A_68 : i32
    %scan3A_70 = arith.constant 1 : i32
    scf.for %scan3A_412 = %scan3A_67 to %scan3A_69 step %scan3A_70  : i32 {
      %mul3A_413 = arith.constant 16 : i32
      %mul3A_414 = arith.muli %scan3A_412, %mul3A_413 : i32
      %get3A = arith.index_cast %mul3A_414 : i32 to index
      %get3A_415 = tpu.vector_load %arg5[%get3A] {strides = array<i32>} : memref<512xi32, #tpu.memory_space<vmem>>, vector<16xi32>,
      %mul3A_416 = arith.constant 32 : i32
      %mul3A_417 = vector.broadcast %mul3A_416 : i32 to vector<16xi32>
      %mul3A_418 = arith.muli %get3A_415, %mul3A_417 : vector<16xi32>
      %sub3A = arith.constant 8 : i32
      %sub3A_419 = arith.subi %scan3A_412, %sub3A : i32
      %mul3A_420 = arith.constant 16 : i32
      %mul3A_421 = arith.muli %sub3A_419, %mul3A_420 : i32
      %add3A_422 = arith.constant 0 : i32
      %add3A_423 = vector.broadcast %add3A_422 : i32 to vector<16xi32>
      %add3A_424 = arith.addi %mul3A_418, %add3A_423 : vector<16xi32>
      %gather3A = tpu.vector_load_idx %arg6[%add3A_424] : memref<4096xf32, #tpu.memory_space<vmem>>[vector<16xi32>], vector<16xf32>,
      %swap3A = arith.constant 8 : i32
      %swap3A_425 = arith.index_cast %swap3A : i32 to index
      %swap3A_426 = arith.index_cast %mul3A_421 : i32 to index
      %swap3A_427 = tpu.vector_load %arg7[%swap3A_425, %swap3A_426] {strides = array<i32>} : memref<128x128xf32, #tpu.memory_space<vmem>>, vector<16xf32>,
      tpu.vector_store %arg7[%swap3A_425, %swap3A_426], %gather3A {strides = array<i32>} : memref<128x128xf32, #tpu.memory_space<vmem>>, vector<16xf32>,
      %add3A_428 = arith.constant 1 : i32
      %add3A_429 = vector.broadcast %add3A_428 : i32 to vector<16xi32>
      %add3A_430 = arith.addi %mul3A_418, %add3A_429 : vector<16xi32>
      %gather3A_431 = tpu.vector_load_idx %arg6[%add3A_430] : memref<4096xf32, #tpu.memory_space<vmem>>[vector<16xi32>], vector<16xf32>,
      %swap3A_432 = arith.constant 9 : i32
      %swap3A_433 = arith.index_cast %swap3A_432 : i32 to index
      %swap3A_434 = arith.index_cast %mul3A_421 : i32 to index
      %swap3A_435 = tpu.vector_load %arg7[%swap3A_433, %swap3A_434] {strides = array<i32>} : memref<128x128xf32, #tpu.memory_space<vmem>>, vector<16xf32>,
      tpu.vector_store %arg7[%swap3A_433, %swap3A_434], %gather3A_431 {strides = array<i32>} : memref<128x128xf32, #tpu.memory_space<vmem>>, vector<16xf32>,
      %add3A_436 = arith.constant 2 : i32
      %add3A_437 = vector.broadcast %add3A_436 : i32 to vector<16xi32>
      %add3A_438 = arith.addi %mul3A_418, %add3A_437 : vector<16xi32>
      %gather3A_439 = tpu.vector_load_idx %arg6[%add3A_438] : memref<4096xf32, #tpu.memory_space<vmem>>[vector<16xi32>], vector<16xf32>,
      %swap3A_440 = arith.constant 10 : i32
      %swap3A_441 = arith.index_cast %swap3A_440 : i32 to index
      %swap3A_442 = arith.index_cast %mul3A_421 : i32 to index
      %swap3A_443 = tpu.vector_load %arg7[%swap3A_441, %swap3A_442] {strides = array<i32>} : memref<128x128xf32, #tpu.memory_space<vmem>>, vector<16xf32>,
      tpu.vector_store %arg7[%swap3A_441, %swap3A_442], %gather3A_439 {strides = array<i32>} : memref<128x128xf32, #tpu.memory_space<vmem>>, vector<16xf32>,
      %add3A_444 = arith.constant 3 : i32
      %add3A_445 = vector.broadcast %add3A_444 : i32 to vector<16xi32>
      %add3A_446 = arith.addi %mul3A_418, %add3A_445 : vector<16xi32>
      %gather3A_447 = tpu.vector_load_idx %arg6[%add3A_446] : memref<4096xf32, #tpu.memory_space<vmem>>[vector<16xi32>], vector<16xf32>,
      %swap3A_448 = arith.constant 11 : i32
      %swap3A_449 = arith.index_cast %swap3A_448 : i32 to index
      %swap3A_450 = arith.index_cast %mul3A_421 : i32 to index
      %swap3A_451 = tpu.vector_load %arg7[%swap3A_449, %swap3A_450] {strides = array<i32>} : memref<128x128xf32, #tpu.memory_space<vmem>>, vector<16xf32>,
      tpu.vector_store %arg7[%swap3A_449, %swap3A_450], %gather3A_447 {strides = array<i32>} : memref<128x128xf32, #tpu.memory_space<vmem>>, vector<16xf32>,
      %add3A_452 = arith.constant 4 : i32
      %add3A_453 = vector.broadcast %add3A_452 : i32 to vector<16xi32>
      %add3A_454 = arith.addi %mul3A_418, %add3A_453 : vector<16xi32>
      %gather3A_455 = tpu.vector_load_idx %arg6[%add3A_454] : memref<4096xf32, #tpu.memory_space<vmem>>[vector<16xi32>], vector<16xf32>,
      %swap3A_456 = arith.constant 12 : i32
      %swap3A_457 = arith.index_cast %swap3A_456 : i32 to index
      %swap3A_458 = arith.index_cast %mul3A_421 : i32 to index
      %swap3A_459 = tpu.vector_load %arg7[%swap3A_457, %swap3A_458] {strides = array<i32>} : memref<128x128xf32, #tpu.memory_space<vmem>>, vector<16xf32>,
      tpu.vector_store %arg7[%swap3A_457, %swap3A_458], %gather3A_455 {strides = array<i32>} : memref<128x128xf32, #tpu.memory_space<vmem>>, vector<16xf32>,
      %add3A_460 = arith.constant 5 : i32
      %add3A_461 = vector.broadcast %add3A_460 : i32 to vector<16xi32>
      %add3A_462 = arith.addi %mul3A_418, %add3A_461 : vector<16xi32>
      %gather3A_463 = tpu.vector_load_idx %arg6[%add3A_462] : memref<4096xf32, #tpu.memory_space<vmem>>[vector<16xi32>], vector<16xf32>,
      %swap3A_464 = arith.constant 13 : i32
      %swap3A_465 = arith.index_cast %swap3A_464 : i32 to index
      %swap3A_466 = arith.index_cast %mul3A_421 : i32 to index
      %swap3A_467 = tpu.vector_load %arg7[%swap3A_465, %swap3A_466] {strides = array<i32>} : memref<128x128xf32, #tpu.memory_space<vmem>>, vector<16xf32>,
      tpu.vector_store %arg7[%swap3A_465, %swap3A_466], %gather3A_463 {strides = array<i32>} : memref<128x128xf32, #tpu.memory_space<vmem>>, vector<16xf32>,
      %add3A_468 = arith.constant 6 : i32
      %add3A_469 = vector.broadcast %add3A_468 : i32 to vector<16xi32>
      %add3A_470 = arith.addi %mul3A_418, %add3A_469 : vector<16xi32>
      %gather3A_471 = tpu.vector_load_idx %arg6[%add3A_470] : memref<4096xf32, #tpu.memory_space<vmem>>[vector<16xi32>], vector<16xf32>,
      %swap3A_472 = arith.constant 14 : i32
      %swap3A_473 = arith.index_cast %swap3A_472 : i32 to index
      %swap3A_474 = arith.index_cast %mul3A_421 : i32 to index
      %swap3A_475 = tpu.vector_load %arg7[%swap3A_473, %swap3A_474] {strides = array<i32>} : memref<128x128xf32, #tpu.memory_space<vmem>>, vector<16xf32>,
      tpu.vector_store %arg7[%swap3A_473, %swap3A_474], %gather3A_471 {strides = array<i32>} : memref<128x128xf32, #tpu.memory_space<vmem>>, vector<16xf32>,
      %add3A_476 = arith.constant 7 : i32
      %add3A_477 = vector.broadcast %add3A_476 : i32 to vector<16xi32>
      %add3A_478 = arith.addi %mul3A_418, %add3A_477 : vector<16xi32>
      %gather3A_479 = tpu.vector_load_idx %arg6[%add3A_478] : memref<4096xf32, #tpu.memory_space<vmem>>[vector<16xi32>], vector<16xf32>,
      %swap3A_480 = arith.constant 15 : i32
      %swap3A_481 = arith.index_cast %swap3A_480 : i32 to index
      %swap3A_482 = arith.index_cast %mul3A_421 : i32 to index
      %swap3A_483 = tpu.vector_load %arg7[%swap3A_481, %swap3A_482] {strides = array<i32>} : memref<128x128xf32, #tpu.memory_space<vmem>>, vector<16xf32>,
      tpu.vector_store %arg7[%swap3A_481, %swap3A_482], %gather3A_479 {strides = array<i32>} : memref<128x128xf32, #tpu.memory_space<vmem>>, vector<16xf32>,
      %add3A_484 = arith.constant 8 : i32
      %add3A_485 = vector.broadcast %add3A_484 : i32 to vector<16xi32>
      %add3A_486 = arith.addi %mul3A_418, %add3A_485 : vector<16xi32>
      %gather3A_487 = tpu.vector_load_idx %arg6[%add3A_486] : memref<4096xf32, #tpu.memory_space<vmem>>[vector<16xi32>], vector<16xf32>,
      %swap3A_488 = arith.constant 40 : i32
      %swap3A_489 = arith.index_cast %swap3A_488 : i32 to index
      %swap3A_490 = arith.index_cast %mul3A_421 : i32 to index
      %swap3A_491 = tpu.vector_load %arg7[%swap3A_489, %swap3A_490] {strides = array<i32>} : memref<128x128xf32, #tpu.memory_space<vmem>>, vector<16xf32>,
      tpu.vector_store %arg7[%swap3A_489, %swap3A_490], %gather3A_487 {strides = array<i32>} : memref<128x128xf32, #tpu.memory_space<vmem>>, vector<16xf32>,
      %add3A_492 = arith.constant 9 : i32
      %add3A_493 = vector.broadcast %add3A_492 : i32 to vector<16xi32>
      %add3A_494 = arith.addi %mul3A_418, %add3A_493 : vector<16xi32>
      %gather3A_495 = tpu.vector_load_idx %arg6[%add3A_494] : memref<4096xf32, #tpu.memory_space<vmem>>[vector<16xi32>], vector<16xf32>,
      %swap3A_496 = arith.constant 41 : i32
      %swap3A_497 = arith.index_cast %swap3A_496 : i32 to index
      %swap3A_498 = arith.index_cast %mul3A_421 : i32 to index
      %swap3A_499 = tpu.vector_load %arg7[%swap3A_497, %swap3A_498] {strides = array<i32>} : memref<128x128xf32, #tpu.memory_space<vmem>>, vector<16xf32>,
      tpu.vector_store %arg7[%swap3A_497, %swap3A_498], %gather3A_495 {strides = array<i32>} : memref<128x128xf32, #tpu.memory_space<vmem>>, vector<16xf32>,
      %add3A_500 = arith.constant 10 : i32
      %add3A_501 = vector.broadcast %add3A_500 : i32 to vector<16xi32>
      %add3A_502 = arith.addi %mul3A_418, %add3A_501 : vector<16xi32>
      %gather3A_503 = tpu.vector_load_idx %arg6[%add3A_502] : memref<4096xf32, #tpu.memory_space<vmem>>[vector<16xi32>], vector<16xf32>,
      %swap3A_504 = arith.constant 42 : i32
      %swap3A_505 = arith.index_cast %swap3A_504 : i32 to index
      %swap3A_506 = arith.index_cast %mul3A_421 : i32 to index
      %swap3A_507 = tpu.vector_load %arg7[%swap3A_505, %swap3A_506] {strides = array<i32>} : memref<128x128xf32, #tpu.memory_space<vmem>>, vector<16xf32>,
      tpu.vector_store %arg7[%swap3A_505, %swap3A_506], %gather3A_503 {strides = array<i32>} : memref<128x128xf32, #tpu.memory_space<vmem>>, vector<16xf32>,
      %add3A_508 = arith.constant 11 : i32
      %add3A_509 = vector.broadcast %add3A_508 : i32 to vector<16xi32>
      %add3A_510 = arith.addi %mul3A_418, %add3A_509 : vector<16xi32>
      %gather3A_511 = tpu.vector_load_idx %arg6[%add3A_510] : memref<4096xf32, #tpu.memory_space<vmem>>[vector<16xi32>], vector<16xf32>,
      %swap3A_512 = arith.constant 43 : i32
      %swap3A_513 = arith.index_cast %swap3A_512 : i32 to index
      %swap3A_514 = arith.index_cast %mul3A_421 : i32 to index
      %swap3A_515 = tpu.vector_load %arg7[%swap3A_513, %swap3A_514] {strides = array<i32>} : memref<128x128xf32, #tpu.memory_space<vmem>>, vector<16xf32>,
      tpu.vector_store %arg7[%swap3A_513, %swap3A_514], %gather3A_511 {strides = array<i32>} : memref<128x128xf32, #tpu.memory_space<vmem>>, vector<16xf32>,
      %add3A_516 = arith.constant 12 : i32
      %add3A_517 = vector.broadcast %add3A_516 : i32 to vector<16xi32>
      %add3A_518 = arith.addi %mul3A_418, %add3A_517 : vector<16xi32>
      %gather3A_519 = tpu.vector_load_idx %arg6[%add3A_518] : memref<4096xf32, #tpu.memory_space<vmem>>[vector<16xi32>], vector<16xf32>,
      %swap3A_520 = arith.constant 44 : i32
      %swap3A_521 = arith.index_cast %swap3A_520 : i32 to index
      %swap3A_522 = arith.index_cast %mul3A_421 : i32 to index
      %swap3A_523 = tpu.vector_load %arg7[%swap3A_521, %swap3A_522] {strides = array<i32>} : memref<128x128xf32, #tpu.memory_space<vmem>>, vector<16xf32>,
      tpu.vector_store %arg7[%swap3A_521, %swap3A_522], %gather3A_519 {strides = array<i32>} : memref<128x128xf32, #tpu.memory_space<vmem>>, vector<16xf32>,
      %add3A_524 = arith.constant 13 : i32
      %add3A_525 = vector.broadcast %add3A_524 : i32 to vector<16xi32>
      %add3A_526 = arith.addi %mul3A_418, %add3A_525 : vector<16xi32>
      %gather3A_527 = tpu.vector_load_idx %arg6[%add3A_526] : memref<4096xf32, #tpu.memory_space<vmem>>[vector<16xi32>], vector<16xf32>,
      %swap3A_528 = arith.constant 45 : i32
      %swap3A_529 = arith.index_cast %swap3A_528 : i32 to index
      %swap3A_530 = arith.index_cast %mul3A_421 : i32 to index
      %swap3A_531 = tpu.vector_load %arg7[%swap3A_529, %swap3A_530] {strides = array<i32>} : memref<128x128xf32, #tpu.memory_space<vmem>>, vector<16xf32>,
      tpu.vector_store %arg7[%swap3A_529, %swap3A_530], %gather3A_527 {strides = array<i32>} : memref<128x128xf32, #tpu.memory_space<vmem>>, vector<16xf32>,
      %add3A_532 = arith.constant 14 : i32
      %add3A_533 = vector.broadcast %add3A_532 : i32 to vector<16xi32>
      %add3A_534 = arith.addi %mul3A_418, %add3A_533 : vector<16xi32>
      %gather3A_535 = tpu.vector_load_idx %arg6[%add3A_534] : memref<4096xf32, #tpu.memory_space<vmem>>[vector<16xi32>], vector<16xf32>,
      %swap3A_536 = arith.constant 46 : i32
      %swap3A_537 = arith.index_cast %swap3A_536 : i32 to index
      %swap3A_538 = arith.index_cast %mul3A_421 : i32 to index
      %swap3A_539 = tpu.vector_load %arg7[%swap3A_537, %swap3A_538] {strides = array<i32>} : memref<128x128xf32, #tpu.memory_space<vmem>>, vector<16xf32>,
      tpu.vector_store %arg7[%swap3A_537, %swap3A_538], %gather3A_535 {strides = array<i32>} : memref<128x128xf32, #tpu.memory_space<vmem>>, vector<16xf32>,
      %add3A_540 = arith.constant 15 : i32
      %add3A_541 = vector.broadcast %add3A_540 : i32 to vector<16xi32>
      %add3A_542 = arith.addi %mul3A_418, %add3A_541 : vector<16xi32>
      %gather3A_543 = tpu.vector_load_idx %arg6[%add3A_542] : memref<4096xf32, #tpu.memory_space<vmem>>[vector<16xi32>], vector<16xf32>,
      %swap3A_544 = arith.constant 47 : i32
      %swap3A_545 = arith.index_cast %swap3A_544 : i32 to index
      %swap3A_546 = arith.index_cast %mul3A_421 : i32 to index
      %swap3A_547 = tpu.vector_load %arg7[%swap3A_545, %swap3A_546] {strides = array<i32>} : memref<128x128xf32, #tpu.memory_space<vmem>>, vector<16xf32>,
      tpu.vector_store %arg7[%swap3A_545, %swap3A_546], %gather3A_543 {strides = array<i32>} : memref<128x128xf32, #tpu.memory_space<vmem>>, vector<16xf32>,
      %add3A_548 = arith.constant 16 : i32
      %add3A_549 = vector.broadcast %add3A_548 : i32 to vector<16xi32>
      %add3A_550 = arith.addi %mul3A_418, %add3A_549 : vector<16xi32>
      %gather3A_551 = tpu.vector_load_idx %arg6[%add3A_550] : memref<4096xf32, #tpu.memory_space<vmem>>[vector<16xi32>], vector<16xf32>,
      %swap3A_552 = arith.constant 72 : i32
      %swap3A_553 = arith.index_cast %swap3A_552 : i32 to index
      %swap3A_554 = arith.index_cast %mul3A_421 : i32 to index
      %swap3A_555 = tpu.vector_load %arg7[%swap3A_553, %swap3A_554] {strides = array<i32>} : memref<128x128xf32, #tpu.memory_space<vmem>>, vector<16xf32>,
      tpu.vector_store %arg7[%swap3A_553, %swap3A_554], %gather3A_551 {strides = array<i32>} : memref<128x128xf32, #tpu.memory_space<vmem>>, vector<16xf32>,
      %add3A_556 = arith.constant 17 : i32
      %add3A_557 = vector.broadcast %add3A_556 : i32 to vector<16xi32>
      %add3A_558 = arith.addi %mul3A_418, %add3A_557 : vector<16xi32>
      %gather3A_559 = tpu.vector_load_idx %arg6[%add3A_558] : memref<4096xf32, #tpu.memory_space<vmem>>[vector<16xi32>], vector<16xf32>,
      %swap3A_560 = arith.constant 73 : i32
      %swap3A_561 = arith.index_cast %swap3A_560 : i32 to index
      %swap3A_562 = arith.index_cast %mul3A_421 : i32 to index
      %swap3A_563 = tpu.vector_load %arg7[%swap3A_561, %swap3A_562] {strides = array<i32>} : memref<128x128xf32, #tpu.memory_space<vmem>>, vector<16xf32>,
      tpu.vector_store %arg7[%swap3A_561, %swap3A_562], %gather3A_559 {strides = array<i32>} : memref<128x128xf32, #tpu.memory_space<vmem>>, vector<16xf32>,
      %add3A_564 = arith.constant 18 : i32
      %add3A_565 = vector.broadcast %add3A_564 : i32 to vector<16xi32>
      %add3A_566 = arith.addi %mul3A_418, %add3A_565 : vector<16xi32>
      %gather3A_567 = tpu.vector_load_idx %arg6[%add3A_566] : memref<4096xf32, #tpu.memory_space<vmem>>[vector<16xi32>], vector<16xf32>,
      %swap3A_568 = arith.constant 74 : i32
      %swap3A_569 = arith.index_cast %swap3A_568 : i32 to index
      %swap3A_570 = arith.index_cast %mul3A_421 : i32 to index
      %swap3A_571 = tpu.vector_load %arg7[%swap3A_569, %swap3A_570] {strides = array<i32>} : memref<128x128xf32, #tpu.memory_space<vmem>>, vector<16xf32>,
      tpu.vector_store %arg7[%swap3A_569, %swap3A_570], %gather3A_567 {strides = array<i32>} : memref<128x128xf32, #tpu.memory_space<vmem>>, vector<16xf32>,
      %add3A_572 = arith.constant 19 : i32
      %add3A_573 = vector.broadcast %add3A_572 : i32 to vector<16xi32>
      %add3A_574 = arith.addi %mul3A_418, %add3A_573 : vector<16xi32>
      %gather3A_575 = tpu.vector_load_idx %arg6[%add3A_574] : memref<4096xf32, #tpu.memory_space<vmem>>[vector<16xi32>], vector<16xf32>,
      %swap3A_576 = arith.constant 75 : i32
      %swap3A_577 = arith.index_cast %swap3A_576 : i32 to index
      %swap3A_578 = arith.index_cast %mul3A_421 : i32 to index
      %swap3A_579 = tpu.vector_load %arg7[%swap3A_577, %swap3A_578] {strides = array<i32>} : memref<128x128xf32, #tpu.memory_space<vmem>>, vector<16xf32>,
      tpu.vector_store %arg7[%swap3A_577, %swap3A_578], %gather3A_575 {strides = array<i32>} : memref<128x128xf32, #tpu.memory_space<vmem>>, vector<16xf32>,
      %add3A_580 = arith.constant 20 : i32
      %add3A_581 = vector.broadcast %add3A_580 : i32 to vector<16xi32>
      %add3A_582 = arith.addi %mul3A_418, %add3A_581 : vector<16xi32>
      %gather3A_583 = tpu.vector_load_idx %arg6[%add3A_582] : memref<4096xf32, #tpu.memory_space<vmem>>[vector<16xi32>], vector<16xf32>,
      %swap3A_584 = arith.constant 76 : i32
      %swap3A_585 = arith.index_cast %swap3A_584 : i32 to index
      %swap3A_586 = arith.index_cast %mul3A_421 : i32 to index
      %swap3A_587 = tpu.vector_load %arg7[%swap3A_585, %swap3A_586] {strides = array<i32>} : memref<128x128xf32, #tpu.memory_space<vmem>>, vector<16xf32>,
      tpu.vector_store %arg7[%swap3A_585, %swap3A_586], %gather3A_583 {strides = array<i32>} : memref<128x128xf32, #tpu.memory_space<vmem>>, vector<16xf32>,
      %add3A_588 = arith.constant 21 : i32
      %add3A_589 = vector.broadcast %add3A_588 : i32 to vector<16xi32>
      %add3A_590 = arith.addi %mul3A_418, %add3A_589 : vector<16xi32>
      %gather3A_591 = tpu.vector_load_idx %arg6[%add3A_590] : memref<4096xf32, #tpu.memory_space<vmem>>[vector<16xi32>], vector<16xf32>,
      %swap3A_592 = arith.constant 77 : i32
      %swap3A_593 = arith.index_cast %swap3A_592 : i32 to index
      %swap3A_594 = arith.index_cast %mul3A_421 : i32 to index
      %swap3A_595 = tpu.vector_load %arg7[%swap3A_593, %swap3A_594] {strides = array<i32>} : memref<128x128xf32, #tpu.memory_space<vmem>>, vector<16xf32>,
      tpu.vector_store %arg7[%swap3A_593, %swap3A_594], %gather3A_591 {strides = array<i32>} : memref<128x128xf32, #tpu.memory_space<vmem>>, vector<16xf32>,
      %add3A_596 = arith.constant 22 : i32
      %add3A_597 = vector.broadcast %add3A_596 : i32 to vector<16xi32>
      %add3A_598 = arith.addi %mul3A_418, %add3A_597 : vector<16xi32>
      %gather3A_599 = tpu.vector_load_idx %arg6[%add3A_598] : memref<4096xf32, #tpu.memory_space<vmem>>[vector<16xi32>], vector<16xf32>,
      %swap3A_600 = arith.constant 78 : i32
      %swap3A_601 = arith.index_cast %swap3A_600 : i32 to index
      %swap3A_602 = arith.index_cast %mul3A_421 : i32 to index
      %swap3A_603 = tpu.vector_load %arg7[%swap3A_601, %swap3A_602] {strides = array<i32>} : memref<128x128xf32, #tpu.memory_space<vmem>>, vector<16xf32>,
      tpu.vector_store %arg7[%swap3A_601, %swap3A_602], %gather3A_599 {strides = array<i32>} : memref<128x128xf32, #tpu.memory_space<vmem>>, vector<16xf32>,
      %add3A_604 = arith.constant 23 : i32
      %add3A_605 = vector.broadcast %add3A_604 : i32 to vector<16xi32>
      %add3A_606 = arith.addi %mul3A_418, %add3A_605 : vector<16xi32>
      %gather3A_607 = tpu.vector_load_idx %arg6[%add3A_606] : memref<4096xf32, #tpu.memory_space<vmem>>[vector<16xi32>], vector<16xf32>,
      %swap3A_608 = arith.constant 79 : i32
      %swap3A_609 = arith.index_cast %swap3A_608 : i32 to index
      %swap3A_610 = arith.index_cast %mul3A_421 : i32 to index
      %swap3A_611 = tpu.vector_load %arg7[%swap3A_609, %swap3A_610] {strides = array<i32>} : memref<128x128xf32, #tpu.memory_space<vmem>>, vector<16xf32>,
      tpu.vector_store %arg7[%swap3A_609, %swap3A_610], %gather3A_607 {strides = array<i32>} : memref<128x128xf32, #tpu.memory_space<vmem>>, vector<16xf32>,
      %add3A_612 = arith.constant 24 : i32
      %add3A_613 = vector.broadcast %add3A_612 : i32 to vector<16xi32>
      %add3A_614 = arith.addi %mul3A_418, %add3A_613 : vector<16xi32>
      %gather3A_615 = tpu.vector_load_idx %arg6[%add3A_614] : memref<4096xf32, #tpu.memory_space<vmem>>[vector<16xi32>], vector<16xf32>,
      %swap3A_616 = arith.constant 104 : i32
      %swap3A_617 = arith.index_cast %swap3A_616 : i32 to index
      %swap3A_618 = arith.index_cast %mul3A_421 : i32 to index
      %swap3A_619 = tpu.vector_load %arg7[%swap3A_617, %swap3A_618] {strides = array<i32>} : memref<128x128xf32, #tpu.memory_space<vmem>>, vector<16xf32>,
      tpu.vector_store %arg7[%swap3A_617, %swap3A_618], %gather3A_615 {strides = array<i32>} : memref<128x128xf32, #tpu.memory_space<vmem>>, vector<16xf32>,
      %add3A_620 = arith.constant 25 : i32
      %add3A_621 = vector.broadcast %add3A_620 : i32 to vector<16xi32>
      %add3A_622 = arith.addi %mul3A_418, %add3A_621 : vector<16xi32>
      %gather3A_623 = tpu.vector_load_idx %arg6[%add3A_622] : memref<4096xf32, #tpu.memory_space<vmem>>[vector<16xi32>], vector<16xf32>,
      %swap3A_624 = arith.constant 105 : i32
      %swap3A_625 = arith.index_cast %swap3A_624 : i32 to index
      %swap3A_626 = arith.index_cast %mul3A_421 : i32 to index
      %swap3A_627 = tpu.vector_load %arg7[%swap3A_625, %swap3A_626] {strides = array<i32>} : memref<128x128xf32, #tpu.memory_space<vmem>>, vector<16xf32>,
      tpu.vector_store %arg7[%swap3A_625, %swap3A_626], %gather3A_623 {strides = array<i32>} : memref<128x128xf32, #tpu.memory_space<vmem>>, vector<16xf32>,
      %add3A_628 = arith.constant 26 : i32
      %add3A_629 = vector.broadcast %add3A_628 : i32 to vector<16xi32>
      %add3A_630 = arith.addi %mul3A_418, %add3A_629 : vector<16xi32>
      %gather3A_631 = tpu.vector_load_idx %arg6[%add3A_630] : memref<4096xf32, #tpu.memory_space<vmem>>[vector<16xi32>], vector<16xf32>,
      %swap3A_632 = arith.constant 106 : i32
      %swap3A_633 = arith.index_cast %swap3A_632 : i32 to index
      %swap3A_634 = arith.index_cast %mul3A_421 : i32 to index
      %swap3A_635 = tpu.vector_load %arg7[%swap3A_633, %swap3A_634] {strides = array<i32>} : memref<128x128xf32, #tpu.memory_space<vmem>>, vector<16xf32>,
      tpu.vector_store %arg7[%swap3A_633, %swap3A_634], %gather3A_631 {strides = array<i32>} : memref<128x128xf32, #tpu.memory_space<vmem>>, vector<16xf32>,
      %add3A_636 = arith.constant 27 : i32
      %add3A_637 = vector.broadcast %add3A_636 : i32 to vector<16xi32>
      %add3A_638 = arith.addi %mul3A_418, %add3A_637 : vector<16xi32>
      %gather3A_639 = tpu.vector_load_idx %arg6[%add3A_638] : memref<4096xf32, #tpu.memory_space<vmem>>[vector<16xi32>], vector<16xf32>,
      %swap3A_640 = arith.constant 107 : i32
      %swap3A_641 = arith.index_cast %swap3A_640 : i32 to index
      %swap3A_642 = arith.index_cast %mul3A_421 : i32 to index
      %swap3A_643 = tpu.vector_load %arg7[%swap3A_641, %swap3A_642] {strides = array<i32>} : memref<128x128xf32, #tpu.memory_space<vmem>>, vector<16xf32>,
      tpu.vector_store %arg7[%swap3A_641, %swap3A_642], %gather3A_639 {strides = array<i32>} : memref<128x128xf32, #tpu.memory_space<vmem>>, vector<16xf32>,
      %add3A_644 = arith.constant 28 : i32
      %add3A_645 = vector.broadcast %add3A_644 : i32 to vector<16xi32>
      %add3A_646 = arith.addi %mul3A_418, %add3A_645 : vector<16xi32>
      %gather3A_647 = tpu.vector_load_idx %arg6[%add3A_646] : memref<4096xf32, #tpu.memory_space<vmem>>[vector<16xi32>], vector<16xf32>,
      %swap3A_648 = arith.constant 108 : i32
      %swap3A_649 = arith.index_cast %swap3A_648 : i32 to index
      %swap3A_650 = arith.index_cast %mul3A_421 : i32 to index
      %swap3A_651 = tpu.vector_load %arg7[%swap3A_649, %swap3A_650] {strides = array<i32>} : memref<128x128xf32, #tpu.memory_space<vmem>>, vector<16xf32>,
      tpu.vector_store %arg7[%swap3A_649, %swap3A_650], %gather3A_647 {strides = array<i32>} : memref<128x128xf32, #tpu.memory_space<vmem>>, vector<16xf32>,
      %add3A_652 = arith.constant 29 : i32
      %add3A_653 = vector.broadcast %add3A_652 : i32 to vector<16xi32>
      %add3A_654 = arith.addi %mul3A_418, %add3A_653 : vector<16xi32>
      %gather3A_655 = tpu.vector_load_idx %arg6[%add3A_654] : memref<4096xf32, #tpu.memory_space<vmem>>[vector<16xi32>], vector<16xf32>,
      %swap3A_656 = arith.constant 109 : i32
      %swap3A_657 = arith.index_cast %swap3A_656 : i32 to index
      %swap3A_658 = arith.index_cast %mul3A_421 : i32 to index
      %swap3A_659 = tpu.vector_load %arg7[%swap3A_657, %swap3A_658] {strides = array<i32>} : memref<128x128xf32, #tpu.memory_space<vmem>>, vector<16xf32>,
      tpu.vector_store %arg7[%swap3A_657, %swap3A_658], %gather3A_655 {strides = array<i32>} : memref<128x128xf32, #tpu.memory_space<vmem>>, vector<16xf32>,
      %add3A_660 = arith.constant 30 : i32
      %add3A_661 = vector.broadcast %add3A_660 : i32 to vector<16xi32>
      %add3A_662 = arith.addi %mul3A_418, %add3A_661 : vector<16xi32>
      %gather3A_663 = tpu.vector_load_idx %arg6[%add3A_662] : memref<4096xf32, #tpu.memory_space<vmem>>[vector<16xi32>], vector<16xf32>,
      %swap3A_664 = arith.constant 110 : i32
      %swap3A_665 = arith.index_cast %swap3A_664 : i32 to index
      %swap3A_666 = arith.index_cast %mul3A_421 : i32 to index
      %swap3A_667 = tpu.vector_load %arg7[%swap3A_665, %swap3A_666] {strides = array<i32>} : memref<128x128xf32, #tpu.memory_space<vmem>>, vector<16xf32>,
      tpu.vector_store %arg7[%swap3A_665, %swap3A_666], %gather3A_663 {strides = array<i32>} : memref<128x128xf32, #tpu.memory_space<vmem>>, vector<16xf32>,
      %add3A_668 = arith.constant 31 : i32
      %add3A_669 = vector.broadcast %add3A_668 : i32 to vector<16xi32>
      %add3A_670 = arith.addi %mul3A_418, %add3A_669 : vector<16xi32>
      %gather3A_671 = tpu.vector_load_idx %arg6[%add3A_670] : memref<4096xf32, #tpu.memory_space<vmem>>[vector<16xi32>], vector<16xf32>,
      %swap3A_672 = arith.constant 111 : i32
      %swap3A_673 = arith.index_cast %swap3A_672 : i32 to index
      %swap3A_674 = arith.index_cast %mul3A_421 : i32 to index
      %swap3A_675 = tpu.vector_load %arg7[%swap3A_673, %swap3A_674] {strides = array<i32>} : memref<128x128xf32, #tpu.memory_space<vmem>>, vector<16xf32>,
      tpu.vector_store %arg7[%swap3A_673, %swap3A_674], %gather3A_671 {strides = array<i32>} : memref<128x128xf32, #tpu.memory_space<vmem>>, vector<16xf32>,
    }
    %scan3A_71 = arith.constant 8 : i32
    %mul3A_72 = arith.constant 512 : i32
    %mul3A_73 = arith.muli %add3A, %mul3A_72 : i32
    %add3A_74 = arith.constant 128 : i32
    %add3A_75 = arith.addi %mul3A_73, %add3A_74 : i32
    %dma_start3A_76 = arith.constant 8 : i32
    %dma_start3A_77 = arith.constant 0 : i32
    %dma_start3A_78 = tpu.memref_slice %arg7[%dma_start3A_76, %dma_start3A_77] : memref<128x128xf32, #tpu.memory_space<vmem>> -> memref<8x128xf32, #tpu.memory_space<vmem>>
    %dma_start3A_79 = arith.constant 0 : i32
    %dma_start3A_80 = tpu.memref_slice %arg4[%dma_start3A_79, %add3A_75] : memref<32x16384xf32, #tpu.memory_space<hbm>> -> memref<8x128xf32, #tpu.memory_space<hbm>>
    %dma_start3A_81 = arith.constant 0 : i32
    %dma_start3A_82 = tpu.memref_slice %arg4[%dma_start3A_81, %add3A_75] : memref<32x16384xf32, #tpu.memory_space<hbm>> -> memref<8x128xf32, #tpu.memory_space<hbm>>
    %dma_start3A_83 = arith.constant 8 : i32
    %dma_start3A_84 = arith.constant 0 : i32
    %dma_start3A_85 = tpu.memref_slice %arg7[%dma_start3A_83, %dma_start3A_84] : memref<128x128xf32, #tpu.memory_space<vmem>> -> memref<8x128xf32, #tpu.memory_space<vmem>>
    tpu.enqueue_dma source(%dma_start3A_85 : memref<8x128xf32, #tpu.memory_space<vmem>>) target(%dma_start3A_82 : memref<8x128xf32, #tpu.memory_space<hbm>>) target_semaphore(%arg8 : memref<!tpu.dma_semaphore, #tpu.memory_space<semaphore_mem>>)
    %mul3A_86 = arith.constant 512 : i32
    %mul3A_87 = arith.muli %add3A, %mul3A_86 : i32
    %add3A_88 = arith.constant 128 : i32
    %add3A_89 = arith.addi %mul3A_87, %add3A_88 : i32
    %dma_start3A_90 = arith.constant 40 : i32
    %dma_start3A_91 = arith.constant 0 : i32
    %dma_start3A_92 = tpu.memref_slice %arg7[%dma_start3A_90, %dma_start3A_91] : memref<128x128xf32, #tpu.memory_space<vmem>> -> memref<8x128xf32, #tpu.memory_space<vmem>>
    %dma_start3A_93 = arith.constant 8 : i32
    %dma_start3A_94 = tpu.memref_slice %arg4[%dma_start3A_93, %add3A_89] : memref<32x16384xf32, #tpu.memory_space<hbm>> -> memref<8x128xf32, #tpu.memory_space<hbm>>
    %dma_start3A_95 = arith.constant 8 : i32
    %dma_start3A_96 = tpu.memref_slice %arg4[%dma_start3A_95, %add3A_89] : memref<32x16384xf32, #tpu.memory_space<hbm>> -> memref<8x128xf32, #tpu.memory_space<hbm>>
    %dma_start3A_97 = arith.constant 40 : i32
    %dma_start3A_98 = arith.constant 0 : i32
    %dma_start3A_99 = tpu.memref_slice %arg7[%dma_start3A_97, %dma_start3A_98] : memref<128x128xf32, #tpu.memory_space<vmem>> -> memref<8x128xf32, #tpu.memory_space<vmem>>
    tpu.enqueue_dma source(%dma_start3A_99 : memref<8x128xf32, #tpu.memory_space<vmem>>) target(%dma_start3A_96 : memref<8x128xf32, #tpu.memory_space<hbm>>) target_semaphore(%arg8 : memref<!tpu.dma_semaphore, #tpu.memory_space<semaphore_mem>>)
    %mul3A_100 = arith.constant 512 : i32
    %mul3A_101 = arith.muli %add3A, %mul3A_100 : i32
    %add3A_102 = arith.constant 128 : i32
    %add3A_103 = arith.addi %mul3A_101, %add3A_102 : i32
    %dma_start3A_104 = arith.constant 72 : i32
    %dma_start3A_105 = arith.constant 0 : i32
    %dma_start3A_106 = tpu.memref_slice %arg7[%dma_start3A_104, %dma_start3A_105] : memref<128x128xf32, #tpu.memory_space<vmem>> -> memref<8x128xf32, #tpu.memory_space<vmem>>
    %dma_start3A_107 = arith.constant 16 : i32
    %dma_start3A_108 = tpu.memref_slice %arg4[%dma_start3A_107, %add3A_103] : memref<32x16384xf32, #tpu.memory_space<hbm>> -> memref<8x128xf32, #tpu.memory_space<hbm>>
    %dma_start3A_109 = arith.constant 16 : i32
    %dma_start3A_110 = tpu.memref_slice %arg4[%dma_start3A_109, %add3A_103] : memref<32x16384xf32, #tpu.memory_space<hbm>> -> memref<8x128xf32, #tpu.memory_space<hbm>>
    %dma_start3A_111 = arith.constant 72 : i32
    %dma_start3A_112 = arith.constant 0 : i32
    %dma_start3A_113 = tpu.memref_slice %arg7[%dma_start3A_111, %dma_start3A_112] : memref<128x128xf32, #tpu.memory_space<vmem>> -> memref<8x128xf32, #tpu.memory_space<vmem>>
    tpu.enqueue_dma source(%dma_start3A_113 : memref<8x128xf32, #tpu.memory_space<vmem>>) target(%dma_start3A_110 : memref<8x128xf32, #tpu.memory_space<hbm>>) target_semaphore(%arg8 : memref<!tpu.dma_semaphore, #tpu.memory_space<semaphore_mem>>)
    %mul3A_114 = arith.constant 512 : i32
    %mul3A_115 = arith.muli %add3A, %mul3A_114 : i32
    %add3A_116 = arith.constant 128 : i32
    %add3A_117 = arith.addi %mul3A_115, %add3A_116 : i32
    %dma_start3A_118 = arith.constant 104 : i32
    %dma_start3A_119 = arith.constant 0 : i32
    %dma_start3A_120 = tpu.memref_slice %arg7[%dma_start3A_118, %dma_start3A_119] : memref<128x128xf32, #tpu.memory_space<vmem>> -> memref<8x128xf32, #tpu.memory_space<vmem>>
    %dma_start3A_121 = arith.constant 24 : i32
    %dma_start3A_122 = tpu.memref_slice %arg4[%dma_start3A_121, %add3A_117] : memref<32x16384xf32, #tpu.memory_space<hbm>> -> memref<8x128xf32, #tpu.memory_space<hbm>>
    %dma_start3A_123 = arith.constant 24 : i32
    %dma_start3A_124 = tpu.memref_slice %arg4[%dma_start3A_123, %add3A_117] : memref<32x16384xf32, #tpu.memory_space<hbm>> -> memref<8x128xf32, #tpu.memory_space<hbm>>
    %dma_start3A_125 = arith.constant 104 : i32
    %dma_start3A_126 = arith.constant 0 : i32
    %dma_start3A_127 = tpu.memref_slice %arg7[%dma_start3A_125, %dma_start3A_126] : memref<128x128xf32, #tpu.memory_space<vmem>> -> memref<8x128xf32, #tpu.memory_space<vmem>>
    tpu.enqueue_dma source(%dma_start3A_127 : memref<8x128xf32, #tpu.memory_space<vmem>>) target(%dma_start3A_124 : memref<8x128xf32, #tpu.memory_space<hbm>>) target_semaphore(%arg8 : memref<!tpu.dma_semaphore, #tpu.memory_space<semaphore_mem>>)
    %scan3A_128 = arith.constant 0 : i32
    %scan3A_129 = arith.constant 16 : i32
    %scan3A_130 = arith.constant 8 : i32
    %scan3A_131 = arith.addi %scan3A_129, %scan3A_130 : i32
    %scan3A_132 = arith.constant 1 : i32
    scf.for %scan3A_412 = %scan3A_129 to %scan3A_131 step %scan3A_132  : i32 {
      %mul3A_413 = arith.constant 16 : i32
      %mul3A_414 = arith.muli %scan3A_412, %mul3A_413 : i32
      %get3A = arith.index_cast %mul3A_414 : i32 to index
      %get3A_415 = tpu.vector_load %arg5[%get3A] {strides = array<i32>} : memref<512xi32, #tpu.memory_space<vmem>>, vector<16xi32>,
      %mul3A_416 = arith.constant 32 : i32
      %mul3A_417 = vector.broadcast %mul3A_416 : i32 to vector<16xi32>
      %mul3A_418 = arith.muli %get3A_415, %mul3A_417 : vector<16xi32>
      %sub3A = arith.constant 16 : i32
      %sub3A_419 = arith.subi %scan3A_412, %sub3A : i32
      %mul3A_420 = arith.constant 16 : i32
      %mul3A_421 = arith.muli %sub3A_419, %mul3A_420 : i32
      %add3A_422 = arith.constant 0 : i32
      %add3A_423 = vector.broadcast %add3A_422 : i32 to vector<16xi32>
      %add3A_424 = arith.addi %mul3A_418, %add3A_423 : vector<16xi32>
      %gather3A = tpu.vector_load_idx %arg6[%add3A_424] : memref<4096xf32, #tpu.memory_space<vmem>>[vector<16xi32>], vector<16xf32>,
      %swap3A = arith.constant 16 : i32
      %swap3A_425 = arith.index_cast %swap3A : i32 to index
      %swap3A_426 = arith.index_cast %mul3A_421 : i32 to index
      %swap3A_427 = tpu.vector_load %arg7[%swap3A_425, %swap3A_426] {strides = array<i32>} : memref<128x128xf32, #tpu.memory_space<vmem>>, vector<16xf32>,
      tpu.vector_store %arg7[%swap3A_425, %swap3A_426], %gather3A {strides = array<i32>} : memref<128x128xf32, #tpu.memory_space<vmem>>, vector<16xf32>,
      %add3A_428 = arith.constant 1 : i32
      %add3A_429 = vector.broadcast %add3A_428 : i32 to vector<16xi32>
      %add3A_430 = arith.addi %mul3A_418, %add3A_429 : vector<16xi32>
      %gather3A_431 = tpu.vector_load_idx %arg6[%add3A_430] : memref<4096xf32, #tpu.memory_space<vmem>>[vector<16xi32>], vector<16xf32>,
      %swap3A_432 = arith.constant 17 : i32
      %swap3A_433 = arith.index_cast %swap3A_432 : i32 to index
      %swap3A_434 = arith.index_cast %mul3A_421 : i32 to index
      %swap3A_435 = tpu.vector_load %arg7[%swap3A_433, %swap3A_434] {strides = array<i32>} : memref<128x128xf32, #tpu.memory_space<vmem>>, vector<16xf32>,
      tpu.vector_store %arg7[%swap3A_433, %swap3A_434], %gather3A_431 {strides = array<i32>} : memref<128x128xf32, #tpu.memory_space<vmem>>, vector<16xf32>,
      %add3A_436 = arith.constant 2 : i32
      %add3A_437 = vector.broadcast %add3A_436 : i32 to vector<16xi32>
      %add3A_438 = arith.addi %mul3A_418, %add3A_437 : vector<16xi32>
      %gather3A_439 = tpu.vector_load_idx %arg6[%add3A_438] : memref<4096xf32, #tpu.memory_space<vmem>>[vector<16xi32>], vector<16xf32>,
      %swap3A_440 = arith.constant 18 : i32
      %swap3A_441 = arith.index_cast %swap3A_440 : i32 to index
      %swap3A_442 = arith.index_cast %mul3A_421 : i32 to index
      %swap3A_443 = tpu.vector_load %arg7[%swap3A_441, %swap3A_442] {strides = array<i32>} : memref<128x128xf32, #tpu.memory_space<vmem>>, vector<16xf32>,
      tpu.vector_store %arg7[%swap3A_441, %swap3A_442], %gather3A_439 {strides = array<i32>} : memref<128x128xf32, #tpu.memory_space<vmem>>, vector<16xf32>,
      %add3A_444 = arith.constant 3 : i32
      %add3A_445 = vector.broadcast %add3A_444 : i32 to vector<16xi32>
      %add3A_446 = arith.addi %mul3A_418, %add3A_445 : vector<16xi32>
      %gather3A_447 = tpu.vector_load_idx %arg6[%add3A_446] : memref<4096xf32, #tpu.memory_space<vmem>>[vector<16xi32>], vector<16xf32>,
      %swap3A_448 = arith.constant 19 : i32
      %swap3A_449 = arith.index_cast %swap3A_448 : i32 to index
      %swap3A_450 = arith.index_cast %mul3A_421 : i32 to index
      %swap3A_451 = tpu.vector_load %arg7[%swap3A_449, %swap3A_450] {strides = array<i32>} : memref<128x128xf32, #tpu.memory_space<vmem>>, vector<16xf32>,
      tpu.vector_store %arg7[%swap3A_449, %swap3A_450], %gather3A_447 {strides = array<i32>} : memref<128x128xf32, #tpu.memory_space<vmem>>, vector<16xf32>,
      %add3A_452 = arith.constant 4 : i32
      %add3A_453 = vector.broadcast %add3A_452 : i32 to vector<16xi32>
      %add3A_454 = arith.addi %mul3A_418, %add3A_453 : vector<16xi32>
      %gather3A_455 = tpu.vector_load_idx %arg6[%add3A_454] : memref<4096xf32, #tpu.memory_space<vmem>>[vector<16xi32>], vector<16xf32>,
      %swap3A_456 = arith.constant 20 : i32
      %swap3A_457 = arith.index_cast %swap3A_456 : i32 to index
      %swap3A_458 = arith.index_cast %mul3A_421 : i32 to index
      %swap3A_459 = tpu.vector_load %arg7[%swap3A_457, %swap3A_458] {strides = array<i32>} : memref<128x128xf32, #tpu.memory_space<vmem>>, vector<16xf32>,
      tpu.vector_store %arg7[%swap3A_457, %swap3A_458], %gather3A_455 {strides = array<i32>} : memref<128x128xf32, #tpu.memory_space<vmem>>, vector<16xf32>,
      %add3A_460 = arith.constant 5 : i32
      %add3A_461 = vector.broadcast %add3A_460 : i32 to vector<16xi32>
      %add3A_462 = arith.addi %mul3A_418, %add3A_461 : vector<16xi32>
      %gather3A_463 = tpu.vector_load_idx %arg6[%add3A_462] : memref<4096xf32, #tpu.memory_space<vmem>>[vector<16xi32>], vector<16xf32>,
      %swap3A_464 = arith.constant 21 : i32
      %swap3A_465 = arith.index_cast %swap3A_464 : i32 to index
      %swap3A_466 = arith.index_cast %mul3A_421 : i32 to index
      %swap3A_467 = tpu.vector_load %arg7[%swap3A_465, %swap3A_466] {strides = array<i32>} : memref<128x128xf32, #tpu.memory_space<vmem>>, vector<16xf32>,
      tpu.vector_store %arg7[%swap3A_465, %swap3A_466], %gather3A_463 {strides = array<i32>} : memref<128x128xf32, #tpu.memory_space<vmem>>, vector<16xf32>,
      %add3A_468 = arith.constant 6 : i32
      %add3A_469 = vector.broadcast %add3A_468 : i32 to vector<16xi32>
      %add3A_470 = arith.addi %mul3A_418, %add3A_469 : vector<16xi32>
      %gather3A_471 = tpu.vector_load_idx %arg6[%add3A_470] : memref<4096xf32, #tpu.memory_space<vmem>>[vector<16xi32>], vector<16xf32>,
      %swap3A_472 = arith.constant 22 : i32
      %swap3A_473 = arith.index_cast %swap3A_472 : i32 to index
      %swap3A_474 = arith.index_cast %mul3A_421 : i32 to index
      %swap3A_475 = tpu.vector_load %arg7[%swap3A_473, %swap3A_474] {strides = array<i32>} : memref<128x128xf32, #tpu.memory_space<vmem>>, vector<16xf32>,
      tpu.vector_store %arg7[%swap3A_473, %swap3A_474], %gather3A_471 {strides = array<i32>} : memref<128x128xf32, #tpu.memory_space<vmem>>, vector<16xf32>,
      %add3A_476 = arith.constant 7 : i32
      %add3A_477 = vector.broadcast %add3A_476 : i32 to vector<16xi32>
      %add3A_478 = arith.addi %mul3A_418, %add3A_477 : vector<16xi32>
      %gather3A_479 = tpu.vector_load_idx %arg6[%add3A_478] : memref<4096xf32, #tpu.memory_space<vmem>>[vector<16xi32>], vector<16xf32>,
      %swap3A_480 = arith.constant 23 : i32
      %swap3A_481 = arith.index_cast %swap3A_480 : i32 to index
      %swap3A_482 = arith.index_cast %mul3A_421 : i32 to index
      %swap3A_483 = tpu.vector_load %arg7[%swap3A_481, %swap3A_482] {strides = array<i32>} : memref<128x128xf32, #tpu.memory_space<vmem>>, vector<16xf32>,
      tpu.vector_store %arg7[%swap3A_481, %swap3A_482], %gather3A_479 {strides = array<i32>} : memref<128x128xf32, #tpu.memory_space<vmem>>, vector<16xf32>,
      %add3A_484 = arith.constant 8 : i32
      %add3A_485 = vector.broadcast %add3A_484 : i32 to vector<16xi32>
      %add3A_486 = arith.addi %mul3A_418, %add3A_485 : vector<16xi32>
      %gather3A_487 = tpu.vector_load_idx %arg6[%add3A_486] : memref<4096xf32, #tpu.memory_space<vmem>>[vector<16xi32>], vector<16xf32>,
      %swap3A_488 = arith.constant 48 : i32
      %swap3A_489 = arith.index_cast %swap3A_488 : i32 to index
      %swap3A_490 = arith.index_cast %mul3A_421 : i32 to index
      %swap3A_491 = tpu.vector_load %arg7[%swap3A_489, %swap3A_490] {strides = array<i32>} : memref<128x128xf32, #tpu.memory_space<vmem>>, vector<16xf32>,
      tpu.vector_store %arg7[%swap3A_489, %swap3A_490], %gather3A_487 {strides = array<i32>} : memref<128x128xf32, #tpu.memory_space<vmem>>, vector<16xf32>,
      %add3A_492 = arith.constant 9 : i32
      %add3A_493 = vector.broadcast %add3A_492 : i32 to vector<16xi32>
      %add3A_494 = arith.addi %mul3A_418, %add3A_493 : vector<16xi32>
      %gather3A_495 = tpu.vector_load_idx %arg6[%add3A_494] : memref<4096xf32, #tpu.memory_space<vmem>>[vector<16xi32>], vector<16xf32>,
      %swap3A_496 = arith.constant 49 : i32
      %swap3A_497 = arith.index_cast %swap3A_496 : i32 to index
      %swap3A_498 = arith.index_cast %mul3A_421 : i32 to index
      %swap3A_499 = tpu.vector_load %arg7[%swap3A_497, %swap3A_498] {strides = array<i32>} : memref<128x128xf32, #tpu.memory_space<vmem>>, vector<16xf32>,
      tpu.vector_store %arg7[%swap3A_497, %swap3A_498], %gather3A_495 {strides = array<i32>} : memref<128x128xf32, #tpu.memory_space<vmem>>, vector<16xf32>,
      %add3A_500 = arith.constant 10 : i32
      %add3A_501 = vector.broadcast %add3A_500 : i32 to vector<16xi32>
      %add3A_502 = arith.addi %mul3A_418, %add3A_501 : vector<16xi32>
      %gather3A_503 = tpu.vector_load_idx %arg6[%add3A_502] : memref<4096xf32, #tpu.memory_space<vmem>>[vector<16xi32>], vector<16xf32>,
      %swap3A_504 = arith.constant 50 : i32
      %swap3A_505 = arith.index_cast %swap3A_504 : i32 to index
      %swap3A_506 = arith.index_cast %mul3A_421 : i32 to index
      %swap3A_507 = tpu.vector_load %arg7[%swap3A_505, %swap3A_506] {strides = array<i32>} : memref<128x128xf32, #tpu.memory_space<vmem>>, vector<16xf32>,
      tpu.vector_store %arg7[%swap3A_505, %swap3A_506], %gather3A_503 {strides = array<i32>} : memref<128x128xf32, #tpu.memory_space<vmem>>, vector<16xf32>,
      %add3A_508 = arith.constant 11 : i32
      %add3A_509 = vector.broadcast %add3A_508 : i32 to vector<16xi32>
      %add3A_510 = arith.addi %mul3A_418, %add3A_509 : vector<16xi32>
      %gather3A_511 = tpu.vector_load_idx %arg6[%add3A_510] : memref<4096xf32, #tpu.memory_space<vmem>>[vector<16xi32>], vector<16xf32>,
      %swap3A_512 = arith.constant 51 : i32
      %swap3A_513 = arith.index_cast %swap3A_512 : i32 to index
      %swap3A_514 = arith.index_cast %mul3A_421 : i32 to index
      %swap3A_515 = tpu.vector_load %arg7[%swap3A_513, %swap3A_514] {strides = array<i32>} : memref<128x128xf32, #tpu.memory_space<vmem>>, vector<16xf32>,
      tpu.vector_store %arg7[%swap3A_513, %swap3A_514], %gather3A_511 {strides = array<i32>} : memref<128x128xf32, #tpu.memory_space<vmem>>, vector<16xf32>,
      %add3A_516 = arith.constant 12 : i32
      %add3A_517 = vector.broadcast %add3A_516 : i32 to vector<16xi32>
      %add3A_518 = arith.addi %mul3A_418, %add3A_517 : vector<16xi32>
      %gather3A_519 = tpu.vector_load_idx %arg6[%add3A_518] : memref<4096xf32, #tpu.memory_space<vmem>>[vector<16xi32>], vector<16xf32>,
      %swap3A_520 = arith.constant 52 : i32
      %swap3A_521 = arith.index_cast %swap3A_520 : i32 to index
      %swap3A_522 = arith.index_cast %mul3A_421 : i32 to index
      %swap3A_523 = tpu.vector_load %arg7[%swap3A_521, %swap3A_522] {strides = array<i32>} : memref<128x128xf32, #tpu.memory_space<vmem>>, vector<16xf32>,
      tpu.vector_store %arg7[%swap3A_521, %swap3A_522], %gather3A_519 {strides = array<i32>} : memref<128x128xf32, #tpu.memory_space<vmem>>, vector<16xf32>,
      %add3A_524 = arith.constant 13 : i32
      %add3A_525 = vector.broadcast %add3A_524 : i32 to vector<16xi32>
      %add3A_526 = arith.addi %mul3A_418, %add3A_525 : vector<16xi32>
      %gather3A_527 = tpu.vector_load_idx %arg6[%add3A_526] : memref<4096xf32, #tpu.memory_space<vmem>>[vector<16xi32>], vector<16xf32>,
      %swap3A_528 = arith.constant 53 : i32
      %swap3A_529 = arith.index_cast %swap3A_528 : i32 to index
      %swap3A_530 = arith.index_cast %mul3A_421 : i32 to index
      %swap3A_531 = tpu.vector_load %arg7[%swap3A_529, %swap3A_530] {strides = array<i32>} : memref<128x128xf32, #tpu.memory_space<vmem>>, vector<16xf32>,
      tpu.vector_store %arg7[%swap3A_529, %swap3A_530], %gather3A_527 {strides = array<i32>} : memref<128x128xf32, #tpu.memory_space<vmem>>, vector<16xf32>,
      %add3A_532 = arith.constant 14 : i32
      %add3A_533 = vector.broadcast %add3A_532 : i32 to vector<16xi32>
      %add3A_534 = arith.addi %mul3A_418, %add3A_533 : vector<16xi32>
      %gather3A_535 = tpu.vector_load_idx %arg6[%add3A_534] : memref<4096xf32, #tpu.memory_space<vmem>>[vector<16xi32>], vector<16xf32>,
      %swap3A_536 = arith.constant 54 : i32
      %swap3A_537 = arith.index_cast %swap3A_536 : i32 to index
      %swap3A_538 = arith.index_cast %mul3A_421 : i32 to index
      %swap3A_539 = tpu.vector_load %arg7[%swap3A_537, %swap3A_538] {strides = array<i32>} : memref<128x128xf32, #tpu.memory_space<vmem>>, vector<16xf32>,
      tpu.vector_store %arg7[%swap3A_537, %swap3A_538], %gather3A_535 {strides = array<i32>} : memref<128x128xf32, #tpu.memory_space<vmem>>, vector<16xf32>,
      %add3A_540 = arith.constant 15 : i32
      %add3A_541 = vector.broadcast %add3A_540 : i32 to vector<16xi32>
      %add3A_542 = arith.addi %mul3A_418, %add3A_541 : vector<16xi32>
      %gather3A_543 = tpu.vector_load_idx %arg6[%add3A_542] : memref<4096xf32, #tpu.memory_space<vmem>>[vector<16xi32>], vector<16xf32>,
      %swap3A_544 = arith.constant 55 : i32
      %swap3A_545 = arith.index_cast %swap3A_544 : i32 to index
      %swap3A_546 = arith.index_cast %mul3A_421 : i32 to index
      %swap3A_547 = tpu.vector_load %arg7[%swap3A_545, %swap3A_546] {strides = array<i32>} : memref<128x128xf32, #tpu.memory_space<vmem>>, vector<16xf32>,
      tpu.vector_store %arg7[%swap3A_545, %swap3A_546], %gather3A_543 {strides = array<i32>} : memref<128x128xf32, #tpu.memory_space<vmem>>, vector<16xf32>,
      %add3A_548 = arith.constant 16 : i32
      %add3A_549 = vector.broadcast %add3A_548 : i32 to vector<16xi32>
      %add3A_550 = arith.addi %mul3A_418, %add3A_549 : vector<16xi32>
      %gather3A_551 = tpu.vector_load_idx %arg6[%add3A_550] : memref<4096xf32, #tpu.memory_space<vmem>>[vector<16xi32>], vector<16xf32>,
      %swap3A_552 = arith.constant 80 : i32
      %swap3A_553 = arith.index_cast %swap3A_552 : i32 to index
      %swap3A_554 = arith.index_cast %mul3A_421 : i32 to index
      %swap3A_555 = tpu.vector_load %arg7[%swap3A_553, %swap3A_554] {strides = array<i32>} : memref<128x128xf32, #tpu.memory_space<vmem>>, vector<16xf32>,
      tpu.vector_store %arg7[%swap3A_553, %swap3A_554], %gather3A_551 {strides = array<i32>} : memref<128x128xf32, #tpu.memory_space<vmem>>, vector<16xf32>,
      %add3A_556 = arith.constant 17 : i32
      %add3A_557 = vector.broadcast %add3A_556 : i32 to vector<16xi32>
      %add3A_558 = arith.addi %mul3A_418, %add3A_557 : vector<16xi32>
      %gather3A_559 = tpu.vector_load_idx %arg6[%add3A_558] : memref<4096xf32, #tpu.memory_space<vmem>>[vector<16xi32>], vector<16xf32>,
      %swap3A_560 = arith.constant 81 : i32
      %swap3A_561 = arith.index_cast %swap3A_560 : i32 to index
      %swap3A_562 = arith.index_cast %mul3A_421 : i32 to index
      %swap3A_563 = tpu.vector_load %arg7[%swap3A_561, %swap3A_562] {strides = array<i32>} : memref<128x128xf32, #tpu.memory_space<vmem>>, vector<16xf32>,
      tpu.vector_store %arg7[%swap3A_561, %swap3A_562], %gather3A_559 {strides = array<i32>} : memref<128x128xf32, #tpu.memory_space<vmem>>, vector<16xf32>,
      %add3A_564 = arith.constant 18 : i32
      %add3A_565 = vector.broadcast %add3A_564 : i32 to vector<16xi32>
      %add3A_566 = arith.addi %mul3A_418, %add3A_565 : vector<16xi32>
      %gather3A_567 = tpu.vector_load_idx %arg6[%add3A_566] : memref<4096xf32, #tpu.memory_space<vmem>>[vector<16xi32>], vector<16xf32>,
      %swap3A_568 = arith.constant 82 : i32
      %swap3A_569 = arith.index_cast %swap3A_568 : i32 to index
      %swap3A_570 = arith.index_cast %mul3A_421 : i32 to index
      %swap3A_571 = tpu.vector_load %arg7[%swap3A_569, %swap3A_570] {strides = array<i32>} : memref<128x128xf32, #tpu.memory_space<vmem>>, vector<16xf32>,
      tpu.vector_store %arg7[%swap3A_569, %swap3A_570], %gather3A_567 {strides = array<i32>} : memref<128x128xf32, #tpu.memory_space<vmem>>, vector<16xf32>,
      %add3A_572 = arith.constant 19 : i32
      %add3A_573 = vector.broadcast %add3A_572 : i32 to vector<16xi32>
      %add3A_574 = arith.addi %mul3A_418, %add3A_573 : vector<16xi32>
      %gather3A_575 = tpu.vector_load_idx %arg6[%add3A_574] : memref<4096xf32, #tpu.memory_space<vmem>>[vector<16xi32>], vector<16xf32>,
      %swap3A_576 = arith.constant 83 : i32
      %swap3A_577 = arith.index_cast %swap3A_576 : i32 to index
      %swap3A_578 = arith.index_cast %mul3A_421 : i32 to index
      %swap3A_579 = tpu.vector_load %arg7[%swap3A_577, %swap3A_578] {strides = array<i32>} : memref<128x128xf32, #tpu.memory_space<vmem>>, vector<16xf32>,
      tpu.vector_store %arg7[%swap3A_577, %swap3A_578], %gather3A_575 {strides = array<i32>} : memref<128x128xf32, #tpu.memory_space<vmem>>, vector<16xf32>,
      %add3A_580 = arith.constant 20 : i32
      %add3A_581 = vector.broadcast %add3A_580 : i32 to vector<16xi32>
      %add3A_582 = arith.addi %mul3A_418, %add3A_581 : vector<16xi32>
      %gather3A_583 = tpu.vector_load_idx %arg6[%add3A_582] : memref<4096xf32, #tpu.memory_space<vmem>>[vector<16xi32>], vector<16xf32>,
      %swap3A_584 = arith.constant 84 : i32
      %swap3A_585 = arith.index_cast %swap3A_584 : i32 to index
      %swap3A_586 = arith.index_cast %mul3A_421 : i32 to index
      %swap3A_587 = tpu.vector_load %arg7[%swap3A_585, %swap3A_586] {strides = array<i32>} : memref<128x128xf32, #tpu.memory_space<vmem>>, vector<16xf32>,
      tpu.vector_store %arg7[%swap3A_585, %swap3A_586], %gather3A_583 {strides = array<i32>} : memref<128x128xf32, #tpu.memory_space<vmem>>, vector<16xf32>,
      %add3A_588 = arith.constant 21 : i32
      %add3A_589 = vector.broadcast %add3A_588 : i32 to vector<16xi32>
      %add3A_590 = arith.addi %mul3A_418, %add3A_589 : vector<16xi32>
      %gather3A_591 = tpu.vector_load_idx %arg6[%add3A_590] : memref<4096xf32, #tpu.memory_space<vmem>>[vector<16xi32>], vector<16xf32>,
      %swap3A_592 = arith.constant 85 : i32
      %swap3A_593 = arith.index_cast %swap3A_592 : i32 to index
      %swap3A_594 = arith.index_cast %mul3A_421 : i32 to index
      %swap3A_595 = tpu.vector_load %arg7[%swap3A_593, %swap3A_594] {strides = array<i32>} : memref<128x128xf32, #tpu.memory_space<vmem>>, vector<16xf32>,
      tpu.vector_store %arg7[%swap3A_593, %swap3A_594], %gather3A_591 {strides = array<i32>} : memref<128x128xf32, #tpu.memory_space<vmem>>, vector<16xf32>,
      %add3A_596 = arith.constant 22 : i32
      %add3A_597 = vector.broadcast %add3A_596 : i32 to vector<16xi32>
      %add3A_598 = arith.addi %mul3A_418, %add3A_597 : vector<16xi32>
      %gather3A_599 = tpu.vector_load_idx %arg6[%add3A_598] : memref<4096xf32, #tpu.memory_space<vmem>>[vector<16xi32>], vector<16xf32>,
      %swap3A_600 = arith.constant 86 : i32
      %swap3A_601 = arith.index_cast %swap3A_600 : i32 to index
      %swap3A_602 = arith.index_cast %mul3A_421 : i32 to index
      %swap3A_603 = tpu.vector_load %arg7[%swap3A_601, %swap3A_602] {strides = array<i32>} : memref<128x128xf32, #tpu.memory_space<vmem>>, vector<16xf32>,
      tpu.vector_store %arg7[%swap3A_601, %swap3A_602], %gather3A_599 {strides = array<i32>} : memref<128x128xf32, #tpu.memory_space<vmem>>, vector<16xf32>,
      %add3A_604 = arith.constant 23 : i32
      %add3A_605 = vector.broadcast %add3A_604 : i32 to vector<16xi32>
      %add3A_606 = arith.addi %mul3A_418, %add3A_605 : vector<16xi32>
      %gather3A_607 = tpu.vector_load_idx %arg6[%add3A_606] : memref<4096xf32, #tpu.memory_space<vmem>>[vector<16xi32>], vector<16xf32>,
      %swap3A_608 = arith.constant 87 : i32
      %swap3A_609 = arith.index_cast %swap3A_608 : i32 to index
      %swap3A_610 = arith.index_cast %mul3A_421 : i32 to index
      %swap3A_611 = tpu.vector_load %arg7[%swap3A_609, %swap3A_610] {strides = array<i32>} : memref<128x128xf32, #tpu.memory_space<vmem>>, vector<16xf32>,
      tpu.vector_store %arg7[%swap3A_609, %swap3A_610], %gather3A_607 {strides = array<i32>} : memref<128x128xf32, #tpu.memory_space<vmem>>, vector<16xf32>,
      %add3A_612 = arith.constant 24 : i32
      %add3A_613 = vector.broadcast %add3A_612 : i32 to vector<16xi32>
      %add3A_614 = arith.addi %mul3A_418, %add3A_613 : vector<16xi32>
      %gather3A_615 = tpu.vector_load_idx %arg6[%add3A_614] : memref<4096xf32, #tpu.memory_space<vmem>>[vector<16xi32>], vector<16xf32>,
      %swap3A_616 = arith.constant 112 : i32
      %swap3A_617 = arith.index_cast %swap3A_616 : i32 to index
      %swap3A_618 = arith.index_cast %mul3A_421 : i32 to index
      %swap3A_619 = tpu.vector_load %arg7[%swap3A_617, %swap3A_618] {strides = array<i32>} : memref<128x128xf32, #tpu.memory_space<vmem>>, vector<16xf32>,
      tpu.vector_store %arg7[%swap3A_617, %swap3A_618], %gather3A_615 {strides = array<i32>} : memref<128x128xf32, #tpu.memory_space<vmem>>, vector<16xf32>,
      %add3A_620 = arith.constant 25 : i32
      %add3A_621 = vector.broadcast %add3A_620 : i32 to vector<16xi32>
      %add3A_622 = arith.addi %mul3A_418, %add3A_621 : vector<16xi32>
      %gather3A_623 = tpu.vector_load_idx %arg6[%add3A_622] : memref<4096xf32, #tpu.memory_space<vmem>>[vector<16xi32>], vector<16xf32>,
      %swap3A_624 = arith.constant 113 : i32
      %swap3A_625 = arith.index_cast %swap3A_624 : i32 to index
      %swap3A_626 = arith.index_cast %mul3A_421 : i32 to index
      %swap3A_627 = tpu.vector_load %arg7[%swap3A_625, %swap3A_626] {strides = array<i32>} : memref<128x128xf32, #tpu.memory_space<vmem>>, vector<16xf32>,
      tpu.vector_store %arg7[%swap3A_625, %swap3A_626], %gather3A_623 {strides = array<i32>} : memref<128x128xf32, #tpu.memory_space<vmem>>, vector<16xf32>,
      %add3A_628 = arith.constant 26 : i32
      %add3A_629 = vector.broadcast %add3A_628 : i32 to vector<16xi32>
      %add3A_630 = arith.addi %mul3A_418, %add3A_629 : vector<16xi32>
      %gather3A_631 = tpu.vector_load_idx %arg6[%add3A_630] : memref<4096xf32, #tpu.memory_space<vmem>>[vector<16xi32>], vector<16xf32>,
      %swap3A_632 = arith.constant 114 : i32
      %swap3A_633 = arith.index_cast %swap3A_632 : i32 to index
      %swap3A_634 = arith.index_cast %mul3A_421 : i32 to index
      %swap3A_635 = tpu.vector_load %arg7[%swap3A_633, %swap3A_634] {strides = array<i32>} : memref<128x128xf32, #tpu.memory_space<vmem>>, vector<16xf32>,
      tpu.vector_store %arg7[%swap3A_633, %swap3A_634], %gather3A_631 {strides = array<i32>} : memref<128x128xf32, #tpu.memory_space<vmem>>, vector<16xf32>,
      %add3A_636 = arith.constant 27 : i32
      %add3A_637 = vector.broadcast %add3A_636 : i32 to vector<16xi32>
      %add3A_638 = arith.addi %mul3A_418, %add3A_637 : vector<16xi32>
      %gather3A_639 = tpu.vector_load_idx %arg6[%add3A_638] : memref<4096xf32, #tpu.memory_space<vmem>>[vector<16xi32>], vector<16xf32>,
      %swap3A_640 = arith.constant 115 : i32
      %swap3A_641 = arith.index_cast %swap3A_640 : i32 to index
      %swap3A_642 = arith.index_cast %mul3A_421 : i32 to index
      %swap3A_643 = tpu.vector_load %arg7[%swap3A_641, %swap3A_642] {strides = array<i32>} : memref<128x128xf32, #tpu.memory_space<vmem>>, vector<16xf32>,
      tpu.vector_store %arg7[%swap3A_641, %swap3A_642], %gather3A_639 {strides = array<i32>} : memref<128x128xf32, #tpu.memory_space<vmem>>, vector<16xf32>,
      %add3A_644 = arith.constant 28 : i32
      %add3A_645 = vector.broadcast %add3A_644 : i32 to vector<16xi32>
      %add3A_646 = arith.addi %mul3A_418, %add3A_645 : vector<16xi32>
      %gather3A_647 = tpu.vector_load_idx %arg6[%add3A_646] : memref<4096xf32, #tpu.memory_space<vmem>>[vector<16xi32>], vector<16xf32>,
      %swap3A_648 = arith.constant 116 : i32
      %swap3A_649 = arith.index_cast %swap3A_648 : i32 to index
      %swap3A_650 = arith.index_cast %mul3A_421 : i32 to index
      %swap3A_651 = tpu.vector_load %arg7[%swap3A_649, %swap3A_650] {strides = array<i32>} : memref<128x128xf32, #tpu.memory_space<vmem>>, vector<16xf32>,
      tpu.vector_store %arg7[%swap3A_649, %swap3A_650], %gather3A_647 {strides = array<i32>} : memref<128x128xf32, #tpu.memory_space<vmem>>, vector<16xf32>,
      %add3A_652 = arith.constant 29 : i32
      %add3A_653 = vector.broadcast %add3A_652 : i32 to vector<16xi32>
      %add3A_654 = arith.addi %mul3A_418, %add3A_653 : vector<16xi32>
      %gather3A_655 = tpu.vector_load_idx %arg6[%add3A_654] : memref<4096xf32, #tpu.memory_space<vmem>>[vector<16xi32>], vector<16xf32>,
      %swap3A_656 = arith.constant 117 : i32
      %swap3A_657 = arith.index_cast %swap3A_656 : i32 to index
      %swap3A_658 = arith.index_cast %mul3A_421 : i32 to index
      %swap3A_659 = tpu.vector_load %arg7[%swap3A_657, %swap3A_658] {strides = array<i32>} : memref<128x128xf32, #tpu.memory_space<vmem>>, vector<16xf32>,
      tpu.vector_store %arg7[%swap3A_657, %swap3A_658], %gather3A_655 {strides = array<i32>} : memref<128x128xf32, #tpu.memory_space<vmem>>, vector<16xf32>,
      %add3A_660 = arith.constant 30 : i32
      %add3A_661 = vector.broadcast %add3A_660 : i32 to vector<16xi32>
      %add3A_662 = arith.addi %mul3A_418, %add3A_661 : vector<16xi32>
      %gather3A_663 = tpu.vector_load_idx %arg6[%add3A_662] : memref<4096xf32, #tpu.memory_space<vmem>>[vector<16xi32>], vector<16xf32>,
      %swap3A_664 = arith.constant 118 : i32
      %swap3A_665 = arith.index_cast %swap3A_664 : i32 to index
      %swap3A_666 = arith.index_cast %mul3A_421 : i32 to index
      %swap3A_667 = tpu.vector_load %arg7[%swap3A_665, %swap3A_666] {strides = array<i32>} : memref<128x128xf32, #tpu.memory_space<vmem>>, vector<16xf32>,
      tpu.vector_store %arg7[%swap3A_665, %swap3A_666], %gather3A_663 {strides = array<i32>} : memref<128x128xf32, #tpu.memory_space<vmem>>, vector<16xf32>,
      %add3A_668 = arith.constant 31 : i32
      %add3A_669 = vector.broadcast %add3A_668 : i32 to vector<16xi32>
      %add3A_670 = arith.addi %mul3A_418, %add3A_669 : vector<16xi32>
      %gather3A_671 = tpu.vector_load_idx %arg6[%add3A_670] : memref<4096xf32, #tpu.memory_space<vmem>>[vector<16xi32>], vector<16xf32>,
      %swap3A_672 = arith.constant 119 : i32
      %swap3A_673 = arith.index_cast %swap3A_672 : i32 to index
      %swap3A_674 = arith.index_cast %mul3A_421 : i32 to index
      %swap3A_675 = tpu.vector_load %arg7[%swap3A_673, %swap3A_674] {strides = array<i32>} : memref<128x128xf32, #tpu.memory_space<vmem>>, vector<16xf32>,
      tpu.vector_store %arg7[%swap3A_673, %swap3A_674], %gather3A_671 {strides = array<i32>} : memref<128x128xf32, #tpu.memory_space<vmem>>, vector<16xf32>,
    }
    %scan3A_133 = arith.constant 8 : i32
    %mul3A_134 = arith.constant 512 : i32
    %mul3A_135 = arith.muli %add3A, %mul3A_134 : i32
    %add3A_136 = arith.constant 256 : i32
    %add3A_137 = arith.addi %mul3A_135, %add3A_136 : i32
    %dma_start3A_138 = arith.constant 16 : i32
    %dma_start3A_139 = arith.constant 0 : i32
    %dma_start3A_140 = tpu.memref_slice %arg7[%dma_start3A_138, %dma_start3A_139] : memref<128x128xf32, #tpu.memory_space<vmem>> -> memref<8x128xf32, #tpu.memory_space<vmem>>
    %dma_start3A_141 = arith.constant 0 : i32
    %dma_start3A_142 = tpu.memref_slice %arg4[%dma_start3A_141, %add3A_137] : memref<32x16384xf32, #tpu.memory_space<hbm>> -> memref<8x128xf32, #tpu.memory_space<hbm>>
    %dma_start3A_143 = arith.constant 0 : i32
    %dma_start3A_144 = tpu.memref_slice %arg4[%dma_start3A_143, %add3A_137] : memref<32x16384xf32, #tpu.memory_space<hbm>> -> memref<8x128xf32, #tpu.memory_space<hbm>>
    %dma_start3A_145 = arith.constant 16 : i32
    %dma_start3A_146 = arith.constant 0 : i32
    %dma_start3A_147 = tpu.memref_slice %arg7[%dma_start3A_145, %dma_start3A_146] : memref<128x128xf32, #tpu.memory_space<vmem>> -> memref<8x128xf32, #tpu.memory_space<vmem>>
    tpu.enqueue_dma source(%dma_start3A_147 : memref<8x128xf32, #tpu.memory_space<vmem>>) target(%dma_start3A_144 : memref<8x128xf32, #tpu.memory_space<hbm>>) target_semaphore(%arg8 : memref<!tpu.dma_semaphore, #tpu.memory_space<semaphore_mem>>)
    %mul3A_148 = arith.constant 512 : i32
    %mul3A_149 = arith.muli %add3A, %mul3A_148 : i32
    %add3A_150 = arith.constant 256 : i32
    %add3A_151 = arith.addi %mul3A_149, %add3A_150 : i32
    %dma_start3A_152 = arith.constant 48 : i32
    %dma_start3A_153 = arith.constant 0 : i32
    %dma_start3A_154 = tpu.memref_slice %arg7[%dma_start3A_152, %dma_start3A_153] : memref<128x128xf32, #tpu.memory_space<vmem>> -> memref<8x128xf32, #tpu.memory_space<vmem>>
    %dma_start3A_155 = arith.constant 8 : i32
    %dma_start3A_156 = tpu.memref_slice %arg4[%dma_start3A_155, %add3A_151] : memref<32x16384xf32, #tpu.memory_space<hbm>> -> memref<8x128xf32, #tpu.memory_space<hbm>>
    %dma_start3A_157 = arith.constant 8 : i32
    %dma_start3A_158 = tpu.memref_slice %arg4[%dma_start3A_157, %add3A_151] : memref<32x16384xf32, #tpu.memory_space<hbm>> -> memref<8x128xf32, #tpu.memory_space<hbm>>
    %dma_start3A_159 = arith.constant 48 : i32
    %dma_start3A_160 = arith.constant 0 : i32
    %dma_start3A_161 = tpu.memref_slice %arg7[%dma_start3A_159, %dma_start3A_160] : memref<128x128xf32, #tpu.memory_space<vmem>> -> memref<8x128xf32, #tpu.memory_space<vmem>>
    tpu.enqueue_dma source(%dma_start3A_161 : memref<8x128xf32, #tpu.memory_space<vmem>>) target(%dma_start3A_158 : memref<8x128xf32, #tpu.memory_space<hbm>>) target_semaphore(%arg8 : memref<!tpu.dma_semaphore, #tpu.memory_space<semaphore_mem>>)
    %mul3A_162 = arith.constant 512 : i32
    %mul3A_163 = arith.muli %add3A, %mul3A_162 : i32
    %add3A_164 = arith.constant 256 : i32
    %add3A_165 = arith.addi %mul3A_163, %add3A_164 : i32
    %dma_start3A_166 = arith.constant 80 : i32
    %dma_start3A_167 = arith.constant 0 : i32
    %dma_start3A_168 = tpu.memref_slice %arg7[%dma_start3A_166, %dma_start3A_167] : memref<128x128xf32, #tpu.memory_space<vmem>> -> memref<8x128xf32, #tpu.memory_space<vmem>>
    %dma_start3A_169 = arith.constant 16 : i32
    %dma_start3A_170 = tpu.memref_slice %arg4[%dma_start3A_169, %add3A_165] : memref<32x16384xf32, #tpu.memory_space<hbm>> -> memref<8x128xf32, #tpu.memory_space<hbm>>
    %dma_start3A_171 = arith.constant 16 : i32
    %dma_start3A_172 = tpu.memref_slice %arg4[%dma_start3A_171, %add3A_165] : memref<32x16384xf32, #tpu.memory_space<hbm>> -> memref<8x128xf32, #tpu.memory_space<hbm>>
    %dma_start3A_173 = arith.constant 80 : i32
    %dma_start3A_174 = arith.constant 0 : i32
    %dma_start3A_175 = tpu.memref_slice %arg7[%dma_start3A_173, %dma_start3A_174] : memref<128x128xf32, #tpu.memory_space<vmem>> -> memref<8x128xf32, #tpu.memory_space<vmem>>
    tpu.enqueue_dma source(%dma_start3A_175 : memref<8x128xf32, #tpu.memory_space<vmem>>) target(%dma_start3A_172 : memref<8x128xf32, #tpu.memory_space<hbm>>) target_semaphore(%arg8 : memref<!tpu.dma_semaphore, #tpu.memory_space<semaphore_mem>>)
    %mul3A_176 = arith.constant 512 : i32
    %mul3A_177 = arith.muli %add3A, %mul3A_176 : i32
    %add3A_178 = arith.constant 256 : i32
    %add3A_179 = arith.addi %mul3A_177, %add3A_178 : i32
    %dma_start3A_180 = arith.constant 112 : i32
    %dma_start3A_181 = arith.constant 0 : i32
    %dma_start3A_182 = tpu.memref_slice %arg7[%dma_start3A_180, %dma_start3A_181] : memref<128x128xf32, #tpu.memory_space<vmem>> -> memref<8x128xf32, #tpu.memory_space<vmem>>
    %dma_start3A_183 = arith.constant 24 : i32
    %dma_start3A_184 = tpu.memref_slice %arg4[%dma_start3A_183, %add3A_179] : memref<32x16384xf32, #tpu.memory_space<hbm>> -> memref<8x128xf32, #tpu.memory_space<hbm>>
    %dma_start3A_185 = arith.constant 24 : i32
    %dma_start3A_186 = tpu.memref_slice %arg4[%dma_start3A_185, %add3A_179] : memref<32x16384xf32, #tpu.memory_space<hbm>> -> memref<8x128xf32, #tpu.memory_space<hbm>>
    %dma_start3A_187 = arith.constant 112 : i32
    %dma_start3A_188 = arith.constant 0 : i32
    %dma_start3A_189 = tpu.memref_slice %arg7[%dma_start3A_187, %dma_start3A_188] : memref<128x128xf32, #tpu.memory_space<vmem>> -> memref<8x128xf32, #tpu.memory_space<vmem>>
    tpu.enqueue_dma source(%dma_start3A_189 : memref<8x128xf32, #tpu.memory_space<vmem>>) target(%dma_start3A_186 : memref<8x128xf32, #tpu.memory_space<hbm>>) target_semaphore(%arg8 : memref<!tpu.dma_semaphore, #tpu.memory_space<semaphore_mem>>)
    %scan3A_190 = arith.constant 0 : i32
    %scan3A_191 = arith.constant 24 : i32
    %scan3A_192 = arith.constant 8 : i32
    %scan3A_193 = arith.addi %scan3A_191, %scan3A_192 : i32
    %scan3A_194 = arith.constant 1 : i32
    scf.for %scan3A_412 = %scan3A_191 to %scan3A_193 step %scan3A_194  : i32 {
      %mul3A_413 = arith.constant 16 : i32
      %mul3A_414 = arith.muli %scan3A_412, %mul3A_413 : i32
      %get3A = arith.index_cast %mul3A_414 : i32 to index
      %get3A_415 = tpu.vector_load %arg5[%get3A] {strides = array<i32>} : memref<512xi32, #tpu.memory_space<vmem>>, vector<16xi32>,
      %mul3A_416 = arith.constant 32 : i32
      %mul3A_417 = vector.broadcast %mul3A_416 : i32 to vector<16xi32>
      %mul3A_418 = arith.muli %get3A_415, %mul3A_417 : vector<16xi32>
      %sub3A = arith.constant 24 : i32
      %sub3A_419 = arith.subi %scan3A_412, %sub3A : i32
      %mul3A_420 = arith.constant 16 : i32
      %mul3A_421 = arith.muli %sub3A_419, %mul3A_420 : i32
      %add3A_422 = arith.constant 0 : i32
      %add3A_423 = vector.broadcast %add3A_422 : i32 to vector<16xi32>
      %add3A_424 = arith.addi %mul3A_418, %add3A_423 : vector<16xi32>
      %gather3A = tpu.vector_load_idx %arg6[%add3A_424] : memref<4096xf32, #tpu.memory_space<vmem>>[vector<16xi32>], vector<16xf32>,
      %swap3A = arith.constant 24 : i32
      %swap3A_425 = arith.index_cast %swap3A : i32 to index
      %swap3A_426 = arith.index_cast %mul3A_421 : i32 to index
      %swap3A_427 = tpu.vector_load %arg7[%swap3A_425, %swap3A_426] {strides = array<i32>} : memref<128x128xf32, #tpu.memory_space<vmem>>, vector<16xf32>,
      tpu.vector_store %arg7[%swap3A_425, %swap3A_426], %gather3A {strides = array<i32>} : memref<128x128xf32, #tpu.memory_space<vmem>>, vector<16xf32>,
      %add3A_428 = arith.constant 1 : i32
      %add3A_429 = vector.broadcast %add3A_428 : i32 to vector<16xi32>
      %add3A_430 = arith.addi %mul3A_418, %add3A_429 : vector<16xi32>
      %gather3A_431 = tpu.vector_load_idx %arg6[%add3A_430] : memref<4096xf32, #tpu.memory_space<vmem>>[vector<16xi32>], vector<16xf32>,
      %swap3A_432 = arith.constant 25 : i32
      %swap3A_433 = arith.index_cast %swap3A_432 : i32 to index
      %swap3A_434 = arith.index_cast %mul3A_421 : i32 to index
      %swap3A_435 = tpu.vector_load %arg7[%swap3A_433, %swap3A_434] {strides = array<i32>} : memref<128x128xf32, #tpu.memory_space<vmem>>, vector<16xf32>,
      tpu.vector_store %arg7[%swap3A_433, %swap3A_434], %gather3A_431 {strides = array<i32>} : memref<128x128xf32, #tpu.memory_space<vmem>>, vector<16xf32>,
      %add3A_436 = arith.constant 2 : i32
      %add3A_437 = vector.broadcast %add3A_436 : i32 to vector<16xi32>
      %add3A_438 = arith.addi %mul3A_418, %add3A_437 : vector<16xi32>
      %gather3A_439 = tpu.vector_load_idx %arg6[%add3A_438] : memref<4096xf32, #tpu.memory_space<vmem>>[vector<16xi32>], vector<16xf32>,
      %swap3A_440 = arith.constant 26 : i32
      %swap3A_441 = arith.index_cast %swap3A_440 : i32 to index
      %swap3A_442 = arith.index_cast %mul3A_421 : i32 to index
      %swap3A_443 = tpu.vector_load %arg7[%swap3A_441, %swap3A_442] {strides = array<i32>} : memref<128x128xf32, #tpu.memory_space<vmem>>, vector<16xf32>,
      tpu.vector_store %arg7[%swap3A_441, %swap3A_442], %gather3A_439 {strides = array<i32>} : memref<128x128xf32, #tpu.memory_space<vmem>>, vector<16xf32>,
      %add3A_444 = arith.constant 3 : i32
      %add3A_445 = vector.broadcast %add3A_444 : i32 to vector<16xi32>
      %add3A_446 = arith.addi %mul3A_418, %add3A_445 : vector<16xi32>
      %gather3A_447 = tpu.vector_load_idx %arg6[%add3A_446] : memref<4096xf32, #tpu.memory_space<vmem>>[vector<16xi32>], vector<16xf32>,
      %swap3A_448 = arith.constant 27 : i32
      %swap3A_449 = arith.index_cast %swap3A_448 : i32 to index
      %swap3A_450 = arith.index_cast %mul3A_421 : i32 to index
      %swap3A_451 = tpu.vector_load %arg7[%swap3A_449, %swap3A_450] {strides = array<i32>} : memref<128x128xf32, #tpu.memory_space<vmem>>, vector<16xf32>,
      tpu.vector_store %arg7[%swap3A_449, %swap3A_450], %gather3A_447 {strides = array<i32>} : memref<128x128xf32, #tpu.memory_space<vmem>>, vector<16xf32>,
      %add3A_452 = arith.constant 4 : i32
      %add3A_453 = vector.broadcast %add3A_452 : i32 to vector<16xi32>
      %add3A_454 = arith.addi %mul3A_418, %add3A_453 : vector<16xi32>
      %gather3A_455 = tpu.vector_load_idx %arg6[%add3A_454] : memref<4096xf32, #tpu.memory_space<vmem>>[vector<16xi32>], vector<16xf32>,
      %swap3A_456 = arith.constant 28 : i32
      %swap3A_457 = arith.index_cast %swap3A_456 : i32 to index
      %swap3A_458 = arith.index_cast %mul3A_421 : i32 to index
      %swap3A_459 = tpu.vector_load %arg7[%swap3A_457, %swap3A_458] {strides = array<i32>} : memref<128x128xf32, #tpu.memory_space<vmem>>, vector<16xf32>,
      tpu.vector_store %arg7[%swap3A_457, %swap3A_458], %gather3A_455 {strides = array<i32>} : memref<128x128xf32, #tpu.memory_space<vmem>>, vector<16xf32>,
      %add3A_460 = arith.constant 5 : i32
      %add3A_461 = vector.broadcast %add3A_460 : i32 to vector<16xi32>
      %add3A_462 = arith.addi %mul3A_418, %add3A_461 : vector<16xi32>
      %gather3A_463 = tpu.vector_load_idx %arg6[%add3A_462] : memref<4096xf32, #tpu.memory_space<vmem>>[vector<16xi32>], vector<16xf32>,
      %swap3A_464 = arith.constant 29 : i32
      %swap3A_465 = arith.index_cast %swap3A_464 : i32 to index
      %swap3A_466 = arith.index_cast %mul3A_421 : i32 to index
      %swap3A_467 = tpu.vector_load %arg7[%swap3A_465, %swap3A_466] {strides = array<i32>} : memref<128x128xf32, #tpu.memory_space<vmem>>, vector<16xf32>,
      tpu.vector_store %arg7[%swap3A_465, %swap3A_466], %gather3A_463 {strides = array<i32>} : memref<128x128xf32, #tpu.memory_space<vmem>>, vector<16xf32>,
      %add3A_468 = arith.constant 6 : i32
      %add3A_469 = vector.broadcast %add3A_468 : i32 to vector<16xi32>
      %add3A_470 = arith.addi %mul3A_418, %add3A_469 : vector<16xi32>
      %gather3A_471 = tpu.vector_load_idx %arg6[%add3A_470] : memref<4096xf32, #tpu.memory_space<vmem>>[vector<16xi32>], vector<16xf32>,
      %swap3A_472 = arith.constant 30 : i32
      %swap3A_473 = arith.index_cast %swap3A_472 : i32 to index
      %swap3A_474 = arith.index_cast %mul3A_421 : i32 to index
      %swap3A_475 = tpu.vector_load %arg7[%swap3A_473, %swap3A_474] {strides = array<i32>} : memref<128x128xf32, #tpu.memory_space<vmem>>, vector<16xf32>,
      tpu.vector_store %arg7[%swap3A_473, %swap3A_474], %gather3A_471 {strides = array<i32>} : memref<128x128xf32, #tpu.memory_space<vmem>>, vector<16xf32>,
      %add3A_476 = arith.constant 7 : i32
      %add3A_477 = vector.broadcast %add3A_476 : i32 to vector<16xi32>
      %add3A_478 = arith.addi %mul3A_418, %add3A_477 : vector<16xi32>
      %gather3A_479 = tpu.vector_load_idx %arg6[%add3A_478] : memref<4096xf32, #tpu.memory_space<vmem>>[vector<16xi32>], vector<16xf32>,
      %swap3A_480 = arith.constant 31 : i32
      %swap3A_481 = arith.index_cast %swap3A_480 : i32 to index
      %swap3A_482 = arith.index_cast %mul3A_421 : i32 to index
      %swap3A_483 = tpu.vector_load %arg7[%swap3A_481, %swap3A_482] {strides = array<i32>} : memref<128x128xf32, #tpu.memory_space<vmem>>, vector<16xf32>,
      tpu.vector_store %arg7[%swap3A_481, %swap3A_482], %gather3A_479 {strides = array<i32>} : memref<128x128xf32, #tpu.memory_space<vmem>>, vector<16xf32>,
      %add3A_484 = arith.constant 8 : i32
      %add3A_485 = vector.broadcast %add3A_484 : i32 to vector<16xi32>
      %add3A_486 = arith.addi %mul3A_418, %add3A_485 : vector<16xi32>
      %gather3A_487 = tpu.vector_load_idx %arg6[%add3A_486] : memref<4096xf32, #tpu.memory_space<vmem>>[vector<16xi32>], vector<16xf32>,
      %swap3A_488 = arith.constant 56 : i32
      %swap3A_489 = arith.index_cast %swap3A_488 : i32 to index
      %swap3A_490 = arith.index_cast %mul3A_421 : i32 to index
      %swap3A_491 = tpu.vector_load %arg7[%swap3A_489, %swap3A_490] {strides = array<i32>} : memref<128x128xf32, #tpu.memory_space<vmem>>, vector<16xf32>,
      tpu.vector_store %arg7[%swap3A_489, %swap3A_490], %gather3A_487 {strides = array<i32>} : memref<128x128xf32, #tpu.memory_space<vmem>>, vector<16xf32>,
      %add3A_492 = arith.constant 9 : i32
      %add3A_493 = vector.broadcast %add3A_492 : i32 to vector<16xi32>
      %add3A_494 = arith.addi %mul3A_418, %add3A_493 : vector<16xi32>
      %gather3A_495 = tpu.vector_load_idx %arg6[%add3A_494] : memref<4096xf32, #tpu.memory_space<vmem>>[vector<16xi32>], vector<16xf32>,
      %swap3A_496 = arith.constant 57 : i32
      %swap3A_497 = arith.index_cast %swap3A_496 : i32 to index
      %swap3A_498 = arith.index_cast %mul3A_421 : i32 to index
      %swap3A_499 = tpu.vector_load %arg7[%swap3A_497, %swap3A_498] {strides = array<i32>} : memref<128x128xf32, #tpu.memory_space<vmem>>, vector<16xf32>,
      tpu.vector_store %arg7[%swap3A_497, %swap3A_498], %gather3A_495 {strides = array<i32>} : memref<128x128xf32, #tpu.memory_space<vmem>>, vector<16xf32>,
      %add3A_500 = arith.constant 10 : i32
      %add3A_501 = vector.broadcast %add3A_500 : i32 to vector<16xi32>
      %add3A_502 = arith.addi %mul3A_418, %add3A_501 : vector<16xi32>
      %gather3A_503 = tpu.vector_load_idx %arg6[%add3A_502] : memref<4096xf32, #tpu.memory_space<vmem>>[vector<16xi32>], vector<16xf32>,
      %swap3A_504 = arith.constant 58 : i32
      %swap3A_505 = arith.index_cast %swap3A_504 : i32 to index
      %swap3A_506 = arith.index_cast %mul3A_421 : i32 to index
      %swap3A_507 = tpu.vector_load %arg7[%swap3A_505, %swap3A_506] {strides = array<i32>} : memref<128x128xf32, #tpu.memory_space<vmem>>, vector<16xf32>,
      tpu.vector_store %arg7[%swap3A_505, %swap3A_506], %gather3A_503 {strides = array<i32>} : memref<128x128xf32, #tpu.memory_space<vmem>>, vector<16xf32>,
      %add3A_508 = arith.constant 11 : i32
      %add3A_509 = vector.broadcast %add3A_508 : i32 to vector<16xi32>
      %add3A_510 = arith.addi %mul3A_418, %add3A_509 : vector<16xi32>
      %gather3A_511 = tpu.vector_load_idx %arg6[%add3A_510] : memref<4096xf32, #tpu.memory_space<vmem>>[vector<16xi32>], vector<16xf32>,
      %swap3A_512 = arith.constant 59 : i32
      %swap3A_513 = arith.index_cast %swap3A_512 : i32 to index
      %swap3A_514 = arith.index_cast %mul3A_421 : i32 to index
      %swap3A_515 = tpu.vector_load %arg7[%swap3A_513, %swap3A_514] {strides = array<i32>} : memref<128x128xf32, #tpu.memory_space<vmem>>, vector<16xf32>,
      tpu.vector_store %arg7[%swap3A_513, %swap3A_514], %gather3A_511 {strides = array<i32>} : memref<128x128xf32, #tpu.memory_space<vmem>>, vector<16xf32>,
      %add3A_516 = arith.constant 12 : i32
      %add3A_517 = vector.broadcast %add3A_516 : i32 to vector<16xi32>
      %add3A_518 = arith.addi %mul3A_418, %add3A_517 : vector<16xi32>
      %gather3A_519 = tpu.vector_load_idx %arg6[%add3A_518] : memref<4096xf32, #tpu.memory_space<vmem>>[vector<16xi32>], vector<16xf32>,
      %swap3A_520 = arith.constant 60 : i32
      %swap3A_521 = arith.index_cast %swap3A_520 : i32 to index
      %swap3A_522 = arith.index_cast %mul3A_421 : i32 to index
      %swap3A_523 = tpu.vector_load %arg7[%swap3A_521, %swap3A_522] {strides = array<i32>} : memref<128x128xf32, #tpu.memory_space<vmem>>, vector<16xf32>,
      tpu.vector_store %arg7[%swap3A_521, %swap3A_522], %gather3A_519 {strides = array<i32>} : memref<128x128xf32, #tpu.memory_space<vmem>>, vector<16xf32>,
      %add3A_524 = arith.constant 13 : i32
      %add3A_525 = vector.broadcast %add3A_524 : i32 to vector<16xi32>
      %add3A_526 = arith.addi %mul3A_418, %add3A_525 : vector<16xi32>
      %gather3A_527 = tpu.vector_load_idx %arg6[%add3A_526] : memref<4096xf32, #tpu.memory_space<vmem>>[vector<16xi32>], vector<16xf32>,
      %swap3A_528 = arith.constant 61 : i32
      %swap3A_529 = arith.index_cast %swap3A_528 : i32 to index
      %swap3A_530 = arith.index_cast %mul3A_421 : i32 to index
      %swap3A_531 = tpu.vector_load %arg7[%swap3A_529, %swap3A_530] {strides = array<i32>} : memref<128x128xf32, #tpu.memory_space<vmem>>, vector<16xf32>,
      tpu.vector_store %arg7[%swap3A_529, %swap3A_530], %gather3A_527 {strides = array<i32>} : memref<128x128xf32, #tpu.memory_space<vmem>>, vector<16xf32>,
      %add3A_532 = arith.constant 14 : i32
      %add3A_533 = vector.broadcast %add3A_532 : i32 to vector<16xi32>
      %add3A_534 = arith.addi %mul3A_418, %add3A_533 : vector<16xi32>
      %gather3A_535 = tpu.vector_load_idx %arg6[%add3A_534] : memref<4096xf32, #tpu.memory_space<vmem>>[vector<16xi32>], vector<16xf32>,
      %swap3A_536 = arith.constant 62 : i32
      %swap3A_537 = arith.index_cast %swap3A_536 : i32 to index
      %swap3A_538 = arith.index_cast %mul3A_421 : i32 to index
      %swap3A_539 = tpu.vector_load %arg7[%swap3A_537, %swap3A_538] {strides = array<i32>} : memref<128x128xf32, #tpu.memory_space<vmem>>, vector<16xf32>,
      tpu.vector_store %arg7[%swap3A_537, %swap3A_538], %gather3A_535 {strides = array<i32>} : memref<128x128xf32, #tpu.memory_space<vmem>>, vector<16xf32>,
      %add3A_540 = arith.constant 15 : i32
      %add3A_541 = vector.broadcast %add3A_540 : i32 to vector<16xi32>
      %add3A_542 = arith.addi %mul3A_418, %add3A_541 : vector<16xi32>
      %gather3A_543 = tpu.vector_load_idx %arg6[%add3A_542] : memref<4096xf32, #tpu.memory_space<vmem>>[vector<16xi32>], vector<16xf32>,
      %swap3A_544 = arith.constant 63 : i32
      %swap3A_545 = arith.index_cast %swap3A_544 : i32 to index
      %swap3A_546 = arith.index_cast %mul3A_421 : i32 to index
      %swap3A_547 = tpu.vector_load %arg7[%swap3A_545, %swap3A_546] {strides = array<i32>} : memref<128x128xf32, #tpu.memory_space<vmem>>, vector<16xf32>,
      tpu.vector_store %arg7[%swap3A_545, %swap3A_546], %gather3A_543 {strides = array<i32>} : memref<128x128xf32, #tpu.memory_space<vmem>>, vector<16xf32>,
      %add3A_548 = arith.constant 16 : i32
      %add3A_549 = vector.broadcast %add3A_548 : i32 to vector<16xi32>
      %add3A_550 = arith.addi %mul3A_418, %add3A_549 : vector<16xi32>
      %gather3A_551 = tpu.vector_load_idx %arg6[%add3A_550] : memref<4096xf32, #tpu.memory_space<vmem>>[vector<16xi32>], vector<16xf32>,
      %swap3A_552 = arith.constant 88 : i32
      %swap3A_553 = arith.index_cast %swap3A_552 : i32 to index
      %swap3A_554 = arith.index_cast %mul3A_421 : i32 to index
      %swap3A_555 = tpu.vector_load %arg7[%swap3A_553, %swap3A_554] {strides = array<i32>} : memref<128x128xf32, #tpu.memory_space<vmem>>, vector<16xf32>,
      tpu.vector_store %arg7[%swap3A_553, %swap3A_554], %gather3A_551 {strides = array<i32>} : memref<128x128xf32, #tpu.memory_space<vmem>>, vector<16xf32>,
      %add3A_556 = arith.constant 17 : i32
      %add3A_557 = vector.broadcast %add3A_556 : i32 to vector<16xi32>
      %add3A_558 = arith.addi %mul3A_418, %add3A_557 : vector<16xi32>
      %gather3A_559 = tpu.vector_load_idx %arg6[%add3A_558] : memref<4096xf32, #tpu.memory_space<vmem>>[vector<16xi32>], vector<16xf32>,
      %swap3A_560 = arith.constant 89 : i32
      %swap3A_561 = arith.index_cast %swap3A_560 : i32 to index
      %swap3A_562 = arith.index_cast %mul3A_421 : i32 to index
      %swap3A_563 = tpu.vector_load %arg7[%swap3A_561, %swap3A_562] {strides = array<i32>} : memref<128x128xf32, #tpu.memory_space<vmem>>, vector<16xf32>,
      tpu.vector_store %arg7[%swap3A_561, %swap3A_562], %gather3A_559 {strides = array<i32>} : memref<128x128xf32, #tpu.memory_space<vmem>>, vector<16xf32>,
      %add3A_564 = arith.constant 18 : i32
      %add3A_565 = vector.broadcast %add3A_564 : i32 to vector<16xi32>
      %add3A_566 = arith.addi %mul3A_418, %add3A_565 : vector<16xi32>
      %gather3A_567 = tpu.vector_load_idx %arg6[%add3A_566] : memref<4096xf32, #tpu.memory_space<vmem>>[vector<16xi32>], vector<16xf32>,
      %swap3A_568 = arith.constant 90 : i32
      %swap3A_569 = arith.index_cast %swap3A_568 : i32 to index
      %swap3A_570 = arith.index_cast %mul3A_421 : i32 to index
      %swap3A_571 = tpu.vector_load %arg7[%swap3A_569, %swap3A_570] {strides = array<i32>} : memref<128x128xf32, #tpu.memory_space<vmem>>, vector<16xf32>,
      tpu.vector_store %arg7[%swap3A_569, %swap3A_570], %gather3A_567 {strides = array<i32>} : memref<128x128xf32, #tpu.memory_space<vmem>>, vector<16xf32>,
      %add3A_572 = arith.constant 19 : i32
      %add3A_573 = vector.broadcast %add3A_572 : i32 to vector<16xi32>
      %add3A_574 = arith.addi %mul3A_418, %add3A_573 : vector<16xi32>
      %gather3A_575 = tpu.vector_load_idx %arg6[%add3A_574] : memref<4096xf32, #tpu.memory_space<vmem>>[vector<16xi32>], vector<16xf32>,
      %swap3A_576 = arith.constant 91 : i32
      %swap3A_577 = arith.index_cast %swap3A_576 : i32 to index
      %swap3A_578 = arith.index_cast %mul3A_421 : i32 to index
      %swap3A_579 = tpu.vector_load %arg7[%swap3A_577, %swap3A_578] {strides = array<i32>} : memref<128x128xf32, #tpu.memory_space<vmem>>, vector<16xf32>,
      tpu.vector_store %arg7[%swap3A_577, %swap3A_578], %gather3A_575 {strides = array<i32>} : memref<128x128xf32, #tpu.memory_space<vmem>>, vector<16xf32>,
      %add3A_580 = arith.constant 20 : i32
      %add3A_581 = vector.broadcast %add3A_580 : i32 to vector<16xi32>
      %add3A_582 = arith.addi %mul3A_418, %add3A_581 : vector<16xi32>
      %gather3A_583 = tpu.vector_load_idx %arg6[%add3A_582] : memref<4096xf32, #tpu.memory_space<vmem>>[vector<16xi32>], vector<16xf32>,
      %swap3A_584 = arith.constant 92 : i32
      %swap3A_585 = arith.index_cast %swap3A_584 : i32 to index
      %swap3A_586 = arith.index_cast %mul3A_421 : i32 to index
      %swap3A_587 = tpu.vector_load %arg7[%swap3A_585, %swap3A_586] {strides = array<i32>} : memref<128x128xf32, #tpu.memory_space<vmem>>, vector<16xf32>,
      tpu.vector_store %arg7[%swap3A_585, %swap3A_586], %gather3A_583 {strides = array<i32>} : memref<128x128xf32, #tpu.memory_space<vmem>>, vector<16xf32>,
      %add3A_588 = arith.constant 21 : i32
      %add3A_589 = vector.broadcast %add3A_588 : i32 to vector<16xi32>
      %add3A_590 = arith.addi %mul3A_418, %add3A_589 : vector<16xi32>
      %gather3A_591 = tpu.vector_load_idx %arg6[%add3A_590] : memref<4096xf32, #tpu.memory_space<vmem>>[vector<16xi32>], vector<16xf32>,
      %swap3A_592 = arith.constant 93 : i32
      %swap3A_593 = arith.index_cast %swap3A_592 : i32 to index
      %swap3A_594 = arith.index_cast %mul3A_421 : i32 to index
      %swap3A_595 = tpu.vector_load %arg7[%swap3A_593, %swap3A_594] {strides = array<i32>} : memref<128x128xf32, #tpu.memory_space<vmem>>, vector<16xf32>,
      tpu.vector_store %arg7[%swap3A_593, %swap3A_594], %gather3A_591 {strides = array<i32>} : memref<128x128xf32, #tpu.memory_space<vmem>>, vector<16xf32>,
      %add3A_596 = arith.constant 22 : i32
      %add3A_597 = vector.broadcast %add3A_596 : i32 to vector<16xi32>
      %add3A_598 = arith.addi %mul3A_418, %add3A_597 : vector<16xi32>
      %gather3A_599 = tpu.vector_load_idx %arg6[%add3A_598] : memref<4096xf32, #tpu.memory_space<vmem>>[vector<16xi32>], vector<16xf32>,
      %swap3A_600 = arith.constant 94 : i32
      %swap3A_601 = arith.index_cast %swap3A_600 : i32 to index
      %swap3A_602 = arith.index_cast %mul3A_421 : i32 to index
      %swap3A_603 = tpu.vector_load %arg7[%swap3A_601, %swap3A_602] {strides = array<i32>} : memref<128x128xf32, #tpu.memory_space<vmem>>, vector<16xf32>,
      tpu.vector_store %arg7[%swap3A_601, %swap3A_602], %gather3A_599 {strides = array<i32>} : memref<128x128xf32, #tpu.memory_space<vmem>>, vector<16xf32>,
      %add3A_604 = arith.constant 23 : i32
      %add3A_605 = vector.broadcast %add3A_604 : i32 to vector<16xi32>
      %add3A_606 = arith.addi %mul3A_418, %add3A_605 : vector<16xi32>
      %gather3A_607 = tpu.vector_load_idx %arg6[%add3A_606] : memref<4096xf32, #tpu.memory_space<vmem>>[vector<16xi32>], vector<16xf32>,
      %swap3A_608 = arith.constant 95 : i32
      %swap3A_609 = arith.index_cast %swap3A_608 : i32 to index
      %swap3A_610 = arith.index_cast %mul3A_421 : i32 to index
      %swap3A_611 = tpu.vector_load %arg7[%swap3A_609, %swap3A_610] {strides = array<i32>} : memref<128x128xf32, #tpu.memory_space<vmem>>, vector<16xf32>,
      tpu.vector_store %arg7[%swap3A_609, %swap3A_610], %gather3A_607 {strides = array<i32>} : memref<128x128xf32, #tpu.memory_space<vmem>>, vector<16xf32>,
      %add3A_612 = arith.constant 24 : i32
      %add3A_613 = vector.broadcast %add3A_612 : i32 to vector<16xi32>
      %add3A_614 = arith.addi %mul3A_418, %add3A_613 : vector<16xi32>
      %gather3A_615 = tpu.vector_load_idx %arg6[%add3A_614] : memref<4096xf32, #tpu.memory_space<vmem>>[vector<16xi32>], vector<16xf32>,
      %swap3A_616 = arith.constant 120 : i32
      %swap3A_617 = arith.index_cast %swap3A_616 : i32 to index
      %swap3A_618 = arith.index_cast %mul3A_421 : i32 to index
      %swap3A_619 = tpu.vector_load %arg7[%swap3A_617, %swap3A_618] {strides = array<i32>} : memref<128x128xf32, #tpu.memory_space<vmem>>, vector<16xf32>,
      tpu.vector_store %arg7[%swap3A_617, %swap3A_618], %gather3A_615 {strides = array<i32>} : memref<128x128xf32, #tpu.memory_space<vmem>>, vector<16xf32>,
      %add3A_620 = arith.constant 25 : i32
      %add3A_621 = vector.broadcast %add3A_620 : i32 to vector<16xi32>
      %add3A_622 = arith.addi %mul3A_418, %add3A_621 : vector<16xi32>
      %gather3A_623 = tpu.vector_load_idx %arg6[%add3A_622] : memref<4096xf32, #tpu.memory_space<vmem>>[vector<16xi32>], vector<16xf32>,
      %swap3A_624 = arith.constant 121 : i32
      %swap3A_625 = arith.index_cast %swap3A_624 : i32 to index
      %swap3A_626 = arith.index_cast %mul3A_421 : i32 to index
      %swap3A_627 = tpu.vector_load %arg7[%swap3A_625, %swap3A_626] {strides = array<i32>} : memref<128x128xf32, #tpu.memory_space<vmem>>, vector<16xf32>,
      tpu.vector_store %arg7[%swap3A_625, %swap3A_626], %gather3A_623 {strides = array<i32>} : memref<128x128xf32, #tpu.memory_space<vmem>>, vector<16xf32>,
      %add3A_628 = arith.constant 26 : i32
      %add3A_629 = vector.broadcast %add3A_628 : i32 to vector<16xi32>
      %add3A_630 = arith.addi %mul3A_418, %add3A_629 : vector<16xi32>
      %gather3A_631 = tpu.vector_load_idx %arg6[%add3A_630] : memref<4096xf32, #tpu.memory_space<vmem>>[vector<16xi32>], vector<16xf32>,
      %swap3A_632 = arith.constant 122 : i32
      %swap3A_633 = arith.index_cast %swap3A_632 : i32 to index
      %swap3A_634 = arith.index_cast %mul3A_421 : i32 to index
      %swap3A_635 = tpu.vector_load %arg7[%swap3A_633, %swap3A_634] {strides = array<i32>} : memref<128x128xf32, #tpu.memory_space<vmem>>, vector<16xf32>,
      tpu.vector_store %arg7[%swap3A_633, %swap3A_634], %gather3A_631 {strides = array<i32>} : memref<128x128xf32, #tpu.memory_space<vmem>>, vector<16xf32>,
      %add3A_636 = arith.constant 27 : i32
      %add3A_637 = vector.broadcast %add3A_636 : i32 to vector<16xi32>
      %add3A_638 = arith.addi %mul3A_418, %add3A_637 : vector<16xi32>
      %gather3A_639 = tpu.vector_load_idx %arg6[%add3A_638] : memref<4096xf32, #tpu.memory_space<vmem>>[vector<16xi32>], vector<16xf32>,
      %swap3A_640 = arith.constant 123 : i32
      %swap3A_641 = arith.index_cast %swap3A_640 : i32 to index
      %swap3A_642 = arith.index_cast %mul3A_421 : i32 to index
      %swap3A_643 = tpu.vector_load %arg7[%swap3A_641, %swap3A_642] {strides = array<i32>} : memref<128x128xf32, #tpu.memory_space<vmem>>, vector<16xf32>,
      tpu.vector_store %arg7[%swap3A_641, %swap3A_642], %gather3A_639 {strides = array<i32>} : memref<128x128xf32, #tpu.memory_space<vmem>>, vector<16xf32>,
      %add3A_644 = arith.constant 28 : i32
      %add3A_645 = vector.broadcast %add3A_644 : i32 to vector<16xi32>
      %add3A_646 = arith.addi %mul3A_418, %add3A_645 : vector<16xi32>
      %gather3A_647 = tpu.vector_load_idx %arg6[%add3A_646] : memref<4096xf32, #tpu.memory_space<vmem>>[vector<16xi32>], vector<16xf32>,
      %swap3A_648 = arith.constant 124 : i32
      %swap3A_649 = arith.index_cast %swap3A_648 : i32 to index
      %swap3A_650 = arith.index_cast %mul3A_421 : i32 to index
      %swap3A_651 = tpu.vector_load %arg7[%swap3A_649, %swap3A_650] {strides = array<i32>} : memref<128x128xf32, #tpu.memory_space<vmem>>, vector<16xf32>,
      tpu.vector_store %arg7[%swap3A_649, %swap3A_650], %gather3A_647 {strides = array<i32>} : memref<128x128xf32, #tpu.memory_space<vmem>>, vector<16xf32>,
      %add3A_652 = arith.constant 29 : i32
      %add3A_653 = vector.broadcast %add3A_652 : i32 to vector<16xi32>
      %add3A_654 = arith.addi %mul3A_418, %add3A_653 : vector<16xi32>
      %gather3A_655 = tpu.vector_load_idx %arg6[%add3A_654] : memref<4096xf32, #tpu.memory_space<vmem>>[vector<16xi32>], vector<16xf32>,
      %swap3A_656 = arith.constant 125 : i32
      %swap3A_657 = arith.index_cast %swap3A_656 : i32 to index
      %swap3A_658 = arith.index_cast %mul3A_421 : i32 to index
      %swap3A_659 = tpu.vector_load %arg7[%swap3A_657, %swap3A_658] {strides = array<i32>} : memref<128x128xf32, #tpu.memory_space<vmem>>, vector<16xf32>,
      tpu.vector_store %arg7[%swap3A_657, %swap3A_658], %gather3A_655 {strides = array<i32>} : memref<128x128xf32, #tpu.memory_space<vmem>>, vector<16xf32>,
      %add3A_660 = arith.constant 30 : i32
      %add3A_661 = vector.broadcast %add3A_660 : i32 to vector<16xi32>
      %add3A_662 = arith.addi %mul3A_418, %add3A_661 : vector<16xi32>
      %gather3A_663 = tpu.vector_load_idx %arg6[%add3A_662] : memref<4096xf32, #tpu.memory_space<vmem>>[vector<16xi32>], vector<16xf32>,
      %swap3A_664 = arith.constant 126 : i32
      %swap3A_665 = arith.index_cast %swap3A_664 : i32 to index
      %swap3A_666 = arith.index_cast %mul3A_421 : i32 to index
      %swap3A_667 = tpu.vector_load %arg7[%swap3A_665, %swap3A_666] {strides = array<i32>} : memref<128x128xf32, #tpu.memory_space<vmem>>, vector<16xf32>,
      tpu.vector_store %arg7[%swap3A_665, %swap3A_666], %gather3A_663 {strides = array<i32>} : memref<128x128xf32, #tpu.memory_space<vmem>>, vector<16xf32>,
      %add3A_668 = arith.constant 31 : i32
      %add3A_669 = vector.broadcast %add3A_668 : i32 to vector<16xi32>
      %add3A_670 = arith.addi %mul3A_418, %add3A_669 : vector<16xi32>
      %gather3A_671 = tpu.vector_load_idx %arg6[%add3A_670] : memref<4096xf32, #tpu.memory_space<vmem>>[vector<16xi32>], vector<16xf32>,
      %swap3A_672 = arith.constant 127 : i32
      %swap3A_673 = arith.index_cast %swap3A_672 : i32 to index
      %swap3A_674 = arith.index_cast %mul3A_421 : i32 to index
      %swap3A_675 = tpu.vector_load %arg7[%swap3A_673, %swap3A_674] {strides = array<i32>} : memref<128x128xf32, #tpu.memory_space<vmem>>, vector<16xf32>,
      tpu.vector_store %arg7[%swap3A_673, %swap3A_674], %gather3A_671 {strides = array<i32>} : memref<128x128xf32, #tpu.memory_space<vmem>>, vector<16xf32>,
    }
    %scan3A_195 = arith.constant 8 : i32
    %mul3A_196 = arith.constant 512 : i32
    %mul3A_197 = arith.muli %add3A, %mul3A_196 : i32
    %add3A_198 = arith.constant 384 : i32
    %add3A_199 = arith.addi %mul3A_197, %add3A_198 : i32
    %dma_start3A_200 = arith.constant 24 : i32
    %dma_start3A_201 = arith.constant 0 : i32
    %dma_start3A_202 = tpu.memref_slice %arg7[%dma_start3A_200, %dma_start3A_201] : memref<128x128xf32, #tpu.memory_space<vmem>> -> memref<8x128xf32, #tpu.memory_space<vmem>>
    %dma_start3A_203 = arith.constant 0 : i32
    %dma_start3A_204 = tpu.memref_slice %arg4[%dma_start3A_203, %add3A_199] : memref<32x16384xf32, #tpu.memory_space<hbm>> -> memref<8x128xf32, #tpu.memory_space<hbm>>
    %dma_start3A_205 = arith.constant 0 : i32
    %dma_start3A_206 = tpu.memref_slice %arg4[%dma_start3A_205, %add3A_199] : memref<32x16384xf32, #tpu.memory_space<hbm>> -> memref<8x128xf32, #tpu.memory_space<hbm>>
    %dma_start3A_207 = arith.constant 24 : i32
    %dma_start3A_208 = arith.constant 0 : i32
    %dma_start3A_209 = tpu.memref_slice %arg7[%dma_start3A_207, %dma_start3A_208] : memref<128x128xf32, #tpu.memory_space<vmem>> -> memref<8x128xf32, #tpu.memory_space<vmem>>
    tpu.enqueue_dma source(%dma_start3A_209 : memref<8x128xf32, #tpu.memory_space<vmem>>) target(%dma_start3A_206 : memref<8x128xf32, #tpu.memory_space<hbm>>) target_semaphore(%arg8 : memref<!tpu.dma_semaphore, #tpu.memory_space<semaphore_mem>>)
    %mul3A_210 = arith.constant 512 : i32
    %mul3A_211 = arith.muli %add3A, %mul3A_210 : i32
    %add3A_212 = arith.constant 384 : i32
    %add3A_213 = arith.addi %mul3A_211, %add3A_212 : i32
    %dma_start3A_214 = arith.constant 56 : i32
    %dma_start3A_215 = arith.constant 0 : i32
    %dma_start3A_216 = tpu.memref_slice %arg7[%dma_start3A_214, %dma_start3A_215] : memref<128x128xf32, #tpu.memory_space<vmem>> -> memref<8x128xf32, #tpu.memory_space<vmem>>
    %dma_start3A_217 = arith.constant 8 : i32
    %dma_start3A_218 = tpu.memref_slice %arg4[%dma_start3A_217, %add3A_213] : memref<32x16384xf32, #tpu.memory_space<hbm>> -> memref<8x128xf32, #tpu.memory_space<hbm>>
    %dma_start3A_219 = arith.constant 8 : i32
    %dma_start3A_220 = tpu.memref_slice %arg4[%dma_start3A_219, %add3A_213] : memref<32x16384xf32, #tpu.memory_space<hbm>> -> memref<8x128xf32, #tpu.memory_space<hbm>>
    %dma_start3A_221 = arith.constant 56 : i32
    %dma_start3A_222 = arith.constant 0 : i32
    %dma_start3A_223 = tpu.memref_slice %arg7[%dma_start3A_221, %dma_start3A_222] : memref<128x128xf32, #tpu.memory_space<vmem>> -> memref<8x128xf32, #tpu.memory_space<vmem>>
    tpu.enqueue_dma source(%dma_start3A_223 : memref<8x128xf32, #tpu.memory_space<vmem>>) target(%dma_start3A_220 : memref<8x128xf32, #tpu.memory_space<hbm>>) target_semaphore(%arg8 : memref<!tpu.dma_semaphore, #tpu.memory_space<semaphore_mem>>)
    %mul3A_224 = arith.constant 512 : i32
    %mul3A_225 = arith.muli %add3A, %mul3A_224 : i32
    %add3A_226 = arith.constant 384 : i32
    %add3A_227 = arith.addi %mul3A_225, %add3A_226 : i32
    %dma_start3A_228 = arith.constant 88 : i32
    %dma_start3A_229 = arith.constant 0 : i32
    %dma_start3A_230 = tpu.memref_slice %arg7[%dma_start3A_228, %dma_start3A_229] : memref<128x128xf32, #tpu.memory_space<vmem>> -> memref<8x128xf32, #tpu.memory_space<vmem>>
    %dma_start3A_231 = arith.constant 16 : i32
    %dma_start3A_232 = tpu.memref_slice %arg4[%dma_start3A_231, %add3A_227] : memref<32x16384xf32, #tpu.memory_space<hbm>> -> memref<8x128xf32, #tpu.memory_space<hbm>>
    %dma_start3A_233 = arith.constant 16 : i32
    %dma_start3A_234 = tpu.memref_slice %arg4[%dma_start3A_233, %add3A_227] : memref<32x16384xf32, #tpu.memory_space<hbm>> -> memref<8x128xf32, #tpu.memory_space<hbm>>
    %dma_start3A_235 = arith.constant 88 : i32
    %dma_start3A_236 = arith.constant 0 : i32
    %dma_start3A_237 = tpu.memref_slice %arg7[%dma_start3A_235, %dma_start3A_236] : memref<128x128xf32, #tpu.memory_space<vmem>> -> memref<8x128xf32, #tpu.memory_space<vmem>>
    tpu.enqueue_dma source(%dma_start3A_237 : memref<8x128xf32, #tpu.memory_space<vmem>>) target(%dma_start3A_234 : memref<8x128xf32, #tpu.memory_space<hbm>>) target_semaphore(%arg8 : memref<!tpu.dma_semaphore, #tpu.memory_space<semaphore_mem>>)
    %mul3A_238 = arith.constant 512 : i32
    %mul3A_239 = arith.muli %add3A, %mul3A_238 : i32
    %add3A_240 = arith.constant 384 : i32
    %add3A_241 = arith.addi %mul3A_239, %add3A_240 : i32
    %dma_start3A_242 = arith.constant 120 : i32
    %dma_start3A_243 = arith.constant 0 : i32
    %dma_start3A_244 = tpu.memref_slice %arg7[%dma_start3A_242, %dma_start3A_243] : memref<128x128xf32, #tpu.memory_space<vmem>> -> memref<8x128xf32, #tpu.memory_space<vmem>>
    %dma_start3A_245 = arith.constant 24 : i32
    %dma_start3A_246 = tpu.memref_slice %arg4[%dma_start3A_245, %add3A_241] : memref<32x16384xf32, #tpu.memory_space<hbm>> -> memref<8x128xf32, #tpu.memory_space<hbm>>
    %dma_start3A_247 = arith.constant 24 : i32
    %dma_start3A_248 = tpu.memref_slice %arg4[%dma_start3A_247, %add3A_241] : memref<32x16384xf32, #tpu.memory_space<hbm>> -> memref<8x128xf32, #tpu.memory_space<hbm>>
    %dma_start3A_249 = arith.constant 120 : i32
    %dma_start3A_250 = arith.constant 0 : i32
    %dma_start3A_251 = tpu.memref_slice %arg7[%dma_start3A_249, %dma_start3A_250] : memref<128x128xf32, #tpu.memory_space<vmem>> -> memref<8x128xf32, #tpu.memory_space<vmem>>
    tpu.enqueue_dma source(%dma_start3A_251 : memref<8x128xf32, #tpu.memory_space<vmem>>) target(%dma_start3A_248 : memref<8x128xf32, #tpu.memory_space<hbm>>) target_semaphore(%arg8 : memref<!tpu.dma_semaphore, #tpu.memory_space<semaphore_mem>>)
    %dma_wait3A_252 = arith.constant 0 : i32
    %dma_wait3A_253 = arith.constant 0 : i32
    %dma_wait3A_254 = tpu.memref_slice %arg7[%dma_wait3A_252, %dma_wait3A_253] : memref<128x128xf32, #tpu.memory_space<vmem>> -> memref<8x128xf32, #tpu.memory_space<vmem>>
    %dma_wait3A_255 = arith.constant 0 : i32
    %dma_wait3A_256 = tpu.memref_slice %arg4[%dma_wait3A_255, %add3A_13] : memref<32x16384xf32, #tpu.memory_space<hbm>> -> memref<8x128xf32, #tpu.memory_space<hbm>>
    %dma_wait3A_257 = arith.constant 0 : i32
    %dma_wait3A_258 = tpu.memref_slice %arg4[%dma_wait3A_257, %add3A_13] : memref<32x16384xf32, #tpu.memory_space<hbm>> -> memref<8x128xf32, #tpu.memory_space<hbm>>
    %dma_wait3A_259 = arith.constant 0 : i32
    %dma_wait3A_260 = arith.constant 0 : i32
    %dma_wait3A_261 = tpu.memref_slice %arg7[%dma_wait3A_259, %dma_wait3A_260] : memref<128x128xf32, #tpu.memory_space<vmem>> -> memref<8x128xf32, #tpu.memory_space<vmem>>
    tpu.wait_dma2 semaphore(%arg8 : memref<!tpu.dma_semaphore, #tpu.memory_space<semaphore_mem>>) src(%dma_wait3A_261 : memref<8x128xf32, #tpu.memory_space<vmem>>) dst(%dma_wait3A_258 : memref<8x128xf32, #tpu.memory_space<hbm>>)
    %dma_wait3A_262 = arith.constant 32 : i32
    %dma_wait3A_263 = arith.constant 0 : i32
    %dma_wait3A_264 = tpu.memref_slice %arg7[%dma_wait3A_262, %dma_wait3A_263] : memref<128x128xf32, #tpu.memory_space<vmem>> -> memref<8x128xf32, #tpu.memory_space<vmem>>
    %dma_wait3A_265 = arith.constant 8 : i32
    %dma_wait3A_266 = tpu.memref_slice %arg4[%dma_wait3A_265, %add3A_27] : memref<32x16384xf32, #tpu.memory_space<hbm>> -> memref<8x128xf32, #tpu.memory_space<hbm>>
    %dma_wait3A_267 = arith.constant 8 : i32
    %dma_wait3A_268 = tpu.memref_slice %arg4[%dma_wait3A_267, %add3A_27] : memref<32x16384xf32, #tpu.memory_space<hbm>> -> memref<8x128xf32, #tpu.memory_space<hbm>>
    %dma_wait3A_269 = arith.constant 32 : i32
    %dma_wait3A_270 = arith.constant 0 : i32
    %dma_wait3A_271 = tpu.memref_slice %arg7[%dma_wait3A_269, %dma_wait3A_270] : memref<128x128xf32, #tpu.memory_space<vmem>> -> memref<8x128xf32, #tpu.memory_space<vmem>>
    tpu.wait_dma2 semaphore(%arg8 : memref<!tpu.dma_semaphore, #tpu.memory_space<semaphore_mem>>) src(%dma_wait3A_271 : memref<8x128xf32, #tpu.memory_space<vmem>>) dst(%dma_wait3A_268 : memref<8x128xf32, #tpu.memory_space<hbm>>)
    %dma_wait3A_272 = arith.constant 64 : i32
    %dma_wait3A_273 = arith.constant 0 : i32
    %dma_wait3A_274 = tpu.memref_slice %arg7[%dma_wait3A_272, %dma_wait3A_273] : memref<128x128xf32, #tpu.memory_space<vmem>> -> memref<8x128xf32, #tpu.memory_space<vmem>>
    %dma_wait3A_275 = arith.constant 16 : i32
    %dma_wait3A_276 = tpu.memref_slice %arg4[%dma_wait3A_275, %add3A_41] : memref<32x16384xf32, #tpu.memory_space<hbm>> -> memref<8x128xf32, #tpu.memory_space<hbm>>
    %dma_wait3A_277 = arith.constant 16 : i32
    %dma_wait3A_278 = tpu.memref_slice %arg4[%dma_wait3A_277, %add3A_41] : memref<32x16384xf32, #tpu.memory_space<hbm>> -> memref<8x128xf32, #tpu.memory_space<hbm>>
    %dma_wait3A_279 = arith.constant 64 : i32
    %dma_wait3A_280 = arith.constant 0 : i32
    %dma_wait3A_281 = tpu.memref_slice %arg7[%dma_wait3A_279, %dma_wait3A_280] : memref<128x128xf32, #tpu.memory_space<vmem>> -> memref<8x128xf32, #tpu.memory_space<vmem>>
    tpu.wait_dma2 semaphore(%arg8 : memref<!tpu.dma_semaphore, #tpu.memory_space<semaphore_mem>>) src(%dma_wait3A_281 : memref<8x128xf32, #tpu.memory_space<vmem>>) dst(%dma_wait3A_278 : memref<8x128xf32, #tpu.memory_space<hbm>>)
    %dma_wait3A_282 = arith.constant 96 : i32
    %dma_wait3A_283 = arith.constant 0 : i32
    %dma_wait3A_284 = tpu.memref_slice %arg7[%dma_wait3A_282, %dma_wait3A_283] : memref<128x128xf32, #tpu.memory_space<vmem>> -> memref<8x128xf32, #tpu.memory_space<vmem>>
    %dma_wait3A_285 = arith.constant 24 : i32
    %dma_wait3A_286 = tpu.memref_slice %arg4[%dma_wait3A_285, %add3A_55] : memref<32x16384xf32, #tpu.memory_space<hbm>> -> memref<8x128xf32, #tpu.memory_space<hbm>>
    %dma_wait3A_287 = arith.constant 24 : i32
    %dma_wait3A_288 = tpu.memref_slice %arg4[%dma_wait3A_287, %add3A_55] : memref<32x16384xf32, #tpu.memory_space<hbm>> -> memref<8x128xf32, #tpu.memory_space<hbm>>
    %dma_wait3A_289 = arith.constant 96 : i32
    %dma_wait3A_290 = arith.constant 0 : i32
    %dma_wait3A_291 = tpu.memref_slice %arg7[%dma_wait3A_289, %dma_wait3A_290] : memref<128x128xf32, #tpu.memory_space<vmem>> -> memref<8x128xf32, #tpu.memory_space<vmem>>
    tpu.wait_dma2 semaphore(%arg8 : memref<!tpu.dma_semaphore, #tpu.memory_space<semaphore_mem>>) src(%dma_wait3A_291 : memref<8x128xf32, #tpu.memory_space<vmem>>) dst(%dma_wait3A_288 : memref<8x128xf32, #tpu.memory_space<hbm>>)
    %dma_wait3A_292 = arith.constant 8 : i32
    %dma_wait3A_293 = arith.constant 0 : i32
    %dma_wait3A_294 = tpu.memref_slice %arg7[%dma_wait3A_292, %dma_wait3A_293] : memref<128x128xf32, #tpu.memory_space<vmem>> -> memref<8x128xf32, #tpu.memory_space<vmem>>
    %dma_wait3A_295 = arith.constant 0 : i32
    %dma_wait3A_296 = tpu.memref_slice %arg4[%dma_wait3A_295, %add3A_75] : memref<32x16384xf32, #tpu.memory_space<hbm>> -> memref<8x128xf32, #tpu.memory_space<hbm>>
    %dma_wait3A_297 = arith.constant 0 : i32
    %dma_wait3A_298 = tpu.memref_slice %arg4[%dma_wait3A_297, %add3A_75] : memref<32x16384xf32, #tpu.memory_space<hbm>> -> memref<8x128xf32, #tpu.memory_space<hbm>>
    %dma_wait3A_299 = arith.constant 8 : i32
    %dma_wait3A_300 = arith.constant 0 : i32
    %dma_wait3A_301 = tpu.memref_slice %arg7[%dma_wait3A_299, %dma_wait3A_300] : memref<128x128xf32, #tpu.memory_space<vmem>> -> memref<8x128xf32, #tpu.memory_space<vmem>>
    tpu.wait_dma2 semaphore(%arg8 : memref<!tpu.dma_semaphore, #tpu.memory_space<semaphore_mem>>) src(%dma_wait3A_301 : memref<8x128xf32, #tpu.memory_space<vmem>>) dst(%dma_wait3A_298 : memref<8x128xf32, #tpu.memory_space<hbm>>)
    %dma_wait3A_302 = arith.constant 40 : i32
    %dma_wait3A_303 = arith.constant 0 : i32
    %dma_wait3A_304 = tpu.memref_slice %arg7[%dma_wait3A_302, %dma_wait3A_303] : memref<128x128xf32, #tpu.memory_space<vmem>> -> memref<8x128xf32, #tpu.memory_space<vmem>>
    %dma_wait3A_305 = arith.constant 8 : i32
    %dma_wait3A_306 = tpu.memref_slice %arg4[%dma_wait3A_305, %add3A_89] : memref<32x16384xf32, #tpu.memory_space<hbm>> -> memref<8x128xf32, #tpu.memory_space<hbm>>
    %dma_wait3A_307 = arith.constant 8 : i32
    %dma_wait3A_308 = tpu.memref_slice %arg4[%dma_wait3A_307, %add3A_89] : memref<32x16384xf32, #tpu.memory_space<hbm>> -> memref<8x128xf32, #tpu.memory_space<hbm>>
    %dma_wait3A_309 = arith.constant 40 : i32
    %dma_wait3A_310 = arith.constant 0 : i32
    %dma_wait3A_311 = tpu.memref_slice %arg7[%dma_wait3A_309, %dma_wait3A_310] : memref<128x128xf32, #tpu.memory_space<vmem>> -> memref<8x128xf32, #tpu.memory_space<vmem>>
    tpu.wait_dma2 semaphore(%arg8 : memref<!tpu.dma_semaphore, #tpu.memory_space<semaphore_mem>>) src(%dma_wait3A_311 : memref<8x128xf32, #tpu.memory_space<vmem>>) dst(%dma_wait3A_308 : memref<8x128xf32, #tpu.memory_space<hbm>>)
    %dma_wait3A_312 = arith.constant 72 : i32
    %dma_wait3A_313 = arith.constant 0 : i32
    %dma_wait3A_314 = tpu.memref_slice %arg7[%dma_wait3A_312, %dma_wait3A_313] : memref<128x128xf32, #tpu.memory_space<vmem>> -> memref<8x128xf32, #tpu.memory_space<vmem>>
    %dma_wait3A_315 = arith.constant 16 : i32
    %dma_wait3A_316 = tpu.memref_slice %arg4[%dma_wait3A_315, %add3A_103] : memref<32x16384xf32, #tpu.memory_space<hbm>> -> memref<8x128xf32, #tpu.memory_space<hbm>>
    %dma_wait3A_317 = arith.constant 16 : i32
    %dma_wait3A_318 = tpu.memref_slice %arg4[%dma_wait3A_317, %add3A_103] : memref<32x16384xf32, #tpu.memory_space<hbm>> -> memref<8x128xf32, #tpu.memory_space<hbm>>
    %dma_wait3A_319 = arith.constant 72 : i32
    %dma_wait3A_320 = arith.constant 0 : i32
    %dma_wait3A_321 = tpu.memref_slice %arg7[%dma_wait3A_319, %dma_wait3A_320] : memref<128x128xf32, #tpu.memory_space<vmem>> -> memref<8x128xf32, #tpu.memory_space<vmem>>
    tpu.wait_dma2 semaphore(%arg8 : memref<!tpu.dma_semaphore, #tpu.memory_space<semaphore_mem>>) src(%dma_wait3A_321 : memref<8x128xf32, #tpu.memory_space<vmem>>) dst(%dma_wait3A_318 : memref<8x128xf32, #tpu.memory_space<hbm>>)
    %dma_wait3A_322 = arith.constant 104 : i32
    %dma_wait3A_323 = arith.constant 0 : i32
    %dma_wait3A_324 = tpu.memref_slice %arg7[%dma_wait3A_322, %dma_wait3A_323] : memref<128x128xf32, #tpu.memory_space<vmem>> -> memref<8x128xf32, #tpu.memory_space<vmem>>
    %dma_wait3A_325 = arith.constant 24 : i32
    %dma_wait3A_326 = tpu.memref_slice %arg4[%dma_wait3A_325, %add3A_117] : memref<32x16384xf32, #tpu.memory_space<hbm>> -> memref<8x128xf32, #tpu.memory_space<hbm>>
    %dma_wait3A_327 = arith.constant 24 : i32
    %dma_wait3A_328 = tpu.memref_slice %arg4[%dma_wait3A_327, %add3A_117] : memref<32x16384xf32, #tpu.memory_space<hbm>> -> memref<8x128xf32, #tpu.memory_space<hbm>>
    %dma_wait3A_329 = arith.constant 104 : i32
    %dma_wait3A_330 = arith.constant 0 : i32
    %dma_wait3A_331 = tpu.memref_slice %arg7[%dma_wait3A_329, %dma_wait3A_330] : memref<128x128xf32, #tpu.memory_space<vmem>> -> memref<8x128xf32, #tpu.memory_space<vmem>>
    tpu.wait_dma2 semaphore(%arg8 : memref<!tpu.dma_semaphore, #tpu.memory_space<semaphore_mem>>) src(%dma_wait3A_331 : memref<8x128xf32, #tpu.memory_space<vmem>>) dst(%dma_wait3A_328 : memref<8x128xf32, #tpu.memory_space<hbm>>)
    %dma_wait3A_332 = arith.constant 16 : i32
    %dma_wait3A_333 = arith.constant 0 : i32
    %dma_wait3A_334 = tpu.memref_slice %arg7[%dma_wait3A_332, %dma_wait3A_333] : memref<128x128xf32, #tpu.memory_space<vmem>> -> memref<8x128xf32, #tpu.memory_space<vmem>>
    %dma_wait3A_335 = arith.constant 0 : i32
    %dma_wait3A_336 = tpu.memref_slice %arg4[%dma_wait3A_335, %add3A_137] : memref<32x16384xf32, #tpu.memory_space<hbm>> -> memref<8x128xf32, #tpu.memory_space<hbm>>
    %dma_wait3A_337 = arith.constant 0 : i32
    %dma_wait3A_338 = tpu.memref_slice %arg4[%dma_wait3A_337, %add3A_137] : memref<32x16384xf32, #tpu.memory_space<hbm>> -> memref<8x128xf32, #tpu.memory_space<hbm>>
    %dma_wait3A_339 = arith.constant 16 : i32
    %dma_wait3A_340 = arith.constant 0 : i32
    %dma_wait3A_341 = tpu.memref_slice %arg7[%dma_wait3A_339, %dma_wait3A_340] : memref<128x128xf32, #tpu.memory_space<vmem>> -> memref<8x128xf32, #tpu.memory_space<vmem>>
    tpu.wait_dma2 semaphore(%arg8 : memref<!tpu.dma_semaphore, #tpu.memory_space<semaphore_mem>>) src(%dma_wait3A_341 : memref<8x128xf32, #tpu.memory_space<vmem>>) dst(%dma_wait3A_338 : memref<8x128xf32, #tpu.memory_space<hbm>>)
    %dma_wait3A_342 = arith.constant 48 : i32
    %dma_wait3A_343 = arith.constant 0 : i32
    %dma_wait3A_344 = tpu.memref_slice %arg7[%dma_wait3A_342, %dma_wait3A_343] : memref<128x128xf32, #tpu.memory_space<vmem>> -> memref<8x128xf32, #tpu.memory_space<vmem>>
    %dma_wait3A_345 = arith.constant 8 : i32
    %dma_wait3A_346 = tpu.memref_slice %arg4[%dma_wait3A_345, %add3A_151] : memref<32x16384xf32, #tpu.memory_space<hbm>> -> memref<8x128xf32, #tpu.memory_space<hbm>>
    %dma_wait3A_347 = arith.constant 8 : i32
    %dma_wait3A_348 = tpu.memref_slice %arg4[%dma_wait3A_347, %add3A_151] : memref<32x16384xf32, #tpu.memory_space<hbm>> -> memref<8x128xf32, #tpu.memory_space<hbm>>
    %dma_wait3A_349 = arith.constant 48 : i32
    %dma_wait3A_350 = arith.constant 0 : i32
    %dma_wait3A_351 = tpu.memref_slice %arg7[%dma_wait3A_349, %dma_wait3A_350] : memref<128x128xf32, #tpu.memory_space<vmem>> -> memref<8x128xf32, #tpu.memory_space<vmem>>
    tpu.wait_dma2 semaphore(%arg8 : memref<!tpu.dma_semaphore, #tpu.memory_space<semaphore_mem>>) src(%dma_wait3A_351 : memref<8x128xf32, #tpu.memory_space<vmem>>) dst(%dma_wait3A_348 : memref<8x128xf32, #tpu.memory_space<hbm>>)
    %dma_wait3A_352 = arith.constant 80 : i32
    %dma_wait3A_353 = arith.constant 0 : i32
    %dma_wait3A_354 = tpu.memref_slice %arg7[%dma_wait3A_352, %dma_wait3A_353] : memref<128x128xf32, #tpu.memory_space<vmem>> -> memref<8x128xf32, #tpu.memory_space<vmem>>
    %dma_wait3A_355 = arith.constant 16 : i32
    %dma_wait3A_356 = tpu.memref_slice %arg4[%dma_wait3A_355, %add3A_165] : memref<32x16384xf32, #tpu.memory_space<hbm>> -> memref<8x128xf32, #tpu.memory_space<hbm>>
    %dma_wait3A_357 = arith.constant 16 : i32
    %dma_wait3A_358 = tpu.memref_slice %arg4[%dma_wait3A_357, %add3A_165] : memref<32x16384xf32, #tpu.memory_space<hbm>> -> memref<8x128xf32, #tpu.memory_space<hbm>>
    %dma_wait3A_359 = arith.constant 80 : i32
    %dma_wait3A_360 = arith.constant 0 : i32
    %dma_wait3A_361 = tpu.memref_slice %arg7[%dma_wait3A_359, %dma_wait3A_360] : memref<128x128xf32, #tpu.memory_space<vmem>> -> memref<8x128xf32, #tpu.memory_space<vmem>>
    tpu.wait_dma2 semaphore(%arg8 : memref<!tpu.dma_semaphore, #tpu.memory_space<semaphore_mem>>) src(%dma_wait3A_361 : memref<8x128xf32, #tpu.memory_space<vmem>>) dst(%dma_wait3A_358 : memref<8x128xf32, #tpu.memory_space<hbm>>)
    %dma_wait3A_362 = arith.constant 112 : i32
    %dma_wait3A_363 = arith.constant 0 : i32
    %dma_wait3A_364 = tpu.memref_slice %arg7[%dma_wait3A_362, %dma_wait3A_363] : memref<128x128xf32, #tpu.memory_space<vmem>> -> memref<8x128xf32, #tpu.memory_space<vmem>>
    %dma_wait3A_365 = arith.constant 24 : i32
    %dma_wait3A_366 = tpu.memref_slice %arg4[%dma_wait3A_365, %add3A_179] : memref<32x16384xf32, #tpu.memory_space<hbm>> -> memref<8x128xf32, #tpu.memory_space<hbm>>
    %dma_wait3A_367 = arith.constant 24 : i32
    %dma_wait3A_368 = tpu.memref_slice %arg4[%dma_wait3A_367, %add3A_179] : memref<32x16384xf32, #tpu.memory_space<hbm>> -> memref<8x128xf32, #tpu.memory_space<hbm>>
    %dma_wait3A_369 = arith.constant 112 : i32
    %dma_wait3A_370 = arith.constant 0 : i32
    %dma_wait3A_371 = tpu.memref_slice %arg7[%dma_wait3A_369, %dma_wait3A_370] : memref<128x128xf32, #tpu.memory_space<vmem>> -> memref<8x128xf32, #tpu.memory_space<vmem>>
    tpu.wait_dma2 semaphore(%arg8 : memref<!tpu.dma_semaphore, #tpu.memory_space<semaphore_mem>>) src(%dma_wait3A_371 : memref<8x128xf32, #tpu.memory_space<vmem>>) dst(%dma_wait3A_368 : memref<8x128xf32, #tpu.memory_space<hbm>>)
    %dma_wait3A_372 = arith.constant 24 : i32
    %dma_wait3A_373 = arith.constant 0 : i32
    %dma_wait3A_374 = tpu.memref_slice %arg7[%dma_wait3A_372, %dma_wait3A_373] : memref<128x128xf32, #tpu.memory_space<vmem>> -> memref<8x128xf32, #tpu.memory_space<vmem>>
    %dma_wait3A_375 = arith.constant 0 : i32
    %dma_wait3A_376 = tpu.memref_slice %arg4[%dma_wait3A_375, %add3A_199] : memref<32x16384xf32, #tpu.memory_space<hbm>> -> memref<8x128xf32, #tpu.memory_space<hbm>>
    %dma_wait3A_377 = arith.constant 0 : i32
    %dma_wait3A_378 = tpu.memref_slice %arg4[%dma_wait3A_377, %add3A_199] : memref<32x16384xf32, #tpu.memory_space<hbm>> -> memref<8x128xf32, #tpu.memory_space<hbm>>
    %dma_wait3A_379 = arith.constant 24 : i32
    %dma_wait3A_380 = arith.constant 0 : i32
    %dma_wait3A_381 = tpu.memref_slice %arg7[%dma_wait3A_379, %dma_wait3A_380] : memref<128x128xf32, #tpu.memory_space<vmem>> -> memref<8x128xf32, #tpu.memory_space<vmem>>
    tpu.wait_dma2 semaphore(%arg8 : memref<!tpu.dma_semaphore, #tpu.memory_space<semaphore_mem>>) src(%dma_wait3A_381 : memref<8x128xf32, #tpu.memory_space<vmem>>) dst(%dma_wait3A_378 : memref<8x128xf32, #tpu.memory_space<hbm>>)
    %dma_wait3A_382 = arith.constant 56 : i32
    %dma_wait3A_383 = arith.constant 0 : i32
    %dma_wait3A_384 = tpu.memref_slice %arg7[%dma_wait3A_382, %dma_wait3A_383] : memref<128x128xf32, #tpu.memory_space<vmem>> -> memref<8x128xf32, #tpu.memory_space<vmem>>
    %dma_wait3A_385 = arith.constant 8 : i32
    %dma_wait3A_386 = tpu.memref_slice %arg4[%dma_wait3A_385, %add3A_213] : memref<32x16384xf32, #tpu.memory_space<hbm>> -> memref<8x128xf32, #tpu.memory_space<hbm>>
    %dma_wait3A_387 = arith.constant 8 : i32
    %dma_wait3A_388 = tpu.memref_slice %arg4[%dma_wait3A_387, %add3A_213] : memref<32x16384xf32, #tpu.memory_space<hbm>> -> memref<8x128xf32, #tpu.memory_space<hbm>>
    %dma_wait3A_389 = arith.constant 56 : i32
    %dma_wait3A_390 = arith.constant 0 : i32
    %dma_wait3A_391 = tpu.memref_slice %arg7[%dma_wait3A_389, %dma_wait3A_390] : memref<128x128xf32, #tpu.memory_space<vmem>> -> memref<8x128xf32, #tpu.memory_space<vmem>>
    tpu.wait_dma2 semaphore(%arg8 : memref<!tpu.dma_semaphore, #tpu.memory_space<semaphore_mem>>) src(%dma_wait3A_391 : memref<8x128xf32, #tpu.memory_space<vmem>>) dst(%dma_wait3A_388 : memref<8x128xf32, #tpu.memory_space<hbm>>)
    %dma_wait3A_392 = arith.constant 88 : i32
    %dma_wait3A_393 = arith.constant 0 : i32
    %dma_wait3A_394 = tpu.memref_slice %arg7[%dma_wait3A_392, %dma_wait3A_393] : memref<128x128xf32, #tpu.memory_space<vmem>> -> memref<8x128xf32, #tpu.memory_space<vmem>>
    %dma_wait3A_395 = arith.constant 16 : i32
    %dma_wait3A_396 = tpu.memref_slice %arg4[%dma_wait3A_395, %add3A_227] : memref<32x16384xf32, #tpu.memory_space<hbm>> -> memref<8x128xf32, #tpu.memory_space<hbm>>
    %dma_wait3A_397 = arith.constant 16 : i32
    %dma_wait3A_398 = tpu.memref_slice %arg4[%dma_wait3A_397, %add3A_227] : memref<32x16384xf32, #tpu.memory_space<hbm>> -> memref<8x128xf32, #tpu.memory_space<hbm>>
    %dma_wait3A_399 = arith.constant 88 : i32
    %dma_wait3A_400 = arith.constant 0 : i32
    %dma_wait3A_401 = tpu.memref_slice %arg7[%dma_wait3A_399, %dma_wait3A_400] : memref<128x128xf32, #tpu.memory_space<vmem>> -> memref<8x128xf32, #tpu.memory_space<vmem>>
    tpu.wait_dma2 semaphore(%arg8 : memref<!tpu.dma_semaphore, #tpu.memory_space<semaphore_mem>>) src(%dma_wait3A_401 : memref<8x128xf32, #tpu.memory_space<vmem>>) dst(%dma_wait3A_398 : memref<8x128xf32, #tpu.memory_space<hbm>>)
    %dma_wait3A_402 = arith.constant 120 : i32
    %dma_wait3A_403 = arith.constant 0 : i32
    %dma_wait3A_404 = tpu.memref_slice %arg7[%dma_wait3A_402, %dma_wait3A_403] : memref<128x128xf32, #tpu.memory_space<vmem>> -> memref<8x128xf32, #tpu.memory_space<vmem>>
    %dma_wait3A_405 = arith.constant 24 : i32
    %dma_wait3A_406 = tpu.memref_slice %arg4[%dma_wait3A_405, %add3A_241] : memref<32x16384xf32, #tpu.memory_space<hbm>> -> memref<8x128xf32, #tpu.memory_space<hbm>>
    %dma_wait3A_407 = arith.constant 24 : i32
    %dma_wait3A_408 = tpu.memref_slice %arg4[%dma_wait3A_407, %add3A_241] : memref<32x16384xf32, #tpu.memory_space<hbm>> -> memref<8x128xf32, #tpu.memory_space<hbm>>
    %dma_wait3A_409 = arith.constant 120 : i32
    %dma_wait3A_410 = arith.constant 0 : i32
    %dma_wait3A_411 = tpu.memref_slice %arg7[%dma_wait3A_409, %dma_wait3A_410] : memref<128x128xf32, #tpu.memory_space<vmem>> -> memref<8x128xf32, #tpu.memory_space<vmem>>
    tpu.wait_dma2 semaphore(%arg8 : memref<!tpu.dma_semaphore, #tpu.memory_space<semaphore_mem>>) src(%dma_wait3A_411 : memref<8x128xf32, #tpu.memory_space<vmem>>) dst(%dma_wait3A_408 : memref<8x128xf32, #tpu.memory_space<hbm>>)
    return
  }
}

module attributes {stable_mosaic.version = 14 : i64} {
  func.func @_bucket_body(%arg0: i32, %arg1: memref<64x8192xf32, #tpu.memory_space<vmem>>, %arg2: memref<64x8192xf32, #tpu.memory_space<vmem>>, %arg3: memref<128x1xf32, #tpu.memory_space<vmem>>, %arg4: memref<8192xi32, #tpu.memory_space<vmem>>) attributes {dimension_semantics = [#tpu.dimension_semantics<arbitrary>], iteration_bounds = array<i64: 2>, scalar_prefetch = 0 : i64, scratch_operands = 0 : i64, tpu.core_type = #tpu.core_type<tc>, window_params = [{transform_indices = @transform_0, window_bounds = array<i64: 64, 8192>}, {transform_indices = @transform_1, window_bounds = array<i64: 64, 8192>}, {pipeline_mode = #tpu.pipeline_mode<synchronous>, transform_indices = @transform_2, window_bounds = array<i64: 128, 1>}, {transform_indices = @transform_3, window_bounds = array<i64: 8192>}]} {
    %get3A = arith.constant 0 : index
    %get3A_0 = arith.constant 0 : index
    %get3A_1 = vector.load %arg1[%get3A, %get3A_0] : memref<64x8192xf32, #tpu.memory_space<vmem>>, vector<64x8192xf32>
    %get3A_2 = arith.constant 0 : index
    %get3A_3 = arith.constant 0 : index
    %get3A_4 = vector.load %arg2[%get3A_2, %get3A_3] : memref<64x8192xf32, #tpu.memory_space<vmem>>, vector<64x8192xf32>
    %mul3A = arith.mulf %get3A_1, %get3A_4 : vector<64x8192xf32>
    %reduce_sum3A = arith.constant dense<0.000000e+00> : vector<8192xf32>
    %reduce_sum3A_5 = vector.multi_reduction <add>, %mul3A, %reduce_sum3A [0] : vector<64x8192xf32> to vector<8192xf32>
    %broadcast_in_dim3A = vector.shape_cast %reduce_sum3A_5 : vector<8192xf32> to vector<1x8192xf32>
    %get3A_6 = arith.constant 0 : index
    %get3A_7 = arith.constant 0 : index
    %get3A_8 = vector.load %arg3[%get3A_6, %get3A_7] : memref<128x1xf32, #tpu.memory_space<vmem>>, vector<128x1xf32>
    %ge3A = vector.broadcast %broadcast_in_dim3A : vector<1x8192xf32> to vector<128x8192xf32>
    %ge3A_9 = vector.broadcast %get3A_8 : vector<128x1xf32> to vector<128x8192xf32>
    %ge3A_10 = arith.cmpf oge, %ge3A, %ge3A_9 : vector<128x8192xf32>
    %convert_element_type3A = arith.extui %ge3A_10 : vector<128x8192xi1> to vector<128x8192xi32>
    %reduce_sum3A_11 = arith.constant dense<0> : vector<8192xi32>
    %reduce_sum3A_12 = vector.multi_reduction <add>, %convert_element_type3A, %reduce_sum3A_11 [0] : vector<128x8192xi32> to vector<8192xi32>
    %swap3A = arith.constant 0 : index
    %swap3A_13 = vector.load %arg4[%swap3A] : memref<8192xi32, #tpu.memory_space<vmem>>, vector<8192xi32>
    tpu.vector_store %arg4[%swap3A], %reduce_sum3A_12 {strides = array<i32>} : memref<8192xi32, #tpu.memory_space<vmem>>, vector<8192xi32>,
    return
  }
  func.func @transform_0(%arg0: i32) -> (i32, i32) {
    %c0_i32 = arith.constant 0 : i32
    %c0_i32_0 = arith.constant 0 : i32
    return %c0_i32, %arg0 : i32, i32
  }
  func.func @transform_1(%arg0: i32) -> (i32, i32) {
    %c0_i32 = arith.constant 0 : i32
    %c0_i32_0 = arith.constant 0 : i32
    return %c0_i32, %arg0 : i32, i32
  }
  func.func @transform_2(%arg0: i32) -> (i32, i32) {
    %c0_i32 = arith.constant 0 : i32
    %c0_i32_0 = arith.constant 0 : i32
    %c0_i32_1 = arith.constant 0 : i32
    return %c0_i32, %c0_i32_0 : i32, i32
  }
  func.func @transform_3(%arg0: i32) -> i32 {
    %c0_i32 = arith.constant 0 : i32
    return %arg0 : i32
  }
}

</mosaic_0001>

<sc_bundles>
// kernel: kernel.4.cloned.1.call-start
scs
__scs_entry_jumppad:
0x0: {  	(pc) =	sbr.rel $0x88, $3  }
0x1: {  	(tag) =	ssettag $0x0;
	lr =	simm.s32 $0x1  }
0x2: {  	[smem:$0x3F9D] =	sst lr;
	_ =	strace $0xD0000000  }
0x3: {  	_ = 	snop  }
0x4: {  	_ = 	snop  }
0x5: {  	_ = 	snop  }
0x6: {  	_ = 	snop  }
0x7: {  	_ = 	snop  }
__scs_overlays_trampoline_lowered:
0x8: {  	[smem:$0x3FAC] =	sst s0  }
0x9: {  	[smem:$0x3FAD] =	sst s1  }
0xa: {  	[smem:$0x3FAE] =	sst s2  }
0xb: {  	[smem:$0x3FAF] =	sst s3  }
0xc: {  	[smem:$0x3FB0] =	sst s4  }
0xd: {  	[smem:$0x3FB1] =	sst s5  }
0xe: {  	[smem:$0x3FB2] =	sst s6  }
0xf: {  	[smem:$0x3FB3] =	sst s7  }
0x10: {  	[smem:$0x3FB4] =	sst s8  }
0x11: {  	[smem:$0x3FB5] =	sst s9;
	s0 =	simm.s32 @!p0 $0x0  }
0x12: {  	s1 =	sld [smem:$0x3F9B];
	s0 =	simm.s32 @p0 $0x1  }
0x13: {  	[smem:$0x3FB6] =	sst s0;
	s0 =	simm.s32 @!p1 $0x0  }
0x14: {  	s2 =	sld [smem:$0x3F9A];
	s0 =	simm.s32 @p1 $0x1  }
0x15: {  	[smem:$0x3FB7] =	sst s0;
	s0 =	simm.s32 @!p2 $0x0  }
0x16: {  	s3 =	sld [smem:$0x3FDB];
	s0 =	simm.s32 @p2 $0x1  }
0x17: {  	s4 =	simm.s32 $0x1BF5;
	[smem:$0x3FB9] =	sst s0  }
0x18: {  	s0 =	sld [smem:$0x3F9C];
	_ =	swait.ge [sflag:s4], $0x0  }
0x19: {  	s7 =	sld [smem:$0x3F9D]  }
0x1a: {  	s8 =	sadd.s32 $0xFFFFE003, lr  }
0x1b: {  	s9 =	sadd.s32 $0xFFFFFEF7, lr;
	s5 =	simm.s32 $0xFFFFFFFF;
	p2 =	slt.u32 s8, $0xFFFFF086  }
0x1c: {  	p1 =	slt.u32 s9, $0xF7A;
	s5 =	simm.s32 @!p2 $0x0  }
0x1d: {  	s5 =	simm.s32 @p1 $0x1;
	p0 =	seq.s32 s7, s2  }
0x1e: {  	s7 =	smul.u32 @!p0 $0xF7A, s2;
	p2 =	seq.s32 @!p0 s5, $0x0  }
0x1f: {  	s9 =	smul.u32 $0xF7A, s1;
	s8 =	simm.s32 @!p0 $0x1BF5;
	p2 =	por !p2, p0  }
0x20: {  	[sflag:s8] =	ssyncset.s32 @!p0 $0xFFFFF086;
	s6 =	sadd.s32 @!p0 s3, s7;
	s7 =	simm.s32 @!p0 $0x108  }
0x21: {  	s3 =	sadd.s32 s3, s9;
	s6 =	sadd.s32 @!p0 $0x88, s6;
	s7 =	simm.s32 @p2 $0x1082  }
0x22: {  	[simem:s7], [sflag:s8] =	dma.local @!p0 [hbm:s6], $0xF7A  }
0x23: {  	s9 =	sor.u32 $0xD0000000, s2;
	s6 =	simm.s32 $0x108;
	_ =	swait.ge @!p0 [sflag:s8], $0x0  }
0x24: {  	s3 =	sadd.s32 $0x88, s3;
	s6 =	simm.s32 @!p1 $0x1082;
	[sflag:s4] =	ssyncset.s32 $0xFFFFF086  }
0x25: {  	[simem:s6], [sflag:s4] =	dma.local [hbm:s3], $0xF7A  }
0x26: {  	[smem:$0x3F9D] =	sst s1;
	(tag) =	ssettag s2;
	_ =	strace s9  }
0x27: {  	s1 =	sld [smem:$0x3FAD]  }
0x28: {  	s2 =	sld [smem:$0x3FAE]  }
0x29: {  	s4 =	sld [smem:$0x3FB0]  }
0x2a: {  	p0 =	seq.s32 s5, $0x0;
	s5 =	sld [smem:$0x3FB1]  }
0x2b: {  	s6 =	sld [smem:$0x3FB2]  }
0x2c: {  	s7 =	sld [smem:$0x3FB3]  }
0x2d: {  	s3 =	simm.s32 $0x108;
	s8 =	sld [smem:$0x3FB4]  }
0x2e: {  	s3 =	simm.s32 @!p0 $0x1082;
	s9 =	sld [smem:$0x3FB5]  }
0x2f: {  	lr =	sadd.s32 s0, s3;
	s0 =	sld [smem:$0x3FAC]  }
0x30: {  	s3 =	sld [smem:$0x3FAF]  }
0x31: {  	[smem:$0x3FB8] =	sst s10  }
0x32: {  	s10 =	sld [smem:$0x3FB6];
	_ =	sdelay $0x3  }
0x33: {  	p0 =	seq.s32 s10, $0x1;
	s10 =	sld [smem:$0x3FB8];
	_ =	sdelay $0x3  }
0x34: {  	[smem:$0x3FB8] =	sst s10  }
0x35: {  	s10 =	sld [smem:$0x3FB7];
	_ =	sdelay $0x3  }
0x36: {  	p1 =	seq.s32 s10, $0x1;
	s10 =	sld [smem:$0x3FB8];
	_ =	sdelay $0x3  }
0x37: {  	[smem:$0x3FB8] =	sst s10  }
0x38: {  	s10 =	sld [smem:$0x3FB9]  }
0x39: {  	_ = 	snop;
	(pc) =	sbr.ind lr, $3  }
0x3a: {  	_ = 	snop  }
0x3b: {  	_ = 	snop  }
0x3c: {  	p2 =	seq.s32 s10, $0x1;
	s10 =	sld [smem:$0x3FB8]  }
0x3d: {  	_ =	shalt  }
0x3e: {  	_ =	shalt  }
0x3f: {  	_ =	shalt  }
0x40: {  	_ =	shalt  }
0x41: {  	_ =	shalt  }
0x42: {  	_ =	shalt  }
0x43: {  	_ =	shalt  }
0x44: {  	_ =	shalt  }
0x45: {  	_ =	shalt  }
0x46: {  	_ =	shalt  }
0x47: {  	_ =	shalt  }
0x48: {  	_ =	shalt  }
0x49: {  	_ =	shalt  }
0x4a: {  	_ =	shalt  }
0x4b: {  	_ =	shalt  }
0x4c: {  	_ =	shalt  }
0x4d: {  	_ =	shalt  }
0x4e: {  	_ =	shalt  }
0x4f: {  	_ =	shalt  }
0x50: {  	_ =	shalt  }
0x51: {  	_ =	shalt  }
0x52: {  	_ =	shalt  }
0x53: {  	_ =	shalt  }
0x54: {  	_ =	shalt  }
0x55: {  	_ =	shalt  }
0x56: {  	_ =	shalt  }
0x57: {  	_ =	shalt  }
0x58: {  	_ =	shalt  }
0x59: {  	_ =	shalt  }
0x5a: {  	_ =	shalt  }
0x5b: {  	_ =	shalt  }
0x5c: {  	_ =	shalt  }
0x5d: {  	_ =	shalt  }
0x5e: {  	_ =	shalt  }
0x5f: {  	_ =	shalt  }
0x60: {  	_ =	shalt  }
0x61: {  	_ =	shalt  }
0x62: {  	_ =	shalt  }
0x63: {  	_ =	shalt  }
0x64: {  	_ =	shalt  }
0x65: {  	_ =	shalt  }
0x66: {  	_ =	shalt  }
0x67: {  	_ =	shalt  }
0x68: {  	_ =	shalt  }
0x69: {  	_ =	shalt  }
0x6a: {  	_ =	shalt  }
0x6b: {  	_ =	shalt  }
0x6c: {  	_ =	shalt  }
0x6d: {  	_ =	shalt  }
0x6e: {  	_ =	shalt  }
0x6f: {  	_ =	shalt  }
0x70: {  	_ =	shalt  }
0x71: {  	_ =	shalt  }
0x72: {  	_ =	shalt  }
0x73: {  	_ =	shalt  }
0x74: {  	_ =	shalt  }
0x75: {  	_ =	shalt  }
0x76: {  	_ =	shalt  }
0x77: {  	_ =	shalt  }
0x78: {  	_ =	shalt  }
0x79: {  	_ =	shalt  }
0x7a: {  	_ =	shalt  }
0x7b: {  	_ =	shalt  }
0x7c: {  	_ =	shalt  }
0x7d: {  	_ =	shalt  }
0x7e: {  	_ =	shalt  }
0x7f: {  	_ =	shalt  }
0x80: {  	_ =	shalt  }
0x81: {  	_ =	shalt  }
0x82: {  	_ =	shalt  }
0x83: {  	_ =	shalt  }
0x84: {  	_ =	shalt  }
0x85: {  	_ =	shalt  }
0x86: {  	_ =	shalt  }
0x87: {  	_ =	shalt  }
.Lfunc_end0:
.L_simem_size_0:
called_computation_lowered:
.L_overlay_start_0:
0x88: {  	s2 =	sld [smem:$0x3FD9]  }
0x89: {  	s3 =	sld [smem:$0x3FFE];
	_ =	sdelay $0x1  }
0x8a: {  	s1 =	srdreg.scid  }
0x8b: {  	s0 =	sand.u32 $0x1, s1  }
0x8c: {  	s17 =	sshll.u32 s0, $0xA;
	s2 =	sadd.s32 s3, s2  }
0x8d: {  	s2 =	sadd.s32 s2, s17  }
0x8e: {  	[smem:$0x3FC4] =	sst s2  }
0x8f: {  	_ = 	snop  }
0x90: {  	s2 =	sld [smem:$0x3FD0];
	(tm) =	ssettm $0x1  }
0x91: {  	s18 =	sld [smem:$0x3FFB];
	_ =	sdelay $0x3  }
0x92: {  	_ =	strace s18  }
0x93: {  	s3 =	sld [smem:$0x3FFC];
	_ =	sdelay $0x3  }
0x94: {  	_ =	strace s3  }
0x95: {  	s3 =	sld [smem:$0x3FFD];
	_ =	sdelay $0x3  }
0x96: {  	_ =	strace s3  }
0x97: {  	_ =	strace $0x8FFFFFFF  }
0x98: {  	s19 =	sld [smem:$0x3FDB];
	_ =	sdelay $0x1  }
0x99: {  	s4 =	simm.s32 $_scs_section_size  }
0x9a: {  	s5 =	simm.s32 $_size__tile_overlayer_lowered;
	s6 =	simm.s32 $_tile_overlayer_lowered  }
0x9b: {  	s22 =	simm.s32 $0x1BFF;
	s21 =	sshll.u32 s6, $0x1;
	s3 =	sadd.s32 s4, s19  }
0x9c: {  	s7 =	simm.s32 $0x0;
	s20 =	sshll.u32 s5, $0x1;
	s5 =	sadd.s32 s21, s3  }
0x9d: {  	[timem:s7], [sflag:s22] =	dma.local [hbm:s5], s20  }
0x9e: {  	_ =	swait.ge [sflag:s22], s20  }
0x9f: {  	s4 =	ssub.s32 $0x0, s20;
	[sflag:s22] =	ssyncset.done $0x0  }
0xa0: {  	[sflag:s22] =	ssyncadd.s32 s4;
	_ =	sdelay $0x1  }
0xa1: {  	s23 =	simm.s32 $0x1B8B  }
0xa2: {  	_ =	swait.ge [sflag:s23], $0x1  }
0xa3: {  	[sflag:s23] =	ssyncset.done $0x0  }
0xa4: {  	s25 =	simm.s32 $0x1B8E;
	s24 =	sld [smem:$0x3FFE];
	[sflag:s23] =	ssyncadd.s32 $0xFFFFFFFF  }
0xa5: {  	s26 =	simm.s32 $execute0_lowered;
	[smem:$0x3FD2] =	sst s25  }
0xa6: {  	s5 =	sshll.u32 s26, $0x1;
	_ =	strace $0x80000046;
	[dreg:$0x1] =	wrdreg $0xFFFFFFFF  }
0xa7: {  	s28 =	simm.s32 $_size_execute0_lowered;
	s3 =	sadd.s32 s3, s5;
	[dreg:$0x0] =	wrdreg $0x0  }
0xa8: {  	s5 =	sshll.u32 s28, $0x1;
	[dreg:$0x2] =	wrdreg s3  }
0xa9: {  	[dreg:$0x3] =	wrdreg s5  }
0xaa: {  	[dreg:$0x4] =	wrdreg $0xC0  }
0xab: {  	_ =	task [dreg:s7], $0x5FFFF  }
0xac: {  	[dreg:$0x1] =	wrdreg $0xFFFFFFFF  }
0xad: {  	[dreg:$0x0] =	wrdreg $0x60  }
0xae: {  	[dreg:$0x2] =	wrdreg s24  }
0xaf: {  	[dreg:$0x3] =	wrdreg s2  }
0xb0: {  	[dreg:$0x4] =	wrdreg $0x9  }
0xb1: {  	_ =	task.clear_ibuf [dreg:s7], $0x5FFFF;
	_ =	strace $0x90000046  }
0xb2: {  	s29 =	simm.s32 $0x9;
	_ =	strace $0x80000048  }
0xb3: {  	_ =	swait.ge [sflag:s29], $0x1  }
0xb4: {  	[sflag:s29] =	ssyncadd.s32 $0xFFFFFFFF  }
0xb5: {  	_ =	strace $0x90000048  }
0xb6: {  	_ =	sfence  }
0xb7: {  	s30 =	sld [smem:$0x0];
	_ =	sdelay $0x2  }
0xb8: {  	s31 =	sshll.u32 s1, $0xD;
	s1 =	sshrl.u32 s1, $0x2  }
0xb9: {  	s3 =	sand.u32 $0x4000, s31;
	s1 =	sadd.s32 s1, s30  }
0xba: {  	s0 =	sor.u32 s3, s0;
	s1 =	sshll.u32 s1, $0x11  }
0xbb: {  	s0 =	sor.u32 s1, s0  }
0xbc: {  	s0 =	sadd.s32 $0x8F2B, s0  }
0xbd: {  	[sflag:s0] =	ssyncadd.remote.s32 $0x1  }
0xbe: {  	_ =	sfence.sel $0xFFFF  }
0xbf: {  	[dreg:$0x0] =	wrdreg $0xFFFFFFFF;
	(pc) =	sbr.abs _section_cstart, $3  }
0xc0: {  	[dreg:$0x1] =	wrdreg $0xFFFFFFFF  }
0xc1: {  	_ =	task.clear_ibuf [dreg:s7], $0x2FFFF;
	_ =	strace $0x9FFFFFFF  }
0xc2: {  	(tm) =	ssettm $0x7FFFFFFF  }
0xc3: {  	_ =	shalt  }
tec
execute0_lowered:
.L_overlay_start_1:
0x0: {  	(tag) =	ssettag $0x1  }
0x1: {  	s0 =	rddreg [dreg:$0x0]  }
0x2: {  	s1 =	rddreg [dreg:$0x1]  }
0x3: {  	s2 =	srdreg.scid;
	s4 =	stileid.u32  }
0x4: {  	s22 =	simm.s32 $0x200;
	s23 =	simm.s32 $0x2;
	s31 =	simm.s32 $0x4E00  }
0x5: {  	s3 =	sand.u32 $0x1, s2;
	s2 =	simm.s32 $0x0;
	s4 =	sshll.u32 s4, $0xA  }
0x6: {  	s5 =	sshll.u32 s3, $0x9;
	[smem:$0x7FF] =	sst s2;
	s6 =	ssub.s32 $0x2, s3  }
0x7: {  	s3 =	sadd.s32 $0xA00, s0;
	s5 =	sor.u32 s5, s4;
	s30 =	sshrl.u32 s6, $0x1  }
0x8: {  	_ =	strace $0x80000047;
	s4 =	sshrl.u32 s5, $0x3;
	s21 =	ssub.s32 s6, s30  }
0x9: {  	s5 =	sadd.s32 s1, s5;
	s1 =	simm.s32 $0x0;
	s0 =	sadd.s32 s4, s0  }
0xa: {  	s6 =	sadd.s32 $0x4000, s5;
	s7 =	sadd.s32 $0x8000, s5;
	s8 =	sadd.s32 $0xC000, s5  }
0xb: {  	s9 =	sadd.s32 $0x80, s5;
	s10 =	sadd.s32 $0x4080, s5;
	s11 =	sadd.s32 $0x8080, s5  }
0xc: {  	s12 =	sadd.s32 $0xC080, s5;
	s13 =	sadd.s32 $0x100, s5;
	s14 =	sadd.s32 $0x4100, s5  }
0xd: {  	s15 =	sadd.s32 $0x8100, s5;
	s16 =	sadd.s32 $0xC100, s5;
	s17 =	sadd.s32 $0x180, s5  }
0xe: {  	s18 =	sadd.s32 $0x4180, s5;
	s19 =	sadd.s32 $0x8180, s5;
	s20 =	sadd.s32 $0xC180, s5  }
0xf: {  	s21 =	smax.u32 s21, $0x1;
	s4 =	sadd.s32 $0xC00, s0;
	s0 =	simm.s32 $0x1  }
.LBB2_1:
0x10: {  	[tilespmem:s2], [sflag:$0x2] =	stream.linear.gather [hbm4b:s4+s2], $0x200, $0x38;
	[tilespmem:$0x5200] =	vst v63  }
0x11: {  	_ = 	snop  }
0x12: {  	[tilespmem:s22], [sflag:$0x2] =	stream.linear.gather [hbm4b:s3+s2], $0x1000, $0x38;
	[tilespmem:$0x5200] =	vst v63  }
0x13: {  	_ =	swait.ge [sflag:s23], $0x200  }
0x14: {  	[sflag:s23] =	ssyncset.done $0x0  }
0x15: {  	[sflag:s23] =	ssyncadd.s32 $0xFFFFFE00  }
0x16: {  	_ =	swait.ge [sflag:s23], $0x1000  }
0x17: {  	[sflag:s23] =	ssyncset.done $0x0  }
0x18: {  	s24 =	simm.s32 $0x0;
	[sflag:s23] =	ssyncadd.s32 $0xFFFFF000  }
0x19: {  	v0 =	vld [tilespmem:s24+$0x0];
	_ =	sdelay $0x4  }
0x1a: {  	v0 =	vshll.u32 v0, $0x5;
	_ =	sdelay $0x4  }
0x1b: {  	v1 =	vld.idx.msk [tilespmem:v0+s22+$0x0], $0xffff  }
0x1c: {  	v2 =	vor.u32 $0x1, v0;
	_ =	sdelay $0x3  }
0x1d: {  	[tilespmem:s24+$0x1200] =	vst v1  }
0x1e: {  	v1 =	vld.idx.msk [tilespmem:v2+s22+$0x0], $0xffff  }
0x1f: {  	v2 =	vor.u32 $0x2, v0;
	_ =	sdelay $0x3  }
0x20: {  	[tilespmem:s24+$0x1280] =	vst v1  }
0x21: {  	v1 =	vld.idx.msk [tilespmem:v2+s22+$0x0], $0xffff  }
0x22: {  	v2 =	vor.u32 $0x3, v0;
	_ =	sdelay $0x3  }
0x23: {  	[tilespmem:s24+$0x1300] =	vst v1  }
0x24: {  	v1 =	vld.idx.msk [tilespmem:v2+s22+$0x0], $0xffff  }
0x25: {  	v2 =	vor.u32 $0x4, v0;
	_ =	sdelay $0x3  }
0x26: {  	[tilespmem:s24+$0x1380] =	vst v1  }
0x27: {  	v1 =	vld.idx.msk [tilespmem:v2+s22+$0x0], $0xffff  }
0x28: {  	v2 =	vor.u32 $0x5, v0;
	_ =	sdelay $0x3  }
0x29: {  	[tilespmem:s24+$0x1400] =	vst v1  }
0x2a: {  	v1 =	vld.idx.msk [tilespmem:v2+s22+$0x0], $0xffff  }
0x2b: {  	v2 =	vor.u32 $0x6, v0;
	_ =	sdelay $0x3  }
0x2c: {  	[tilespmem:s24+$0x1480] =	vst v1  }
0x2d: {  	v1 =	vld.idx.msk [tilespmem:v2+s22+$0x0], $0xffff  }
0x2e: {  	v2 =	vor.u32 $0x7, v0;
	_ =	sdelay $0x3  }
0x2f: {  	[tilespmem:s24+$0x1500] =	vst v1  }
0x30: {  	v1 =	vld.idx.msk [tilespmem:v2+s22+$0x0], $0xffff  }
0x31: {  	v2 =	vor.u32 $0x8, v0;
	_ =	sdelay $0x3  }
0x32: {  	[tilespmem:s24+$0x1580] =	vst v1  }
0x33: {  	v1 =	vld.idx.msk [tilespmem:v2+s22+$0x0], $0xffff  }
0x34: {  	v2 =	vor.u32 $0x9, v0;
	_ =	sdelay $0x3  }
0x35: {  	[tilespmem:s24+$0x2200] =	vst v1  }
0x36: {  	v1 =	vld.idx.msk [tilespmem:v2+s22+$0x0], $0xffff  }
0x37: {  	v2 =	vor.u32 $0xA, v0;
	_ =	sdelay $0x3  }
0x38: {  	[tilespmem:s24+$0x2280] =	vst v1  }
0x39: {  	v1 =	vld.idx.msk [tilespmem:v2+s22+$0x0], $0xffff  }
0x3a: {  	v2 =	vor.u32 $0xB, v0;
	_ =	sdelay $0x3  }
0x3b: {  	[tilespmem:s24+$0x2300] =	vst v1  }
0x3c: {  	v1 =	vld.idx.msk [tilespmem:v2+s22+$0x0], $0xffff  }
0x3d: {  	v2 =	vor.u32 $0xC, v0;
	_ =	sdelay $0x3  }
0x3e: {  	[tilespmem:s24+$0x2380] =	vst v1  }
0x3f: {  	v1 =	vld.idx.msk [tilespmem:v2+s22+$0x0], $0xffff  }
0x40: {  	v2 =	vor.u32 $0xD, v0;
	_ =	sdelay $0x3  }
0x41: {  	[tilespmem:s24+$0x2400] =	vst v1  }
0x42: {  	v1 =	vld.idx.msk [tilespmem:v2+s22+$0x0], $0xffff  }
0x43: {  	v2 =	vor.u32 $0xE, v0;
	_ =	sdelay $0x3  }
0x44: {  	[tilespmem:s24+$0x2480] =	vst v1  }
0x45: {  	v1 =	vld.idx.msk [tilespmem:v2+s22+$0x0], $0xffff  }
0x46: {  	v2 =	vor.u32 $0xF, v0;
	_ =	sdelay $0x3  }
0x47: {  	[tilespmem:s24+$0x2500] =	vst v1  }
0x48: {  	v1 =	vld.idx.msk [tilespmem:v2+s22+$0x0], $0xffff  }
0x49: {  	v2 =	vor.u32 $0x10, v0;
	_ =	sdelay $0x3  }
0x4a: {  	[tilespmem:s24+$0x2580] =	vst v1  }
0x4b: {  	v1 =	vld.idx.msk [tilespmem:v2+s22+$0x0], $0xffff  }
0x4c: {  	v2 =	vor.u32 $0x11, v0;
	_ =	sdelay $0x3  }
0x4d: {  	[tilespmem:s24+$0x3200] =	vst v1  }
0x4e: {  	v1 =	vld.idx.msk [tilespmem:v2+s22+$0x0], $0xffff  }
0x4f: {  	v2 =	vor.u32 $0x12, v0;
	_ =	sdelay $0x3  }
0x50: {  	[tilespmem:s24+$0x3280] =	vst v1  }
0x51: {  	v1 =	vld.idx.msk [tilespmem:v2+s22+$0x0], $0xffff  }
0x52: {  	v2 =	vor.u32 $0x13, v0;
	_ =	sdelay $0x3  }
0x53: {  	[tilespmem:s24+$0x3300] =	vst v1  }
0x54: {  	v1 =	vld.idx.msk [tilespmem:v2+s22+$0x0], $0xffff  }
0x55: {  	v2 =	vor.u32 $0x14, v0;
	_ =	sdelay $0x3  }
0x56: {  	[tilespmem:s24+$0x3380] =	vst v1  }
0x57: {  	v1 =	vld.idx.msk [tilespmem:v2+s22+$0x0], $0xffff  }
0x58: {  	v2 =	vor.u32 $0x15, v0;
	_ =	sdelay $0x3  }
0x59: {  	[tilespmem:s24+$0x3400] =	vst v1  }
0x5a: {  	v1 =	vld.idx.msk [tilespmem:v2+s22+$0x0], $0xffff  }
0x5b: {  	v2 =	vor.u32 $0x16, v0;
	_ =	sdelay $0x3  }
0x5c: {  	[tilespmem:s24+$0x3480] =	vst v1  }
0x5d: {  	v1 =	vld.idx.msk [tilespmem:v2+s22+$0x0], $0xffff  }
0x5e: {  	v2 =	vor.u32 $0x17, v0;
	_ =	sdelay $0x3  }
0x5f: {  	[tilespmem:s24+$0x3500] =	vst v1  }
0x60: {  	v1 =	vld.idx.msk [tilespmem:v2+s22+$0x0], $0xffff  }
0x61: {  	v2 =	vor.u32 $0x18, v0;
	_ =	sdelay $0x3  }
0x62: {  	[tilespmem:s24+$0x3580] =	vst v1  }
0x63: {  	v1 =	vld.idx.msk [tilespmem:v2+s22+$0x0], $0xffff  }
0x64: {  	v2 =	vor.u32 $0x19, v0;
	_ =	sdelay $0x3  }
0x65: {  	[tilespmem:s24+$0x4200] =	vst v1  }
0x66: {  	v1 =	vld.idx.msk [tilespmem:v2+s22+$0x0], $0xffff  }
0x67: {  	v2 =	vor.u32 $0x1A, v0;
	_ =	sdelay $0x3  }
0x68: {  	[tilespmem:s24+$0x4280] =	vst v1  }
0x69: {  	v1 =	vld.idx.msk [tilespmem:v2+s22+$0x0], $0xffff  }
0x6a: {  	v2 =	vor.u32 $0x1B, v0;
	_ =	sdelay $0x3  }
0x6b: {  	[tilespmem:s24+$0x4300] =	vst v1  }
0x6c: {  	v1 =	vld.idx.msk [tilespmem:v2+s22+$0x0], $0xffff  }
0x6d: {  	v2 =	vor.u32 $0x1C, v0;
	_ =	sdelay $0x3  }
0x6e: {  	[tilespmem:s24+$0x4380] =	vst v1  }
0x6f: {  	v1 =	vld.idx.msk [tilespmem:v2+s22+$0x0], $0xffff  }
0x70: {  	v2 =	vor.u32 $0x1D, v0;
	_ =	sdelay $0x3  }
0x71: {  	[tilespmem:s24+$0x4400] =	vst v1  }
0x72: {  	v1 =	vld.idx.msk [tilespmem:v2+s22+$0x0], $0xffff  }
0x73: {  	v2 =	vor.u32 $0x1E, v0;
	_ =	sdelay $0x3  }
0x74: {  	[tilespmem:s24+$0x4480] =	vst v1  }
0x75: {  	v1 =	vld.idx.msk [tilespmem:v2+s22+$0x0], $0xffff  }
0x76: {  	v0 =	vor.u32 $0x1F, v0  }
0x77: {  	s26 =	simm.s32 $0x10;
	s25 =	simm.s32 $0x80  }
.LBB2_2:
0x78: {  	p0 =	sne.s32 s25, $0x1C0;
	v2 =	vld [tilespmem:s26+$0x0];
	_ =	sdelay $0x1  }
0x79: {  	[tilespmem:s24+$0x4500] =	vst v1  }
0x7a: {  	v1 =	vld.idx.msk [tilespmem:v0+s22+$0x0], $0xffff;
	_ =	sdelay $0x1  }
0x7b: {  	v0 =	vshll.u32 v2, $0x5;
	_ =	sdelay $0x3  }
0x7c: {  	[tilespmem:s24+$0x4580] =	vst v1;
	s24 =	smov.u32 s26  }
0x7d: {  	v1 =	vld.idx.msk [tilespmem:v0+s22+$0x0], $0xffff;
	_ =	sdelay $0x1  }
0x7e: {  	v2 =	vor.u32 $0x1, v0;
	_ =	sdelay $0x3  }
0x7f: {  	[tilespmem:s24+$0x1200] =	vst v1  }
0x80: {  	v1 =	vld.idx.msk [tilespmem:v2+s22+$0x0], $0xffff;
	_ =	sdelay $0x1  }
0x81: {  	v2 =	vor.u32 $0x2, v0;
	_ =	sdelay $0x3  }
0x82: {  	[tilespmem:s24+$0x1280] =	vst v1  }
0x83: {  	v1 =	vld.idx.msk [tilespmem:v2+s22+$0x0], $0xffff;
	_ =	sdelay $0x1  }
0x84: {  	v2 =	vor.u32 $0x3, v0;
	_ =	sdelay $0x3  }
0x85: {  	[tilespmem:s24+$0x1300] =	vst v1  }
0x86: {  	v1 =	vld.idx.msk [tilespmem:v2+s22+$0x0], $0xffff;
	_ =	sdelay $0x1  }
0x87: {  	v2 =	vor.u32 $0x4, v0;
	_ =	sdelay $0x3  }
0x88: {  	[tilespmem:s24+$0x1380] =	vst v1  }
0x89: {  	v1 =	vld.idx.msk [tilespmem:v2+s22+$0x0], $0xffff;
	_ =	sdelay $0x1  }
0x8a: {  	v2 =	vor.u32 $0x5, v0;
	_ =	sdelay $0x3  }
0x8b: {  	[tilespmem:s24+$0x1400] =	vst v1  }
0x8c: {  	v1 =	vld.idx.msk [tilespmem:v2+s22+$0x0], $0xffff;
	_ =	sdelay $0x1  }
0x8d: {  	v2 =	vor.u32 $0x6, v0;
	_ =	sdelay $0x3  }
0x8e: {  	[tilespmem:s24+$0x1480] =	vst v1  }
0x8f: {  	v1 =	vld.idx.msk [tilespmem:v2+s22+$0x0], $0xffff;
	_ =	sdelay $0x1  }
0x90: {  	v2 =	vor.u32 $0x7, v0;
	_ =	sdelay $0x3  }
0x91: {  	[tilespmem:s24+$0x1500] =	vst v1  }
0x92: {  	v1 =	vld.idx.msk [tilespmem:v2+s22+$0x0], $0xffff;
	_ =	sdelay $0x1  }
0x93: {  	v2 =	vor.u32 $0x8, v0;
	_ =	sdelay $0x3  }
0x94: {  	[tilespmem:s24+$0x1580] =	vst v1  }
0x95: {  	v1 =	vld.idx.msk [tilespmem:v2+s22+$0x0], $0xffff;
	_ =	sdelay $0x1  }
0x96: {  	v2 =	vor.u32 $0x9, v0;
	_ =	sdelay $0x3  }
0x97: {  	[tilespmem:s24+$0x2200] =	vst v1  }
0x98: {  	v1 =	vld.idx.msk [tilespmem:v2+s22+$0x0], $0xffff;
	_ =	sdelay $0x1  }
0x99: {  	v2 =	vor.u32 $0xA, v0;
	_ =	sdelay $0x3  }
0x9a: {  	[tilespmem:s24+$0x2280] =	vst v1  }
0x9b: {  	v1 =	vld.idx.msk [tilespmem:v2+s22+$0x0], $0xffff;
	_ =	sdelay $0x1  }
0x9c: {  	v2 =	vor.u32 $0xB, v0;
	_ =	sdelay $0x3  }
0x9d: {  	[tilespmem:s24+$0x2300] =	vst v1  }
0x9e: {  	v1 =	vld.idx.msk [tilespmem:v2+s22+$0x0], $0xffff;
	_ =	sdelay $0x1  }
0x9f: {  	v2 =	vor.u32 $0xC, v0;
	_ =	sdelay $0x3  }
0xa0: {  	[tilespmem:s24+$0x2380] =	vst v1  }
0xa1: {  	v1 =	vld.idx.msk [tilespmem:v2+s22+$0x0], $0xffff;
	_ =	sdelay $0x1  }
0xa2: {  	v2 =	vor.u32 $0xD, v0;
	_ =	sdelay $0x3  }
0xa3: {  	[tilespmem:s24+$0x2400] =	vst v1  }
0xa4: {  	v1 =	vld.idx.msk [tilespmem:v2+s22+$0x0], $0xffff;
	_ =	sdelay $0x1  }
0xa5: {  	v2 =	vor.u32 $0xE, v0;
	_ =	sdelay $0x3  }
0xa6: {  	[tilespmem:s24+$0x2480] =	vst v1  }
0xa7: {  	v1 =	vld.idx.msk [tilespmem:v2+s22+$0x0], $0xffff;
	_ =	sdelay $0x1  }
0xa8: {  	v2 =	vor.u32 $0xF, v0;
	_ =	sdelay $0x3  }
0xa9: {  	[tilespmem:s24+$0x2500] =	vst v1  }
0xaa: {  	v1 =	vld.idx.msk [tilespmem:v2+s22+$0x0], $0xffff;
	_ =	sdelay $0x1  }
0xab: {  	v2 =	vor.u32 $0x10, v0;
	_ =	sdelay $0x3  }
0xac: {  	[tilespmem:s24+$0x2580] =	vst v1  }
0xad: {  	v1 =	vld.idx.msk [tilespmem:v2+s22+$0x0], $0xffff;
	_ =	sdelay $0x1  }
0xae: {  	v2 =	vor.u32 $0x11, v0;
	_ =	sdelay $0x3  }
0xaf: {  	[tilespmem:s24+$0x3200] =	vst v1  }
0xb0: {  	v1 =	vld.idx.msk [tilespmem:v2+s22+$0x0], $0xffff;
	_ =	sdelay $0x1  }
0xb1: {  	v2 =	vor.u32 $0x12, v0;
	_ =	sdelay $0x3  }
0xb2: {  	[tilespmem:s24+$0x3280] =	vst v1  }
0xb3: {  	v1 =	vld.idx.msk [tilespmem:v2+s22+$0x0], $0xffff;
	_ =	sdelay $0x1  }
0xb4: {  	v2 =	vor.u32 $0x13, v0;
	_ =	sdelay $0x3  }
0xb5: {  	[tilespmem:s24+$0x3300] =	vst v1  }
0xb6: {  	v1 =	vld.idx.msk [tilespmem:v2+s22+$0x0], $0xffff;
	_ =	sdelay $0x1  }
0xb7: {  	v2 =	vor.u32 $0x14, v0;
	_ =	sdelay $0x3  }
0xb8: {  	[tilespmem:s24+$0x3380] =	vst v1  }
0xb9: {  	v1 =	vld.idx.msk [tilespmem:v2+s22+$0x0], $0xffff;
	_ =	sdelay $0x1  }
0xba: {  	v2 =	vor.u32 $0x15, v0;
	_ =	sdelay $0x3  }
0xbb: {  	[tilespmem:s24+$0x3400] =	vst v1  }
0xbc: {  	v1 =	vld.idx.msk [tilespmem:v2+s22+$0x0], $0xffff;
	_ =	sdelay $0x1  }
0xbd: {  	v2 =	vor.u32 $0x16, v0;
	_ =	sdelay $0x3  }
0xbe: {  	[tilespmem:s24+$0x3480] =	vst v1  }
0xbf: {  	v1 =	vld.idx.msk [tilespmem:v2+s22+$0x0], $0xffff;
	_ =	sdelay $0x1  }
0xc0: {  	v2 =	vor.u32 $0x17, v0;
	_ =	sdelay $0x3  }
0xc1: {  	[tilespmem:s24+$0x3500] =	vst v1  }
0xc2: {  	v1 =	vld.idx.msk [tilespmem:v2+s22+$0x0], $0xffff;
	_ =	sdelay $0x1  }
0xc3: {  	v2 =	vor.u32 $0x18, v0;
	_ =	sdelay $0x3  }
0xc4: {  	[tilespmem:s24+$0x3580] =	vst v1  }
0xc5: {  	v1 =	vld.idx.msk [tilespmem:v2+s22+$0x0], $0xffff;
	_ =	sdelay $0x1  }
0xc6: {  	v2 =	vor.u32 $0x19, v0;
	_ =	sdelay $0x3  }
0xc7: {  	[tilespmem:s24+$0x4200] =	vst v1  }
0xc8: {  	v1 =	vld.idx.msk [tilespmem:v2+s22+$0x0], $0xffff;
	_ =	sdelay $0x1  }
0xc9: {  	v2 =	vor.u32 $0x1A, v0;
	_ =	sdelay $0x3  }
0xca: {  	[tilespmem:s24+$0x4280] =	vst v1  }
0xcb: {  	v1 =	vld.idx.msk [tilespmem:v2+s22+$0x0], $0xffff;
	_ =	sdelay $0x1  }
0xcc: {  	v2 =	vor.u32 $0x1B, v0;
	_ =	sdelay $0x3  }
0xcd: {  	[tilespmem:s24+$0x4300] =	vst v1  }
0xce: {  	v1 =	vld.idx.msk [tilespmem:v2+s22+$0x0], $0xffff;
	_ =	sdelay $0x1  }
0xcf: {  	v2 =	vor.u32 $0x1C, v0;
	_ =	sdelay $0x3  }
0xd0: {  	[tilespmem:s24+$0x4380] =	vst v1  }
0xd1: {  	v1 =	vld.idx.msk [tilespmem:v2+s22+$0x0], $0xffff;
	_ =	sdelay $0x1  }
0xd2: {  	v2 =	vor.u32 $0x1D, v0;
	_ =	sdelay $0x3  }
0xd3: {  	[tilespmem:s24+$0x4400] =	vst v1  }
0xd4: {  	v1 =	vld.idx.msk [tilespmem:v2+s22+$0x0], $0xffff;
	_ =	sdelay $0x1  }
0xd5: {  	v2 =	vor.u32 $0x1E, v0;
	_ =	sdelay $0x3  }
.Ltmp0:
0xd6: {  	[tilespmem:s24+$0x4480] =	vst v1;
	(pc) =	sbr.rel @p0 .LBB2_2-.Ltmp0, $3  }
0xd7: {  	v1 =	vld.idx.msk [tilespmem:v2+s22+$0x0], $0xffff;
	_ =	sdelay $0x1  }
0xd8: {  	v0 =	vor.u32 $0x1F, v0  }
0xd9: {  	s26 =	sshra.s32 s25, $0x2;
	s25 =	sadd.s32 $0x40, s25  }
0xda: {  	v2 =	vld [tilespmem:s26+$0x0];
	_ =	sdelay $0x2  }
0xdb: {  	[tilespmem:s24+$0x4500] =	vst v1  }
0xdc: {  	v0 =	vld.idx.msk [tilespmem:v0+s22+$0x0], $0xffff  }
0xdd: {  	v1 =	vshll.u32 v2, $0x5;
	_ =	sdelay $0x3  }
0xde: {  	[tilespmem:s24+$0x4580] =	vst v0  }
0xdf: {  	v0 =	vld.idx.msk [tilespmem:v1+s22+$0x0], $0xffff  }
0xe0: {  	v2 =	vor.u32 $0x1, v1;
	_ =	sdelay $0x3  }
0xe1: {  	[tilespmem:s26+$0x1200] =	vst v0  }
0xe2: {  	v0 =	vld.idx.msk [tilespmem:v2+s22+$0x0], $0xffff  }
0xe3: {  	v2 =	vor.u32 $0x2, v1;
	_ =	sdelay $0x3  }
0xe4: {  	[tilespmem:s26+$0x1280] =	vst v0  }
0xe5: {  	v0 =	vld.idx.msk [tilespmem:v2+s22+$0x0], $0xffff  }
0xe6: {  	v2 =	vor.u32 $0x3, v1;
	_ =	sdelay $0x3  }
0xe7: {  	[tilespmem:s26+$0x1300] =	vst v0  }
0xe8: {  	v0 =	vld.idx.msk [tilespmem:v2+s22+$0x0], $0xffff  }
0xe9: {  	v2 =	vor.u32 $0x4, v1;
	_ =	sdelay $0x3  }
0xea: {  	[tilespmem:s26+$0x1380] =	vst v0  }
0xeb: {  	v0 =	vld.idx.msk [tilespmem:v2+s22+$0x0], $0xffff  }
0xec: {  	v2 =	vor.u32 $0x5, v1;
	_ =	sdelay $0x3  }
0xed: {  	[tilespmem:s26+$0x1400] =	vst v0  }
0xee: {  	v0 =	vld.idx.msk [tilespmem:v2+s22+$0x0], $0xffff  }
0xef: {  	v2 =	vor.u32 $0x6, v1;
	_ =	sdelay $0x3  }
0xf0: {  	[tilespmem:s26+$0x1480] =	vst v0  }
0xf1: {  	v0 =	vld.idx.msk [tilespmem:v2+s22+$0x0], $0xffff  }
0xf2: {  	v2 =	vor.u32 $0x7, v1;
	_ =	sdelay $0x3  }
0xf3: {  	[tilespmem:s26+$0x1500] =	vst v0  }
0xf4: {  	v0 =	vld.idx.msk [tilespmem:v2+s22+$0x0], $0xffff  }
0xf5: {  	v2 =	vor.u32 $0x8, v1;
	_ =	sdelay $0x3  }
0xf6: {  	[tilespmem:s26+$0x1580] =	vst v0  }
0xf7: {  	v0 =	vld.idx.msk [tilespmem:v2+s22+$0x0], $0xffff  }
0xf8: {  	v2 =	vor.u32 $0x9, v1;
	_ =	sdelay $0x3  }
0xf9: {  	[tilespmem:s26+$0x2200] =	vst v0  }
0xfa: {  	v0 =	vld.idx.msk [tilespmem:v2+s22+$0x0], $0xffff  }
0xfb: {  	v2 =	vor.u32 $0xA, v1;
	_ =	sdelay $0x3  }
0xfc: {  	[tilespmem:s26+$0x2280] =	vst v0  }
0xfd: {  	v0 =	vld.idx.msk [tilespmem:v2+s22+$0x0], $0xffff  }
0xfe: {  	v2 =	vor.u32 $0xB, v1;
	_ =	sdelay $0x3  }
0xff: {  	[tilespmem:s26+$0x2300] =	vst v0  }
0x100: {  	v0 =	vld.idx.msk [tilespmem:v2+s22+$0x0], $0xffff  }
0x101: {  	v2 =	vor.u32 $0xC, v1;
	_ =	sdelay $0x3  }
0x102: {  	[tilespmem:s26+$0x2380] =	vst v0  }
0x103: {  	v0 =	vld.idx.msk [tilespmem:v2+s22+$0x0], $0xffff  }
0x104: {  	v2 =	vor.u32 $0xD, v1;
	_ =	sdelay $0x3  }
0x105: {  	[tilespmem:s26+$0x2400] =	vst v0  }
0x106: {  	v0 =	vld.idx.msk [tilespmem:v2+s22+$0x0], $0xffff  }
0x107: {  	v2 =	vor.u32 $0xE, v1;
	_ =	sdelay $0x3  }
0x108: {  	[tilespmem:s26+$0x2480] =	vst v0  }
0x109: {  	v0 =	vld.idx.msk [tilespmem:v2+s22+$0x0], $0xffff  }
0x10a: {  	v2 =	vor.u32 $0xF, v1;
	_ =	sdelay $0x3  }
0x10b: {  	[tilespmem:s26+$0x2500] =	vst v0  }
0x10c: {  	v0 =	vld.idx.msk [tilespmem:v2+s22+$0x0], $0xffff  }
0x10d: {  	v2 =	vor.u32 $0x10, v1;
	_ =	sdelay $0x3  }
0x10e: {  	[tilespmem:s26+$0x2580] =	vst v0  }
0x10f: {  	v0 =	vld.idx.msk [tilespmem:v2+s22+$0x0], $0xffff  }
0x110: {  	v2 =	vor.u32 $0x11, v1;
	_ =	sdelay $0x3  }
0x111: {  	[tilespmem:s26+$0x3200] =	vst v0  }
0x112: {  	v0 =	vld.idx.msk [tilespmem:v2+s22+$0x0], $0xffff  }
0x113: {  	v2 =	vor.u32 $0x12, v1;
	_ =	sdelay $0x3  }
0x114: {  	[tilespmem:s26+$0x3280] =	vst v0  }
0x115: {  	v0 =	vld.idx.msk [tilespmem:v2+s22+$0x0], $0xffff  }
0x116: {  	v2 =	vor.u32 $0x13, v1;
	_ =	sdelay $0x3  }
0x117: {  	[tilespmem:s26+$0x3300] =	vst v0  }
0x118: {  	v0 =	vld.idx.msk [tilespmem:v2+s22+$0x0], $0xffff  }
0x119: {  	v2 =	vor.u32 $0x14, v1;
	_ =	sdelay $0x3  }
0x11a: {  	[tilespmem:s26+$0x3380] =	vst v0  }
0x11b: {  	v0 =	vld.idx.msk [tilespmem:v2+s22+$0x0], $0xffff  }
0x11c: {  	v2 =	vor.u32 $0x15, v1;
	_ =	sdelay $0x3  }
0x11d: {  	[tilespmem:s26+$0x3400] =	vst v0  }
0x11e: {  	v0 =	vld.idx.msk [tilespmem:v2+s22+$0x0], $0xffff  }
0x11f: {  	v2 =	vor.u32 $0x16, v1;
	_ =	sdelay $0x3  }
0x120: {  	[tilespmem:s26+$0x3480] =	vst v0  }
0x121: {  	v0 =	vld.idx.msk [tilespmem:v2+s22+$0x0], $0xffff  }
0x122: {  	v2 =	vor.u32 $0x17, v1;
	_ =	sdelay $0x3  }
0x123: {  	[tilespmem:s26+$0x3500] =	vst v0  }
0x124: {  	v0 =	vld.idx.msk [tilespmem:v2+s22+$0x0], $0xffff  }
0x125: {  	v2 =	vor.u32 $0x18, v1;
	_ =	sdelay $0x3  }
0x126: {  	[tilespmem:s26+$0x3580] =	vst v0  }
0x127: {  	v0 =	vld.idx.msk [tilespmem:v2+s22+$0x0], $0xffff  }
0x128: {  	v2 =	vor.u32 $0x19, v1;
	_ =	sdelay $0x3  }
0x129: {  	[tilespmem:s26+$0x4200] =	vst v0  }
0x12a: {  	v0 =	vld.idx.msk [tilespmem:v2+s22+$0x0], $0xffff  }
0x12b: {  	v2 =	vor.u32 $0x1A, v1;
	_ =	sdelay $0x3  }
0x12c: {  	[tilespmem:s26+$0x4280] =	vst v0  }
0x12d: {  	v0 =	vld.idx.msk [tilespmem:v2+s22+$0x0], $0xffff  }
0x12e: {  	v2 =	vor.u32 $0x1B, v1;
	_ =	sdelay $0x3  }
0x12f: {  	[tilespmem:s26+$0x4300] =	vst v0  }
0x130: {  	v0 =	vld.idx.msk [tilespmem:v2+s22+$0x0], $0xffff  }
0x131: {  	v2 =	vor.u32 $0x1C, v1;
	_ =	sdelay $0x3  }
0x132: {  	[tilespmem:s26+$0x4380] =	vst v0  }
0x133: {  	v0 =	vld.idx.msk [tilespmem:v2+s22+$0x0], $0xffff  }
0x134: {  	v2 =	vor.u32 $0x1D, v1;
	_ =	sdelay $0x3  }
0x135: {  	[tilespmem:s26+$0x4400] =	vst v0  }
0x136: {  	v0 =	vld.idx.msk [tilespmem:v2+s22+$0x0], $0xffff  }
0x137: {  	v2 =	vor.u32 $0x1E, v1;
	_ =	sdelay $0x3  }
0x138: {  	[tilespmem:s26+$0x4480] =	vst v0  }
0x139: {  	v0 =	vld.idx.msk [tilespmem:v2+s22+$0x0], $0xffff  }
0x13a: {  	v1 =	vor.u32 $0x1F, v1;
	_ =	sdelay $0x3  }
0x13b: {  	[tilespmem:s26+$0x4500] =	vst v0  }
0x13c: {  	v0 =	vld.idx.msk [tilespmem:v1+s22+$0x0], $0xffff;
	_ =	sdelay $0x4  }
0x13d: {  	s25 =	simm.s32 $0x1200;
	s24 =	simm.s32 $0x0;
	[tilespmem:s26+$0x4580] =	vst v0  }
0x13e: {  	[hbm4b:s5+s24] =	stream.linear.scatter [tilespmem:s25], [sflag:$0x1], $0x400, $0x38;
	[tilespmem:$0x5200] =	vst v63  }
0x13f: {  	s29 =	simm.s32 $0x2200  }
0x140: {  	[hbm4b:s6+s24] =	stream.linear.scatter [tilespmem:s29], [sflag:$0x1], $0x400, $0x38;
	[tilespmem:$0x5200] =	vst v63  }
0x141: {  	s30 =	simm.s32 $0x3200  }
0x142: {  	[hbm4b:s7+s24] =	stream.linear.scatter [tilespmem:s30], [sflag:$0x1], $0x400, $0x38;
	[tilespmem:$0x5200] =	vst v63  }
0x143: {  	s26 =	simm.s32 $0x4200;
	s29 =	simm.s32 $0x0  }
0x144: {  	[hbm4b:s8+s24] =	stream.linear.scatter [tilespmem:s26], [sflag:$0x1], $0x400, $0x38;
	[tilespmem:$0x5200] =	vst v63  }
0x145: {  	v0 =	vld [tilespmem:s29+$0x80];
	_ =	sdelay $0x4  }
0x146: {  	v0 =	vshll.u32 v0, $0x5;
	_ =	sdelay $0x4  }
0x147: {  	v1 =	vld.idx.msk [tilespmem:v0+s22+$0x0], $0xffff  }
0x148: {  	v2 =	vor.u32 $0x1, v0  }
0x149: {  	s24 =	simm.s32 $0x80  }
0x14a: {  	s30 =	sand.u32 $0x3FFFFF80, s24  }
0x14b: {  	s25 =	sadd.s32 $0x0, s30  }
0x14c: {  	[tilespmem:s25+$0x1580] =	vst v1  }
0x14d: {  	v1 =	vld.idx.msk [tilespmem:v2+s22+$0x0], $0xffff  }
0x14e: {  	v2 =	vor.u32 $0x2, v0;
	_ =	sdelay $0x3  }
0x14f: {  	[tilespmem:s25+$0x1600] =	vst v1  }
0x150: {  	v1 =	vld.idx.msk [tilespmem:v2+s22+$0x0], $0xffff  }
0x151: {  	v2 =	vor.u32 $0x3, v0;
	_ =	sdelay $0x3  }
0x152: {  	[tilespmem:s25+$0x1680] =	vst v1  }
0x153: {  	v1 =	vld.idx.msk [tilespmem:v2+s22+$0x0], $0xffff  }
0x154: {  	v2 =	vor.u32 $0x4, v0;
	_ =	sdelay $0x3  }
0x155: {  	[tilespmem:s25+$0x1700] =	vst v1  }
0x156: {  	v1 =	vld.idx.msk [tilespmem:v2+s22+$0x0], $0xffff  }
0x157: {  	v2 =	vor.u32 $0x5, v0;
	_ =	sdelay $0x3  }
0x158: {  	[tilespmem:s25+$0x1780] =	vst v1  }
0x159: {  	v1 =	vld.idx.msk [tilespmem:v2+s22+$0x0], $0xffff  }
0x15a: {  	v2 =	vor.u32 $0x6, v0;
	_ =	sdelay $0x3  }
0x15b: {  	[tilespmem:s25+$0x1800] =	vst v1  }
0x15c: {  	v1 =	vld.idx.msk [tilespmem:v2+s22+$0x0], $0xffff  }
0x15d: {  	v2 =	vor.u32 $0x7, v0;
	_ =	sdelay $0x3  }
0x15e: {  	[tilespmem:s25+$0x1880] =	vst v1  }
0x15f: {  	v1 =	vld.idx.msk [tilespmem:v2+s22+$0x0], $0xffff  }
0x160: {  	v2 =	vor.u32 $0x8, v0;
	_ =	sdelay $0x3  }
0x161: {  	[tilespmem:s25+$0x1900] =	vst v1  }
0x162: {  	v1 =	vld.idx.msk [tilespmem:v2+s22+$0x0], $0xffff  }
0x163: {  	v2 =	vor.u32 $0x9, v0;
	_ =	sdelay $0x3  }
0x164: {  	[tilespmem:s25+$0x2580] =	vst v1  }
0x165: {  	v1 =	vld.idx.msk [tilespmem:v2+s22+$0x0], $0xffff  }
0x166: {  	v2 =	vor.u32 $0xA, v0;
	_ =	sdelay $0x3  }
0x167: {  	[tilespmem:s25+$0x2600] =	vst v1  }
0x168: {  	v1 =	vld.idx.msk [tilespmem:v2+s22+$0x0], $0xffff  }
0x169: {  	v2 =	vor.u32 $0xB, v0;
	_ =	sdelay $0x3  }
0x16a: {  	[tilespmem:s25+$0x2680] =	vst v1  }
0x16b: {  	v1 =	vld.idx.msk [tilespmem:v2+s22+$0x0], $0xffff  }
0x16c: {  	v2 =	vor.u32 $0xC, v0;
	_ =	sdelay $0x3  }
0x16d: {  	[tilespmem:s25+$0x2700] =	vst v1  }
0x16e: {  	v1 =	vld.idx.msk [tilespmem:v2+s22+$0x0], $0xffff  }
0x16f: {  	v2 =	vor.u32 $0xD, v0;
	_ =	sdelay $0x3  }
0x170: {  	[tilespmem:s25+$0x2780] =	vst v1  }
0x171: {  	v1 =	vld.idx.msk [tilespmem:v2+s22+$0x0], $0xffff  }
0x172: {  	v2 =	vor.u32 $0xE, v0;
	_ =	sdelay $0x3  }
0x173: {  	[tilespmem:s25+$0x2800] =	vst v1  }
0x174: {  	v1 =	vld.idx.msk [tilespmem:v2+s22+$0x0], $0xffff  }
0x175: {  	v2 =	vor.u32 $0xF, v0;
	_ =	sdelay $0x3  }
0x176: {  	[tilespmem:s25+$0x2880] =	vst v1  }
0x177: {  	v1 =	vld.idx.msk [tilespmem:v2+s22+$0x0], $0xffff  }
0x178: {  	v2 =	vor.u32 $0x10, v0;
	_ =	sdelay $0x3  }
0x179: {  	[tilespmem:s25+$0x2900] =	vst v1  }
0x17a: {  	v1 =	vld.idx.msk [tilespmem:v2+s22+$0x0], $0xffff  }
0x17b: {  	v2 =	vor.u32 $0x11, v0;
	_ =	sdelay $0x3  }
0x17c: {  	[tilespmem:s25+$0x3580] =	vst v1  }
0x17d: {  	v1 =	vld.idx.msk [tilespmem:v2+s22+$0x0], $0xffff  }
0x17e: {  	v2 =	vor.u32 $0x12, v0;
	_ =	sdelay $0x3  }
0x17f: {  	[tilespmem:s25+$0x3600] =	vst v1  }
0x180: {  	v1 =	vld.idx.msk [tilespmem:v2+s22+$0x0], $0xffff  }
0x181: {  	v2 =	vor.u32 $0x13, v0;
	_ =	sdelay $0x3  }
0x182: {  	[tilespmem:s25+$0x3680] =	vst v1  }
0x183: {  	v1 =	vld.idx.msk [tilespmem:v2+s22+$0x0], $0xffff  }
0x184: {  	v2 =	vor.u32 $0x14, v0;
	_ =	sdelay $0x3  }
0x185: {  	[tilespmem:s25+$0x3700] =	vst v1  }
0x186: {  	v1 =	vld.idx.msk [tilespmem:v2+s22+$0x0], $0xffff  }
0x187: {  	v2 =	vor.u32 $0x15, v0;
	_ =	sdelay $0x3  }
0x188: {  	[tilespmem:s25+$0x3780] =	vst v1  }
0x189: {  	v1 =	vld.idx.msk [tilespmem:v2+s22+$0x0], $0xffff  }
0x18a: {  	v2 =	vor.u32 $0x16, v0;
	_ =	sdelay $0x3  }
0x18b: {  	[tilespmem:s25+$0x3800] =	vst v1  }
0x18c: {  	v1 =	vld.idx.msk [tilespmem:v2+s22+$0x0], $0xffff  }
0x18d: {  	v2 =	vor.u32 $0x17, v0;
	_ =	sdelay $0x3  }
0x18e: {  	[tilespmem:s25+$0x3880] =	vst v1  }
0x18f: {  	v1 =	vld.idx.msk [tilespmem:v2+s22+$0x0], $0xffff  }
0x190: {  	v2 =	vor.u32 $0x18, v0;
	_ =	sdelay $0x3  }
0x191: {  	[tilespmem:s25+$0x3900] =	vst v1  }
0x192: {  	v1 =	vld.idx.msk [tilespmem:v2+s22+$0x0], $0xffff  }
0x193: {  	v2 =	vor.u32 $0x19, v0;
	_ =	sdelay $0x3  }
0x194: {  	[tilespmem:s25+$0x4580] =	vst v1  }
0x195: {  	v1 =	vld.idx.msk [tilespmem:v2+s22+$0x0], $0xffff  }
0x196: {  	v2 =	vor.u32 $0x1A, v0;
	_ =	sdelay $0x3  }
0x197: {  	[tilespmem:s25+$0x4600] =	vst v1  }
0x198: {  	v1 =	vld.idx.msk [tilespmem:v2+s22+$0x0], $0xffff  }
0x199: {  	v2 =	vor.u32 $0x1B, v0;
	_ =	sdelay $0x3  }
0x19a: {  	[tilespmem:s25+$0x4680] =	vst v1  }
0x19b: {  	v1 =	vld.idx.msk [tilespmem:v2+s22+$0x0], $0xffff  }
0x19c: {  	v2 =	vor.u32 $0x1C, v0;
	_ =	sdelay $0x3  }
0x19d: {  	[tilespmem:s25+$0x4700] =	vst v1  }
0x19e: {  	v1 =	vld.idx.msk [tilespmem:v2+s22+$0x0], $0xffff  }
0x19f: {  	v2 =	vor.u32 $0x1D, v0;
	_ =	sdelay $0x3  }
0x1a0: {  	[tilespmem:s25+$0x4780] =	vst v1  }
0x1a1: {  	v1 =	vld.idx.msk [tilespmem:v2+s22+$0x0], $0xffff  }
0x1a2: {  	v2 =	vor.u32 $0x1E, v0;
	_ =	sdelay $0x3  }
0x1a3: {  	[tilespmem:s25+$0x4800] =	vst v1  }
0x1a4: {  	v1 =	vld.idx.msk [tilespmem:v2+s22+$0x0], $0xffff  }
0x1a5: {  	v0 =	vor.u32 $0x1F, v0;
	_ =	sdelay $0x3  }
0x1a6: {  	[tilespmem:s25+$0x4880] =	vst v1  }
0x1a7: {  	s28 =	simm.s32 $0x80;
	s26 =	simm.s32 $0x40;
	v0 =	vld.idx.msk [tilespmem:v0+s22+$0x0], $0xffff  }
.LBB2_4:
0x1a8: {  	_ =	sdelay $0x2  }
0x1a9: {  	s30 =	sshra.s32 s26, $0x2  }
0x1aa: {  	s24 =	sadd.s32 $0x10, s24;
	s26 =	smov.u32 s28;
	s29 =	sadd.s32 $0x40, s28;
	[tilespmem:s25+$0x4900] =	vst v0  }
0x1ab: {  	p0 =	sne.s32 s28, $0x1C0;
	v0 =	vld [tilespmem:s30+$0x80];
	_ =	sdelay $0x4  }
0x1ac: {  	v0 =	vshll.u32 v0, $0x5;
	_ =	sdelay $0x4  }
0x1ad: {  	v1 =	vld.idx.msk [tilespmem:v0+s22+$0x0], $0xffff;
	_ =	sdelay $0x1  }
0x1ae: {  	v2 =	vor.u32 $0x1, v0;
	_ =	sdelay $0x1  }
0x1af: {  	s25 =	sand.u32 $0x3FFFFF80, s24  }
0x1b0: {  	s25 =	sadd.s32 s30, s25  }
0x1b1: {  	[tilespmem:s25+$0x1580] =	vst v1  }
0x1b2: {  	v1 =	vld.idx.msk [tilespmem:v2+s22+$0x0], $0xffff;
	_ =	sdelay $0x1  }
0x1b3: {  	v2 =	vor.u32 $0x2, v0;
	_ =	sdelay $0x3  }
0x1b4: {  	[tilespmem:s25+$0x1600] =	vst v1  }
0x1b5: {  	v1 =	vld.idx.msk [tilespmem:v2+s22+$0x0], $0xffff;
	_ =	sdelay $0x1  }
0x1b6: {  	v2 =	vor.u32 $0x3, v0;
	_ =	sdelay $0x3  }
0x1b7: {  	[tilespmem:s25+$0x1680] =	vst v1  }
0x1b8: {  	v1 =	vld.idx.msk [tilespmem:v2+s22+$0x0], $0xffff;
	_ =	sdelay $0x1  }
0x1b9: {  	v2 =	vor.u32 $0x4, v0;
	_ =	sdelay $0x3  }
0x1ba: {  	[tilespmem:s25+$0x1700] =	vst v1  }
0x1bb: {  	v1 =	vld.idx.msk [tilespmem:v2+s22+$0x0], $0xffff;
	_ =	sdelay $0x1  }
0x1bc: {  	v2 =	vor.u32 $0x5, v0;
	_ =	sdelay $0x3  }
0x1bd: {  	[tilespmem:s25+$0x1780] =	vst v1  }
0x1be: {  	v1 =	vld.idx.msk [tilespmem:v2+s22+$0x0], $0xffff;
	_ =	sdelay $0x1  }
0x1bf: {  	v2 =	vor.u32 $0x6, v0;
	_ =	sdelay $0x3  }
0x1c0: {  	[tilespmem:s25+$0x1800] =	vst v1  }
0x1c1: {  	v1 =	vld.idx.msk [tilespmem:v2+s22+$0x0], $0xffff;
	_ =	sdelay $0x1  }
0x1c2: {  	v2 =	vor.u32 $0x7, v0;
	_ =	sdelay $0x3  }
0x1c3: {  	[tilespmem:s25+$0x1880] =	vst v1  }
0x1c4: {  	v1 =	vld.idx.msk [tilespmem:v2+s22+$0x0], $0xffff;
	_ =	sdelay $0x1  }
0x1c5: {  	v2 =	vor.u32 $0x8, v0;
	_ =	sdelay $0x3  }
0x1c6: {  	[tilespmem:s25+$0x1900] =	vst v1  }
0x1c7: {  	v1 =	vld.idx.msk [tilespmem:v2+s22+$0x0], $0xffff;
	_ =	sdelay $0x1  }
0x1c8: {  	v2 =	vor.u32 $0x9, v0;
	_ =	sdelay $0x3  }
0x1c9: {  	[tilespmem:s25+$0x2580] =	vst v1  }
0x1ca: {  	v1 =	vld.idx.msk [tilespmem:v2+s22+$0x0], $0xffff;
	_ =	sdelay $0x1  }
0x1cb: {  	v2 =	vor.u32 $0xA, v0;
	_ =	sdelay $0x3  }
0x1cc: {  	[tilespmem:s25+$0x2600] =	vst v1  }
0x1cd: {  	v1 =	vld.idx.msk [tilespmem:v2+s22+$0x0], $0xffff;
	_ =	sdelay $0x1  }
0x1ce: {  	v2 =	vor.u32 $0xB, v0;
	_ =	sdelay $0x3  }
0x1cf: {  	[tilespmem:s25+$0x2680] =	vst v1  }
0x1d0: {  	v1 =	vld.idx.msk [tilespmem:v2+s22+$0x0], $0xffff;
	_ =	sdelay $0x1  }
0x1d1: {  	v2 =	vor.u32 $0xC, v0;
	_ =	sdelay $0x3  }
0x1d2: {  	[tilespmem:s25+$0x2700] =	vst v1  }
0x1d3: {  	v1 =	vld.idx.msk [tilespmem:v2+s22+$0x0], $0xffff;
	_ =	sdelay $0x1  }
0x1d4: {  	v2 =	vor.u32 $0xD, v0;
	_ =	sdelay $0x3  }
0x1d5: {  	[tilespmem:s25+$0x2780] =	vst v1  }
0x1d6: {  	v1 =	vld.idx.msk [tilespmem:v2+s22+$0x0], $0xffff;
	_ =	sdelay $0x1  }
0x1d7: {  	v2 =	vor.u32 $0xE, v0;
	_ =	sdelay $0x3  }
0x1d8: {  	[tilespmem:s25+$0x2800] =	vst v1  }
0x1d9: {  	v1 =	vld.idx.msk [tilespmem:v2+s22+$0x0], $0xffff;
	_ =	sdelay $0x1  }
0x1da: {  	v2 =	vor.u32 $0xF, v0;
	_ =	sdelay $0x3  }
0x1db: {  	[tilespmem:s25+$0x2880] =	vst v1  }
0x1dc: {  	v1 =	vld.idx.msk [tilespmem:v2+s22+$0x0], $0xffff;
	_ =	sdelay $0x1  }
0x1dd: {  	v2 =	vor.u32 $0x10, v0;
	_ =	sdelay $0x3  }
0x1de: {  	[tilespmem:s25+$0x2900] =	vst v1  }
0x1df: {  	v1 =	vld.idx.msk [tilespmem:v2+s22+$0x0], $0xffff;
	_ =	sdelay $0x1  }
0x1e0: {  	v2 =	vor.u32 $0x11, v0;
	_ =	sdelay $0x3  }
0x1e1: {  	[tilespmem:s25+$0x3580] =	vst v1  }
0x1e2: {  	v1 =	vld.idx.msk [tilespmem:v2+s22+$0x0], $0xffff;
	_ =	sdelay $0x1  }
0x1e3: {  	v2 =	vor.u32 $0x12, v0;
	_ =	sdelay $0x3  }
0x1e4: {  	[tilespmem:s25+$0x3600] =	vst v1  }
0x1e5: {  	v1 =	vld.idx.msk [tilespmem:v2+s22+$0x0], $0xffff;
	_ =	sdelay $0x1  }
0x1e6: {  	v2 =	vor.u32 $0x13, v0;
	_ =	sdelay $0x3  }
0x1e7: {  	[tilespmem:s25+$0x3680] =	vst v1  }
0x1e8: {  	v1 =	vld.idx.msk [tilespmem:v2+s22+$0x0], $0xffff;
	_ =	sdelay $0x1  }
0x1e9: {  	v2 =	vor.u32 $0x14, v0;
	_ =	sdelay $0x3  }
0x1ea: {  	[tilespmem:s25+$0x3700] =	vst v1  }
0x1eb: {  	v1 =	vld.idx.msk [tilespmem:v2+s22+$0x0], $0xffff;
	_ =	sdelay $0x1  }
0x1ec: {  	v2 =	vor.u32 $0x15, v0;
	_ =	sdelay $0x3  }
0x1ed: {  	[tilespmem:s25+$0x3780] =	vst v1  }
0x1ee: {  	v1 =	vld.idx.msk [tilespmem:v2+s22+$0x0], $0xffff;
	_ =	sdelay $0x1  }
0x1ef: {  	v2 =	vor.u32 $0x16, v0;
	_ =	sdelay $0x3  }
0x1f0: {  	[tilespmem:s25+$0x3800] =	vst v1  }
0x1f1: {  	v1 =	vld.idx.msk [tilespmem:v2+s22+$0x0], $0xffff;
	_ =	sdelay $0x1  }
0x1f2: {  	v2 =	vor.u32 $0x17, v0;
	_ =	sdelay $0x3  }
0x1f3: {  	[tilespmem:s25+$0x3880] =	vst v1  }
0x1f4: {  	v1 =	vld.idx.msk [tilespmem:v2+s22+$0x0], $0xffff;
	_ =	sdelay $0x1  }
0x1f5: {  	v2 =	vor.u32 $0x18, v0;
	_ =	sdelay $0x3  }
0x1f6: {  	[tilespmem:s25+$0x3900] =	vst v1  }
0x1f7: {  	v1 =	vld.idx.msk [tilespmem:v2+s22+$0x0], $0xffff;
	_ =	sdelay $0x1  }
0x1f8: {  	v2 =	vor.u32 $0x19, v0;
	_ =	sdelay $0x3  }
0x1f9: {  	[tilespmem:s25+$0x4580] =	vst v1  }
0x1fa: {  	v1 =	vld.idx.msk [tilespmem:v2+s22+$0x0], $0xffff;
	_ =	sdelay $0x1  }
0x1fb: {  	v2 =	vor.u32 $0x1A, v0;
	_ =	sdelay $0x3  }
0x1fc: {  	[tilespmem:s25+$0x4600] =	vst v1  }
0x1fd: {  	v1 =	vld.idx.msk [tilespmem:v2+s22+$0x0], $0xffff;
	_ =	sdelay $0x1  }
0x1fe: {  	v2 =	vor.u32 $0x1B, v0;
	_ =	sdelay $0x3  }
0x1ff: {  	[tilespmem:s25+$0x4680] =	vst v1  }
0x200: {  	v1 =	vld.idx.msk [tilespmem:v2+s22+$0x0], $0xffff;
	_ =	sdelay $0x1  }
0x201: {  	v2 =	vor.u32 $0x1C, v0;
	_ =	sdelay $0x3  }
0x202: {  	[tilespmem:s25+$0x4700] =	vst v1  }
0x203: {  	v1 =	vld.idx.msk [tilespmem:v2+s22+$0x0], $0xffff;
	_ =	sdelay $0x1  }
0x204: {  	v2 =	vor.u32 $0x1D, v0;
	_ =	sdelay $0x3  }
0x205: {  	[tilespmem:s25+$0x4780] =	vst v1  }
0x206: {  	v1 =	vld.idx.msk [tilespmem:v2+s22+$0x0], $0xffff;
	_ =	sdelay $0x1  }
0x207: {  	v2 =	vor.u32 $0x1E, v0;
	_ =	sdelay $0x3  }
0x208: {  	[tilespmem:s25+$0x4800] =	vst v1  }
0x209: {  	v1 =	vld.idx.msk [tilespmem:v2+s22+$0x0], $0xffff;
	_ =	sdelay $0x1  }
0x20a: {  	v0 =	vor.u32 $0x1F, v0  }
.Ltmp1:
0x20b: {  	(pc) =	sbr.rel @p0 .LBB2_4-.Ltmp1, $3  }
0x20c: {  	_ =	sdelay $0x1  }
0x20d: {  	[tilespmem:s25+$0x4880] =	vst v1  }
0x20e: {  	s28 =	smov.u32 s29;
	v0 =	vld.idx.msk [tilespmem:v0+s22+$0x0], $0xffff  }
0x20f: {  	_ =	sdelay $0x3  }
0x210: {  	s26 =	sshra.s32 s26, $0x2;
	[tilespmem:s25+$0x4900] =	vst v0  }
0x211: {  	v0 =	vld [tilespmem:s26+$0x80];
	_ =	sdelay $0x4  }
0x212: {  	v0 =	vshll.u32 v0, $0x5;
	_ =	sdelay $0x4  }
0x213: {  	v1 =	vld.idx.msk [tilespmem:v0+s22+$0x0], $0xffff  }
0x214: {  	v2 =	vor.u32 $0x1, v0  }
0x215: {  	s24 =	sadd.s32 $0x10, s24  }
0x216: {  	s24 =	sand.u32 $0x3FFFFF80, s24  }
0x217: {  	s24 =	sadd.s32 s26, s24  }
0x218: {  	[tilespmem:s24+$0x1580] =	vst v1  }
0x219: {  	v1 =	vld.idx.msk [tilespmem:v2+s22+$0x0], $0xffff  }
0x21a: {  	v2 =	vor.u32 $0x2, v0;
	_ =	sdelay $0x3  }
0x21b: {  	[tilespmem:s24+$0x1600] =	vst v1  }
0x21c: {  	v1 =	vld.idx.msk [tilespmem:v2+s22+$0x0], $0xffff  }
0x21d: {  	v2 =	vor.u32 $0x3, v0;
	_ =	sdelay $0x3  }
0x21e: {  	[tilespmem:s24+$0x1680] =	vst v1  }
0x21f: {  	v1 =	vld.idx.msk [tilespmem:v2+s22+$0x0], $0xffff  }
0x220: {  	v2 =	vor.u32 $0x4, v0;
	_ =	sdelay $0x3  }
0x221: {  	[tilespmem:s24+$0x1700] =	vst v1  }
0x222: {  	v1 =	vld.idx.msk [tilespmem:v2+s22+$0x0], $0xffff  }
0x223: {  	v2 =	vor.u32 $0x5, v0;
	_ =	sdelay $0x3  }
0x224: {  	[tilespmem:s24+$0x1780] =	vst v1  }
0x225: {  	v1 =	vld.idx.msk [tilespmem:v2+s22+$0x0], $0xffff  }
0x226: {  	v2 =	vor.u32 $0x6, v0;
	_ =	sdelay $0x3  }
0x227: {  	[tilespmem:s24+$0x1800] =	vst v1  }
0x228: {  	v1 =	vld.idx.msk [tilespmem:v2+s22+$0x0], $0xffff  }
0x229: {  	v2 =	vor.u32 $0x7, v0;
	_ =	sdelay $0x3  }
0x22a: {  	[tilespmem:s24+$0x1880] =	vst v1  }
0x22b: {  	v1 =	vld.idx.msk [tilespmem:v2+s22+$0x0], $0xffff  }
0x22c: {  	v2 =	vor.u32 $0x8, v0;
	_ =	sdelay $0x3  }
0x22d: {  	[tilespmem:s24+$0x1900] =	vst v1  }
0x22e: {  	v1 =	vld.idx.msk [tilespmem:v2+s22+$0x0], $0xffff  }
0x22f: {  	v2 =	vor.u32 $0x9, v0;
	_ =	sdelay $0x3  }
0x230: {  	[tilespmem:s24+$0x2580] =	vst v1  }
0x231: {  	v1 =	vld.idx.msk [tilespmem:v2+s22+$0x0], $0xffff  }
0x232: {  	v2 =	vor.u32 $0xA, v0;
	_ =	sdelay $0x3  }
0x233: {  	[tilespmem:s24+$0x2600] =	vst v1  }
0x234: {  	v1 =	vld.idx.msk [tilespmem:v2+s22+$0x0], $0xffff  }
0x235: {  	v2 =	vor.u32 $0xB, v0;
	_ =	sdelay $0x3  }
0x236: {  	[tilespmem:s24+$0x2680] =	vst v1  }
0x237: {  	v1 =	vld.idx.msk [tilespmem:v2+s22+$0x0], $0xffff  }
0x238: {  	v2 =	vor.u32 $0xC, v0;
	_ =	sdelay $0x3  }
0x239: {  	[tilespmem:s24+$0x2700] =	vst v1  }
0x23a: {  	v1 =	vld.idx.msk [tilespmem:v2+s22+$0x0], $0xffff  }
0x23b: {  	v2 =	vor.u32 $0xD, v0;
	_ =	sdelay $0x3  }
0x23c: {  	[tilespmem:s24+$0x2780] =	vst v1  }
0x23d: {  	v1 =	vld.idx.msk [tilespmem:v2+s22+$0x0], $0xffff  }
0x23e: {  	v2 =	vor.u32 $0xE, v0;
	_ =	sdelay $0x3  }
0x23f: {  	[tilespmem:s24+$0x2800] =	vst v1  }
0x240: {  	v1 =	vld.idx.msk [tilespmem:v2+s22+$0x0], $0xffff  }
0x241: {  	v2 =	vor.u32 $0xF, v0;
	_ =	sdelay $0x3  }
0x242: {  	[tilespmem:s24+$0x2880] =	vst v1  }
0x243: {  	v1 =	vld.idx.msk [tilespmem:v2+s22+$0x0], $0xffff  }
0x244: {  	v2 =	vor.u32 $0x10, v0;
	_ =	sdelay $0x3  }
0x245: {  	[tilespmem:s24+$0x2900] =	vst v1  }
0x246: {  	v1 =	vld.idx.msk [tilespmem:v2+s22+$0x0], $0xffff  }
0x247: {  	v2 =	vor.u32 $0x11, v0;
	_ =	sdelay $0x3  }
0x248: {  	[tilespmem:s24+$0x3580] =	vst v1  }
0x249: {  	v1 =	vld.idx.msk [tilespmem:v2+s22+$0x0], $0xffff  }
0x24a: {  	v2 =	vor.u32 $0x12, v0;
	_ =	sdelay $0x3  }
0x24b: {  	[tilespmem:s24+$0x3600] =	vst v1  }
0x24c: {  	v1 =	vld.idx.msk [tilespmem:v2+s22+$0x0], $0xffff  }
0x24d: {  	v2 =	vor.u32 $0x13, v0;
	_ =	sdelay $0x3  }
0x24e: {  	[tilespmem:s24+$0x3680] =	vst v1  }
0x24f: {  	v1 =	vld.idx.msk [tilespmem:v2+s22+$0x0], $0xffff  }
0x250: {  	v2 =	vor.u32 $0x14, v0;
	_ =	sdelay $0x3  }
0x251: {  	[tilespmem:s24+$0x3700] =	vst v1  }
0x252: {  	v1 =	vld.idx.msk [tilespmem:v2+s22+$0x0], $0xffff  }
0x253: {  	v2 =	vor.u32 $0x15, v0;
	_ =	sdelay $0x3  }
0x254: {  	[tilespmem:s24+$0x3780] =	vst v1  }
0x255: {  	v1 =	vld.idx.msk [tilespmem:v2+s22+$0x0], $0xffff  }
0x256: {  	v2 =	vor.u32 $0x16, v0;
	_ =	sdelay $0x3  }
0x257: {  	[tilespmem:s24+$0x3800] =	vst v1  }
0x258: {  	v1 =	vld.idx.msk [tilespmem:v2+s22+$0x0], $0xffff  }
0x259: {  	v2 =	vor.u32 $0x17, v0;
	_ =	sdelay $0x3  }
0x25a: {  	[tilespmem:s24+$0x3880] =	vst v1  }
0x25b: {  	v1 =	vld.idx.msk [tilespmem:v2+s22+$0x0], $0xffff  }
0x25c: {  	v2 =	vor.u32 $0x18, v0;
	_ =	sdelay $0x3  }
0x25d: {  	[tilespmem:s24+$0x3900] =	vst v1  }
0x25e: {  	v1 =	vld.idx.msk [tilespmem:v2+s22+$0x0], $0xffff  }
0x25f: {  	v2 =	vor.u32 $0x19, v0;
	_ =	sdelay $0x3  }
0x260: {  	[tilespmem:s24+$0x4580] =	vst v1  }
0x261: {  	v1 =	vld.idx.msk [tilespmem:v2+s22+$0x0], $0xffff  }
0x262: {  	v2 =	vor.u32 $0x1A, v0;
	_ =	sdelay $0x3  }
0x263: {  	[tilespmem:s24+$0x4600] =	vst v1  }
0x264: {  	v1 =	vld.idx.msk [tilespmem:v2+s22+$0x0], $0xffff  }
0x265: {  	v2 =	vor.u32 $0x1B, v0;
	_ =	sdelay $0x3  }
0x266: {  	[tilespmem:s24+$0x4680] =	vst v1  }
0x267: {  	v1 =	vld.idx.msk [tilespmem:v2+s22+$0x0], $0xffff  }
0x268: {  	v2 =	vor.u32 $0x1C, v0;
	_ =	sdelay $0x3  }
0x269: {  	[tilespmem:s24+$0x4700] =	vst v1  }
0x26a: {  	v1 =	vld.idx.msk [tilespmem:v2+s22+$0x0], $0xffff  }
0x26b: {  	v2 =	vor.u32 $0x1D, v0;
	_ =	sdelay $0x3  }
0x26c: {  	[tilespmem:s24+$0x4780] =	vst v1  }
0x26d: {  	v1 =	vld.idx.msk [tilespmem:v2+s22+$0x0], $0xffff  }
0x26e: {  	v2 =	vor.u32 $0x1E, v0;
	_ =	sdelay $0x3  }
0x26f: {  	[tilespmem:s24+$0x4800] =	vst v1  }
0x270: {  	v1 =	vld.idx.msk [tilespmem:v2+s22+$0x0], $0xffff  }
0x271: {  	v0 =	vor.u32 $0x1F, v0;
	_ =	sdelay $0x3  }
0x272: {  	[tilespmem:s24+$0x4880] =	vst v1  }
0x273: {  	v0 =	vld.idx.msk [tilespmem:v0+s22+$0x0], $0xffff;
	_ =	sdelay $0x4  }
0x274: {  	s26 =	simm.s32 $0x1600;
	[tilespmem:s24+$0x4900] =	vst v0;
	s24 =	simm.s32 $0x0  }
0x275: {  	[hbm4b:s9+s24] =	stream.linear.scatter [tilespmem:s26], [sflag:$0x1], $0x400, $0x38;
	[tilespmem:$0x5200] =	vst v63  }
0x276: {  	s28 =	simm.s32 $0x2600  }
0x277: {  	[hbm4b:s10+s24] =	stream.linear.scatter [tilespmem:s28], [sflag:$0x1], $0x400, $0x38;
	[tilespmem:$0x5200] =	vst v63  }
0x278: {  	s30 =	simm.s32 $0x3600  }
0x279: {  	[hbm4b:s11+s24] =	stream.linear.scatter [tilespmem:s30], [sflag:$0x1], $0x400, $0x38;
	[tilespmem:$0x5200] =	vst v63  }
0x27a: {  	s26 =	simm.s32 $0x4600;
	s28 =	simm.s32 $0x0  }
0x27b: {  	[hbm4b:s12+s24] =	stream.linear.scatter [tilespmem:s26], [sflag:$0x1], $0x400, $0x38;
	[tilespmem:$0x5200] =	vst v63  }
0x27c: {  	v0 =	vld [tilespmem:s28+$0x100];
	_ =	sdelay $0x4  }
0x27d: {  	v0 =	vshll.u32 v0, $0x5;
	_ =	sdelay $0x4  }
0x27e: {  	v1 =	vld.idx.msk [tilespmem:v0+s22+$0x0], $0xffff  }
0x27f: {  	v2 =	vor.u32 $0x1, v0  }
0x280: {  	s24 =	simm.s32 $0x100  }
0x281: {  	s30 =	sand.u32 $0x3FFFFF80, s24  }
0x282: {  	s25 =	sadd.s32 $0x0, s30  }
0x283: {  	[tilespmem:s25+$0x1900] =	vst v1  }
0x284: {  	v1 =	vld.idx.msk [tilespmem:v2+s22+$0x0], $0xffff  }
0x285: {  	v2 =	vor.u32 $0x2, v0;
	_ =	sdelay $0x3  }
0x286: {  	[tilespmem:s25+$0x1980] =	vst v1  }
0x287: {  	v1 =	vld.idx.msk [tilespmem:v2+s22+$0x0], $0xffff  }
0x288: {  	v2 =	vor.u32 $0x3, v0;
	_ =	sdelay $0x3  }
0x289: {  	[tilespmem:s25+$0x1A00] =	vst v1  }
0x28a: {  	v1 =	vld.idx.msk [tilespmem:v2+s22+$0x0], $0xffff  }
0x28b: {  	v2 =	vor.u32 $0x4, v0;
	_ =	sdelay $0x3  }
0x28c: {  	[tilespmem:s25+$0x1A80] =	vst v1  }
0x28d: {  	v1 =	vld.idx.msk [tilespmem:v2+s22+$0x0], $0xffff  }
0x28e: {  	v2 =	vor.u32 $0x5, v0;
	_ =	sdelay $0x3  }
0x28f: {  	[tilespmem:s25+$0x1B00] =	vst v1  }
0x290: {  	v1 =	vld.idx.msk [tilespmem:v2+s22+$0x0], $0xffff  }
0x291: {  	v2 =	vor.u32 $0x6, v0;
	_ =	sdelay $0x3  }
0x292: {  	[tilespmem:s25+$0x1B80] =	vst v1  }
0x293: {  	v1 =	vld.idx.msk [tilespmem:v2+s22+$0x0], $0xffff  }
0x294: {  	v2 =	vor.u32 $0x7, v0;
	_ =	sdelay $0x3  }
0x295: {  	[tilespmem:s25+$0x1C00] =	vst v1  }
0x296: {  	v1 =	vld.idx.msk [tilespmem:v2+s22+$0x0], $0xffff  }
0x297: {  	v2 =	vor.u32 $0x8, v0;
	_ =	sdelay $0x3  }
0x298: {  	[tilespmem:s25+$0x1C80] =	vst v1  }
0x299: {  	v1 =	vld.idx.msk [tilespmem:v2+s22+$0x0], $0xffff  }
0x29a: {  	v2 =	vor.u32 $0x9, v0;
	_ =	sdelay $0x3  }
0x29b: {  	[tilespmem:s25+$0x2900] =	vst v1  }
0x29c: {  	v1 =	vld.idx.msk [tilespmem:v2+s22+$0x0], $0xffff  }
0x29d: {  	v2 =	vor.u32 $0xA, v0;
	_ =	sdelay $0x3  }
0x29e: {  	[tilespmem:s25+$0x2980] =	vst v1  }
0x29f: {  	v1 =	vld.idx.msk [tilespmem:v2+s22+$0x0], $0xffff  }
0x2a0: {  	v2 =	vor.u32 $0xB, v0;
	_ =	sdelay $0x3  }
0x2a1: {  	[tilespmem:s25+$0x2A00] =	vst v1  }
0x2a2: {  	v1 =	vld.idx.msk [tilespmem:v2+s22+$0x0], $0xffff  }
0x2a3: {  	v2 =	vor.u32 $0xC, v0;
	_ =	sdelay $0x3  }
0x2a4: {  	[tilespmem:s25+$0x2A80] =	vst v1  }
0x2a5: {  	v1 =	vld.idx.msk [tilespmem:v2+s22+$0x0], $0xffff  }
0x2a6: {  	v2 =	vor.u32 $0xD, v0;
	_ =	sdelay $0x3  }
0x2a7: {  	[tilespmem:s25+$0x2B00] =	vst v1  }
0x2a8: {  	v1 =	vld.idx.msk [tilespmem:v2+s22+$0x0], $0xffff  }
0x2a9: {  	v2 =	vor.u32 $0xE, v0;
	_ =	sdelay $0x3  }
0x2aa: {  	[tilespmem:s25+$0x2B80] =	vst v1  }
0x2ab: {  	v1 =	vld.idx.msk [tilespmem:v2+s22+$0x0], $0xffff  }
0x2ac: {  	v2 =	vor.u32 $0xF, v0;
	_ =	sdelay $0x3  }
0x2ad: {  	[tilespmem:s25+$0x2C00] =	vst v1  }
0x2ae: {  	v1 =	vld.idx.msk [tilespmem:v2+s22+$0x0], $0xffff  }
0x2af: {  	v2 =	vor.u32 $0x10, v0;
	_ =	sdelay $0x3  }
0x2b0: {  	[tilespmem:s25+$0x2C80] =	vst v1  }
0x2b1: {  	v1 =	vld.idx.msk [tilespmem:v2+s22+$0x0], $0xffff  }
0x2b2: {  	v2 =	vor.u32 $0x11, v0;
	_ =	sdelay $0x3  }
0x2b3: {  	[tilespmem:s25+$0x3900] =	vst v1  }
0x2b4: {  	v1 =	vld.idx.msk [tilespmem:v2+s22+$0x0], $0xffff  }
0x2b5: {  	v2 =	vor.u32 $0x12, v0;
	_ =	sdelay $0x3  }
0x2b6: {  	[tilespmem:s25+$0x3980] =	vst v1  }
0x2b7: {  	v1 =	vld.idx.msk [tilespmem:v2+s22+$0x0], $0xffff  }
0x2b8: {  	v2 =	vor.u32 $0x13, v0;
	_ =	sdelay $0x3  }
0x2b9: {  	[tilespmem:s25+$0x3A00] =	vst v1  }
0x2ba: {  	v1 =	vld.idx.msk [tilespmem:v2+s22+$0x0], $0xffff  }
0x2bb: {  	v2 =	vor.u32 $0x14, v0;
	_ =	sdelay $0x3  }
0x2bc: {  	[tilespmem:s25+$0x3A80] =	vst v1  }
0x2bd: {  	v1 =	vld.idx.msk [tilespmem:v2+s22+$0x0], $0xffff  }
0x2be: {  	v2 =	vor.u32 $0x15, v0;
	_ =	sdelay $0x3  }
0x2bf: {  	[tilespmem:s25+$0x3B00] =	vst v1  }
0x2c0: {  	v1 =	vld.idx.msk [tilespmem:v2+s22+$0x0], $0xffff  }
0x2c1: {  	v2 =	vor.u32 $0x16, v0;
	_ =	sdelay $0x3  }
0x2c2: {  	[tilespmem:s25+$0x3B80] =	vst v1  }
0x2c3: {  	v1 =	vld.idx.msk [tilespmem:v2+s22+$0x0], $0xffff  }
0x2c4: {  	v2 =	vor.u32 $0x17, v0;
	_ =	sdelay $0x3  }
0x2c5: {  	[tilespmem:s25+$0x3C00] =	vst v1  }
0x2c6: {  	v1 =	vld.idx.msk [tilespmem:v2+s22+$0x0], $0xffff  }
0x2c7: {  	v2 =	vor.u32 $0x18, v0;
	_ =	sdelay $0x3  }
0x2c8: {  	[tilespmem:s25+$0x3C80] =	vst v1  }
0x2c9: {  	v1 =	vld.idx.msk [tilespmem:v2+s22+$0x0], $0xffff  }
0x2ca: {  	v2 =	vor.u32 $0x19, v0;
	_ =	sdelay $0x3  }
0x2cb: {  	[tilespmem:s25+$0x4900] =	vst v1  }
0x2cc: {  	v1 =	vld.idx.msk [tilespmem:v2+s22+$0x0], $0xffff  }
0x2cd: {  	v2 =	vor.u32 $0x1A, v0;
	_ =	sdelay $0x3  }
0x2ce: {  	[tilespmem:s25+$0x4980] =	vst v1  }
0x2cf: {  	v1 =	vld.idx.msk [tilespmem:v2+s22+$0x0], $0xffff  }
0x2d0: {  	v2 =	vor.u32 $0x1B, v0;
	_ =	sdelay $0x3  }
0x2d1: {  	[tilespmem:s25+$0x4A00] =	vst v1  }
0x2d2: {  	v1 =	vld.idx.msk [tilespmem:v2+s22+$0x0], $0xffff  }
0x2d3: {  	v2 =	vor.u32 $0x1C, v0;
	_ =	sdelay $0x3  }
0x2d4: {  	[tilespmem:s25+$0x4A80] =	vst v1  }
0x2d5: {  	v1 =	vld.idx.msk [tilespmem:v2+s22+$0x0], $0xffff  }
0x2d6: {  	v2 =	vor.u32 $0x1D, v0;
	_ =	sdelay $0x3  }
0x2d7: {  	[tilespmem:s25+$0x4B00] =	vst v1  }
0x2d8: {  	v1 =	vld.idx.msk [tilespmem:v2+s22+$0x0], $0xffff  }
0x2d9: {  	v2 =	vor.u32 $0x1E, v0;
	_ =	sdelay $0x3  }
0x2da: {  	[tilespmem:s25+$0x4B80] =	vst v1  }
0x2db: {  	v1 =	vld.idx.msk [tilespmem:v2+s22+$0x0], $0xffff  }
0x2dc: {  	v0 =	vor.u32 $0x1F, v0;
	_ =	sdelay $0x3  }
0x2dd: {  	[tilespmem:s25+$0x4C00] =	vst v1  }
0x2de: {  	s29 =	simm.s32 $0x80;
	s26 =	simm.s32 $0x40;
	v0 =	vld.idx.msk [tilespmem:v0+s22+$0x0], $0xffff  }
.LBB2_6:
0x2df: {  	_ =	sdelay $0x2  }
0x2e0: {  	s30 =	sshra.s32 s26, $0x2  }
0x2e1: {  	s24 =	sadd.s32 $0x10, s24;
	s26 =	smov.u32 s29;
	s28 =	sadd.s32 $0x40, s29;
	[tilespmem:s25+$0x4C80] =	vst v0  }
0x2e2: {  	p0 =	sne.s32 s29, $0x1C0;
	v0 =	vld [tilespmem:s30+$0x100];
	_ =	sdelay $0x4  }
0x2e3: {  	v0 =	vshll.u32 v0, $0x5;
	_ =	sdelay $0x4  }
0x2e4: {  	v1 =	vld.idx.msk [tilespmem:v0+s22+$0x0], $0xffff;
	_ =	sdelay $0x1  }
0x2e5: {  	v2 =	vor.u32 $0x1, v0;
	_ =	sdelay $0x1  }
0x2e6: {  	s25 =	sand.u32 $0x3FFFFF80, s24  }
0x2e7: {  	s25 =	sadd.s32 s30, s25  }
0x2e8: {  	[tilespmem:s25+$0x1900] =	vst v1  }
0x2e9: {  	v1 =	vld.idx.msk [tilespmem:v2+s22+$0x0], $0xffff;
	_ =	sdelay $0x1  }
0x2ea: {  	v2 =	vor.u32 $0x2, v0;
	_ =	sdelay $0x3  }
0x2eb: {  	[tilespmem:s25+$0x1980] =	vst v1  }
0x2ec: {  	v1 =	vld.idx.msk [tilespmem:v2+s22+$0x0], $0xffff;
	_ =	sdelay $0x1  }
0x2ed: {  	v2 =	vor.u32 $0x3, v0;
	_ =	sdelay $0x3  }
0x2ee: {  	[tilespmem:s25+$0x1A00] =	vst v1  }
0x2ef: {  	v1 =	vld.idx.msk [tilespmem:v2+s22+$0x0], $0xffff;
	_ =	sdelay $0x1  }
0x2f0: {  	v2 =	vor.u32 $0x4, v0;
	_ =	sdelay $0x3  }
0x2f1: {  	[tilespmem:s25+$0x1A80] =	vst v1  }
0x2f2: {  	v1 =	vld.idx.msk [tilespmem:v2+s22+$0x0], $0xffff;
	_ =	sdelay $0x1  }
0x2f3: {  	v2 =	vor.u32 $0x5, v0;
	_ =	sdelay $0x3  }
0x2f4: {  	[tilespmem:s25+$0x1B00] =	vst v1  }
0x2f5: {  	v1 =	vld.idx.msk [tilespmem:v2+s22+$0x0], $0xffff;
	_ =	sdelay $0x1  }
0x2f6: {  	v2 =	vor.u32 $0x6, v0;
	_ =	sdelay $0x3  }
0x2f7: {  	[tilespmem:s25+$0x1B80] =	vst v1  }
0x2f8: {  	v1 =	vld.idx.msk [tilespmem:v2+s22+$0x0], $0xffff;
	_ =	sdelay $0x1  }
0x2f9: {  	v2 =	vor.u32 $0x7, v0;
	_ =	sdelay $0x3  }
0x2fa: {  	[tilespmem:s25+$0x1C00] =	vst v1  }
0x2fb: {  	v1 =	vld.idx.msk [tilespmem:v2+s22+$0x0], $0xffff;
	_ =	sdelay $0x1  }
0x2fc: {  	v2 =	vor.u32 $0x8, v0;
	_ =	sdelay $0x3  }
0x2fd: {  	[tilespmem:s25+$0x1C80] =	vst v1  }
0x2fe: {  	v1 =	vld.idx.msk [tilespmem:v2+s22+$0x0], $0xffff;
	_ =	sdelay $0x1  }
0x2ff: {  	v2 =	vor.u32 $0x9, v0;
	_ =	sdelay $0x3  }
0x300: {  	[tilespmem:s25+$0x2900] =	vst v1  }
0x301: {  	v1 =	vld.idx.msk [tilespmem:v2+s22+$0x0], $0xffff;
	_ =	sdelay $0x1  }
0x302: {  	v2 =	vor.u32 $0xA, v0;
	_ =	sdelay $0x3  }
0x303: {  	[tilespmem:s25+$0x2980] =	vst v1  }
0x304: {  	v1 =	vld.idx.msk [tilespmem:v2+s22+$0x0], $0xffff;
	_ =	sdelay $0x1  }
0x305: {  	v2 =	vor.u32 $0xB, v0;
	_ =	sdelay $0x3  }
0x306: {  	[tilespmem:s25+$0x2A00] =	vst v1  }
0x307: {  	v1 =	vld.idx.msk [tilespmem:v2+s22+$0x0], $0xffff;
	_ =	sdelay $0x1  }
0x308: {  	v2 =	vor.u32 $0xC, v0;
	_ =	sdelay $0x3  }
0x309: {  	[tilespmem:s25+$0x2A80] =	vst v1  }
0x30a: {  	v1 =	vld.idx.msk [tilespmem:v2+s22+$0x0], $0xffff;
	_ =	sdelay $0x1  }
0x30b: {  	v2 =	vor.u32 $0xD, v0;
	_ =	sdelay $0x3  }
0x30c: {  	[tilespmem:s25+$0x2B00] =	vst v1  }
0x30d: {  	v1 =	vld.idx.msk [tilespmem:v2+s22+$0x0], $0xffff;
	_ =	sdelay $0x1  }
0x30e: {  	v2 =	vor.u32 $0xE, v0;
	_ =	sdelay $0x3  }
0x30f: {  	[tilespmem:s25+$0x2B80] =	vst v1  }
0x310: {  	v1 =	vld.idx.msk [tilespmem:v2+s22+$0x0], $0xffff;
	_ =	sdelay $0x1  }
0x311: {  	v2 =	vor.u32 $0xF, v0;
	_ =	sdelay $0x3  }
0x312: {  	[tilespmem:s25+$0x2C00] =	vst v1  }
0x313: {  	v1 =	vld.idx.msk [tilespmem:v2+s22+$0x0], $0xffff;
	_ =	sdelay $0x1  }
0x314: {  	v2 =	vor.u32 $0x10, v0;
	_ =	sdelay $0x3  }
0x315: {  	[tilespmem:s25+$0x2C80] =	vst v1  }
0x316: {  	v1 =	vld.idx.msk [tilespmem:v2+s22+$0x0], $0xffff;
	_ =	sdelay $0x1  }
0x317: {  	v2 =	vor.u32 $0x11, v0;
	_ =	sdelay $0x3  }
0x318: {  	[tilespmem:s25+$0x3900] =	vst v1  }
0x319: {  	v1 =	vld.idx.msk [tilespmem:v2+s22+$0x0], $0xffff;
	_ =	sdelay $0x1  }
0x31a: {  	v2 =	vor.u32 $0x12, v0;
	_ =	sdelay $0x3  }
0x31b: {  	[tilespmem:s25+$0x3980] =	vst v1  }
0x31c: {  	v1 =	vld.idx.msk [tilespmem:v2+s22+$0x0], $0xffff;
	_ =	sdelay $0x1  }
0x31d: {  	v2 =	vor.u32 $0x13, v0;
	_ =	sdelay $0x3  }
0x31e: {  	[tilespmem:s25+$0x3A00] =	vst v1  }
0x31f: {  	v1 =	vld.idx.msk [tilespmem:v2+s22+$0x0], $0xffff;
	_ =	sdelay $0x1  }
0x320: {  	v2 =	vor.u32 $0x14, v0;
	_ =	sdelay $0x3  }
0x321: {  	[tilespmem:s25+$0x3A80] =	vst v1  }
0x322: {  	v1 =	vld.idx.msk [tilespmem:v2+s22+$0x0], $0xffff;
	_ =	sdelay $0x1  }
0x323: {  	v2 =	vor.u32 $0x15, v0;
	_ =	sdelay $0x3  }
0x324: {  	[tilespmem:s25+$0x3B00] =	vst v1  }
0x325: {  	v1 =	vld.idx.msk [tilespmem:v2+s22+$0x0], $0xffff;
	_ =	sdelay $0x1  }
0x326: {  	v2 =	vor.u32 $0x16, v0;
	_ =	sdelay $0x3  }
0x327: {  	[tilespmem:s25+$0x3B80] =	vst v1  }
0x328: {  	v1 =	vld.idx.msk [tilespmem:v2+s22+$0x0], $0xffff;
	_ =	sdelay $0x1  }
0x329: {  	v2 =	vor.u32 $0x17, v0;
	_ =	sdelay $0x3  }
0x32a: {  	[tilespmem:s25+$0x3C00] =	vst v1  }
0x32b: {  	v1 =	vld.idx.msk [tilespmem:v2+s22+$0x0], $0xffff;
	_ =	sdelay $0x1  }
0x32c: {  	v2 =	vor.u32 $0x18, v0;
	_ =	sdelay $0x3  }
0x32d: {  	[tilespmem:s25+$0x3C80] =	vst v1  }
0x32e: {  	v1 =	vld.idx.msk [tilespmem:v2+s22+$0x0], $0xffff;
	_ =	sdelay $0x1  }
0x32f: {  	v2 =	vor.u32 $0x19, v0;
	_ =	sdelay $0x3  }
0x330: {  	[tilespmem:s25+$0x4900] =	vst v1  }
0x331: {  	v1 =	vld.idx.msk [tilespmem:v2+s22+$0x0], $0xffff;
	_ =	sdelay $0x1  }
0x332: {  	v2 =	vor.u32 $0x1A, v0;
	_ =	sdelay $0x3  }
0x333: {  	[tilespmem:s25+$0x4980] =	vst v1  }
0x334: {  	v1 =	vld.idx.msk [tilespmem:v2+s22+$0x0], $0xffff;
	_ =	sdelay $0x1  }
0x335: {  	v2 =	vor.u32 $0x1B, v0;
	_ =	sdelay $0x3  }
0x336: {  	[tilespmem:s25+$0x4A00] =	vst v1  }
0x337: {  	v1 =	vld.idx.msk [tilespmem:v2+s22+$0x0], $0xffff;
	_ =	sdelay $0x1  }
0x338: {  	v2 =	vor.u32 $0x1C, v0;
	_ =	sdelay $0x3  }
0x339: {  	[tilespmem:s25+$0x4A80] =	vst v1  }
0x33a: {  	v1 =	vld.idx.msk [tilespmem:v2+s22+$0x0], $0xffff;
	_ =	sdelay $0x1  }
0x33b: {  	v2 =	vor.u32 $0x1D, v0;
	_ =	sdelay $0x3  }
0x33c: {  	[tilespmem:s25+$0x4B00] =	vst v1  }
0x33d: {  	v1 =	vld.idx.msk [tilespmem:v2+s22+$0x0], $0xffff;
	_ =	sdelay $0x1  }
0x33e: {  	v2 =	vor.u32 $0x1E, v0;
	_ =	sdelay $0x3  }
0x33f: {  	[tilespmem:s25+$0x4B80] =	vst v1  }
0x340: {  	v1 =	vld.idx.msk [tilespmem:v2+s22+$0x0], $0xffff;
	_ =	sdelay $0x1  }
0x341: {  	v0 =	vor.u32 $0x1F, v0  }
.Ltmp2:
0x342: {  	(pc) =	sbr.rel @p0 .LBB2_6-.Ltmp2, $3  }
0x343: {  	_ =	sdelay $0x1  }
0x344: {  	[tilespmem:s25+$0x4C00] =	vst v1  }
0x345: {  	s29 =	smov.u32 s28;
	v0 =	vld.idx.msk [tilespmem:v0+s22+$0x0], $0xffff  }
0x346: {  	_ =	sdelay $0x3  }
0x347: {  	s26 =	sshra.s32 s26, $0x2;
	[tilespmem:s25+$0x4C80] =	vst v0  }
0x348: {  	v0 =	vld [tilespmem:s26+$0x100];
	_ =	sdelay $0x4  }
0x349: {  	v0 =	vshll.u32 v0, $0x5;
	_ =	sdelay $0x4  }
0x34a: {  	v1 =	vld.idx.msk [tilespmem:v0+s22+$0x0], $0xffff  }
0x34b: {  	v2 =	vor.u32 $0x1, v0  }
0x34c: {  	s24 =	sadd.s32 $0x10, s24  }
0x34d: {  	s24 =	sand.u32 $0x3FFFFF80, s24  }
0x34e: {  	s24 =	sadd.s32 s26, s24  }
0x34f: {  	[tilespmem:s24+$0x1900] =	vst v1  }
0x350: {  	v1 =	vld.idx.msk [tilespmem:v2+s22+$0x0], $0xffff  }
0x351: {  	v2 =	vor.u32 $0x2, v0;
	_ =	sdelay $0x3  }
0x352: {  	[tilespmem:s24+$0x1980] =	vst v1  }
0x353: {  	v1 =	vld.idx.msk [tilespmem:v2+s22+$0x0], $0xffff  }
0x354: {  	v2 =	vor.u32 $0x3, v0;
	_ =	sdelay $0x3  }
0x355: {  	[tilespmem:s24+$0x1A00] =	vst v1  }
0x356: {  	v1 =	vld.idx.msk [tilespmem:v2+s22+$0x0], $0xffff  }
0x357: {  	v2 =	vor.u32 $0x4, v0;
	_ =	sdelay $0x3  }
0x358: {  	[tilespmem:s24+$0x1A80] =	vst v1  }
0x359: {  	v1 =	vld.idx.msk [tilespmem:v2+s22+$0x0], $0xffff  }
0x35a: {  	v2 =	vor.u32 $0x5, v0;
	_ =	sdelay $0x3  }
0x35b: {  	[tilespmem:s24+$0x1B00] =	vst v1  }
0x35c: {  	v1 =	vld.idx.msk [tilespmem:v2+s22+$0x0], $0xffff  }
0x35d: {  	v2 =	vor.u32 $0x6, v0;
	_ =	sdelay $0x3  }
0x35e: {  	[tilespmem:s24+$0x1B80] =	vst v1  }
0x35f: {  	v1 =	vld.idx.msk [tilespmem:v2+s22+$0x0], $0xffff  }
0x360: {  	v2 =	vor.u32 $0x7, v0;
	_ =	sdelay $0x3  }
0x361: {  	[tilespmem:s24+$0x1C00] =	vst v1  }
0x362: {  	v1 =	vld.idx.msk [tilespmem:v2+s22+$0x0], $0xffff  }
0x363: {  	v2 =	vor.u32 $0x8, v0;
	_ =	sdelay $0x3  }
0x364: {  	[tilespmem:s24+$0x1C80] =	vst v1  }
0x365: {  	v1 =	vld.idx.msk [tilespmem:v2+s22+$0x0], $0xffff  }
0x366: {  	v2 =	vor.u32 $0x9, v0;
	_ =	sdelay $0x3  }
0x367: {  	[tilespmem:s24+$0x2900] =	vst v1  }
0x368: {  	v1 =	vld.idx.msk [tilespmem:v2+s22+$0x0], $0xffff  }
0x369: {  	v2 =	vor.u32 $0xA, v0;
	_ =	sdelay $0x3  }
0x36a: {  	[tilespmem:s24+$0x2980] =	vst v1  }
0x36b: {  	v1 =	vld.idx.msk [tilespmem:v2+s22+$0x0], $0xffff  }
0x36c: {  	v2 =	vor.u32 $0xB, v0;
	_ =	sdelay $0x3  }
0x36d: {  	[tilespmem:s24+$0x2A00] =	vst v1  }
0x36e: {  	v1 =	vld.idx.msk [tilespmem:v2+s22+$0x0], $0xffff  }
0x36f: {  	v2 =	vor.u32 $0xC, v0;
	_ =	sdelay $0x3  }
0x370: {  	[tilespmem:s24+$0x2A80] =	vst v1  }
0x371: {  	v1 =	vld.idx.msk [tilespmem:v2+s22+$0x0], $0xffff  }
0x372: {  	v2 =	vor.u32 $0xD, v0;
	_ =	sdelay $0x3  }
0x373: {  	[tilespmem:s24+$0x2B00] =	vst v1  }
0x374: {  	v1 =	vld.idx.msk [tilespmem:v2+s22+$0x0], $0xffff  }
0x375: {  	v2 =	vor.u32 $0xE, v0;
	_ =	sdelay $0x3  }
0x376: {  	[tilespmem:s24+$0x2B80] =	vst v1  }
0x377: {  	v1 =	vld.idx.msk [tilespmem:v2+s22+$0x0], $0xffff  }
0x378: {  	v2 =	vor.u32 $0xF, v0;
	_ =	sdelay $0x3  }
0x379: {  	[tilespmem:s24+$0x2C00] =	vst v1  }
0x37a: {  	v1 =	vld.idx.msk [tilespmem:v2+s22+$0x0], $0xffff  }
0x37b: {  	v2 =	vor.u32 $0x10, v0;
	_ =	sdelay $0x3  }
0x37c: {  	[tilespmem:s24+$0x2C80] =	vst v1  }
0x37d: {  	v1 =	vld.idx.msk [tilespmem:v2+s22+$0x0], $0xffff  }
0x37e: {  	v2 =	vor.u32 $0x11, v0;
	_ =	sdelay $0x3  }
0x37f: {  	[tilespmem:s24+$0x3900] =	vst v1  }
0x380: {  	v1 =	vld.idx.msk [tilespmem:v2+s22+$0x0], $0xffff  }
0x381: {  	v2 =	vor.u32 $0x12, v0;
	_ =	sdelay $0x3  }
0x382: {  	[tilespmem:s24+$0x3980] =	vst v1  }
0x383: {  	v1 =	vld.idx.msk [tilespmem:v2+s22+$0x0], $0xffff  }
0x384: {  	v2 =	vor.u32 $0x13, v0;
	_ =	sdelay $0x3  }
0x385: {  	[tilespmem:s24+$0x3A00] =	vst v1  }
0x386: {  	v1 =	vld.idx.msk [tilespmem:v2+s22+$0x0], $0xffff  }
0x387: {  	v2 =	vor.u32 $0x14, v0;
	_ =	sdelay $0x3  }
0x388: {  	[tilespmem:s24+$0x3A80] =	vst v1  }
0x389: {  	v1 =	vld.idx.msk [tilespmem:v2+s22+$0x0], $0xffff  }
0x38a: {  	v2 =	vor.u32 $0x15, v0;
	_ =	sdelay $0x3  }
0x38b: {  	[tilespmem:s24+$0x3B00] =	vst v1  }
0x38c: {  	v1 =	vld.idx.msk [tilespmem:v2+s22+$0x0], $0xffff  }
0x38d: {  	v2 =	vor.u32 $0x16, v0;
	_ =	sdelay $0x3  }
0x38e: {  	[tilespmem:s24+$0x3B80] =	vst v1  }
0x38f: {  	v1 =	vld.idx.msk [tilespmem:v2+s22+$0x0], $0xffff  }
0x390: {  	v2 =	vor.u32 $0x17, v0;
	_ =	sdelay $0x3  }
0x391: {  	[tilespmem:s24+$0x3C00] =	vst v1  }
0x392: {  	v1 =	vld.idx.msk [tilespmem:v2+s22+$0x0], $0xffff  }
0x393: {  	v2 =	vor.u32 $0x18, v0;
	_ =	sdelay $0x3  }
0x394: {  	[tilespmem:s24+$0x3C80] =	vst v1  }
0x395: {  	v1 =	vld.idx.msk [tilespmem:v2+s22+$0x0], $0xffff  }
0x396: {  	v2 =	vor.u32 $0x19, v0;
	_ =	sdelay $0x3  }
0x397: {  	[tilespmem:s24+$0x4900] =	vst v1  }
0x398: {  	v1 =	vld.idx.msk [tilespmem:v2+s22+$0x0], $0xffff  }
0x399: {  	v2 =	vor.u32 $0x1A, v0;
	_ =	sdelay $0x3  }
0x39a: {  	[tilespmem:s24+$0x4980] =	vst v1  }
0x39b: {  	v1 =	vld.idx.msk [tilespmem:v2+s22+$0x0], $0xffff  }
0x39c: {  	v2 =	vor.u32 $0x1B, v0;
	_ =	sdelay $0x3  }
0x39d: {  	[tilespmem:s24+$0x4A00] =	vst v1  }
0x39e: {  	v1 =	vld.idx.msk [tilespmem:v2+s22+$0x0], $0xffff  }
0x39f: {  	v2 =	vor.u32 $0x1C, v0;
	_ =	sdelay $0x3  }
0x3a0: {  	[tilespmem:s24+$0x4A80] =	vst v1  }
0x3a1: {  	v1 =	vld.idx.msk [tilespmem:v2+s22+$0x0], $0xffff  }
0x3a2: {  	v2 =	vor.u32 $0x1D, v0;
	_ =	sdelay $0x3  }
0x3a3: {  	[tilespmem:s24+$0x4B00] =	vst v1  }
0x3a4: {  	v1 =	vld.idx.msk [tilespmem:v2+s22+$0x0], $0xffff  }
0x3a5: {  	v2 =	vor.u32 $0x1E, v0;
	_ =	sdelay $0x3  }
0x3a6: {  	[tilespmem:s24+$0x4B80] =	vst v1  }
0x3a7: {  	v1 =	vld.idx.msk [tilespmem:v2+s22+$0x0], $0xffff  }
0x3a8: {  	v0 =	vor.u32 $0x1F, v0;
	_ =	sdelay $0x3  }
0x3a9: {  	[tilespmem:s24+$0x4C00] =	vst v1  }
0x3aa: {  	v0 =	vld.idx.msk [tilespmem:v0+s22+$0x0], $0xffff;
	_ =	sdelay $0x4  }
0x3ab: {  	s26 =	simm.s32 $0x1A00;
	[tilespmem:s24+$0x4C80] =	vst v0;
	s24 =	simm.s32 $0x0  }
0x3ac: {  	[hbm4b:s13+s24] =	stream.linear.scatter [tilespmem:s26], [sflag:$0x1], $0x400, $0x38;
	[tilespmem:$0x5200] =	vst v63  }
0x3ad: {  	s28 =	simm.s32 $0x2A00  }
0x3ae: {  	[hbm4b:s14+s24] =	stream.linear.scatter [tilespmem:s28], [sflag:$0x1], $0x400, $0x38;
	[tilespmem:$0x5200] =	vst v63  }
0x3af: {  	s30 =	simm.s32 $0x3A00  }
0x3b0: {  	[hbm4b:s15+s24] =	stream.linear.scatter [tilespmem:s30], [sflag:$0x1], $0x400, $0x38;
	[tilespmem:$0x5200] =	vst v63  }
0x3b1: {  	s26 =	simm.s32 $0x4A00;
	s28 =	simm.s32 $0x0  }
0x3b2: {  	[hbm4b:s16+s24] =	stream.linear.scatter [tilespmem:s26], [sflag:$0x1], $0x400, $0x38;
	[tilespmem:$0x5200] =	vst v63  }
0x3b3: {  	v0 =	vld [tilespmem:s28+$0x180];
	_ =	sdelay $0x4  }
0x3b4: {  	v0 =	vshll.u32 v0, $0x5;
	_ =	sdelay $0x4  }
0x3b5: {  	v1 =	vld.idx.msk [tilespmem:v0+s22+$0x0], $0xffff  }
0x3b6: {  	v2 =	vor.u32 $0x1, v0  }
0x3b7: {  	s24 =	simm.s32 $0x180  }
0x3b8: {  	s30 =	sand.u32 $0x3FFFFF80, s24  }
0x3b9: {  	s25 =	sadd.s32 $0x0, s30  }
0x3ba: {  	[tilespmem:s25+$0x1C80] =	vst v1  }
0x3bb: {  	v1 =	vld.idx.msk [tilespmem:v2+s22+$0x0], $0xffff  }
0x3bc: {  	v2 =	vor.u32 $0x2, v0;
	_ =	sdelay $0x3  }
0x3bd: {  	[tilespmem:s25+$0x1D00] =	vst v1  }
0x3be: {  	v1 =	vld.idx.msk [tilespmem:v2+s22+$0x0], $0xffff  }
0x3bf: {  	v2 =	vor.u32 $0x3, v0;
	_ =	sdelay $0x3  }
0x3c0: {  	[tilespmem:s25+$0x1D80] =	vst v1  }
0x3c1: {  	v1 =	vld.idx.msk [tilespmem:v2+s22+$0x0], $0xffff  }
0x3c2: {  	v2 =	vor.u32 $0x4, v0;
	_ =	sdelay $0x3  }
0x3c3: {  	[tilespmem:s25+$0x1E00] =	vst v1  }
0x3c4: {  	v1 =	vld.idx.msk [tilespmem:v2+s22+$0x0], $0xffff  }
0x3c5: {  	v2 =	vor.u32 $0x5, v0;
	_ =	sdelay $0x3  }
0x3c6: {  	[tilespmem:s25+$0x1E80] =	vst v1  }
0x3c7: {  	v1 =	vld.idx.msk [tilespmem:v2+s22+$0x0], $0xffff  }
0x3c8: {  	v2 =	vor.u32 $0x6, v0;
	_ =	sdelay $0x3  }
0x3c9: {  	[tilespmem:s25+$0x1F00] =	vst v1  }
0x3ca: {  	v1 =	vld.idx.msk [tilespmem:v2+s22+$0x0], $0xffff  }
0x3cb: {  	v2 =	vor.u32 $0x7, v0;
	_ =	sdelay $0x3  }
0x3cc: {  	[tilespmem:s25+$0x1F80] =	vst v1  }
0x3cd: {  	v1 =	vld.idx.msk [tilespmem:v2+s22+$0x0], $0xffff  }
0x3ce: {  	v2 =	vor.u32 $0x8, v0;
	_ =	sdelay $0x3  }
0x3cf: {  	[tilespmem:s25+$0x2000] =	vst v1  }
0x3d0: {  	v1 =	vld.idx.msk [tilespmem:v2+s22+$0x0], $0xffff  }
0x3d1: {  	v2 =	vor.u32 $0x9, v0;
	_ =	sdelay $0x3  }
0x3d2: {  	[tilespmem:s25+$0x2C80] =	vst v1  }
0x3d3: {  	v1 =	vld.idx.msk [tilespmem:v2+s22+$0x0], $0xffff  }
0x3d4: {  	v2 =	vor.u32 $0xA, v0;
	_ =	sdelay $0x3  }
0x3d5: {  	[tilespmem:s25+$0x2D00] =	vst v1  }
0x3d6: {  	v1 =	vld.idx.msk [tilespmem:v2+s22+$0x0], $0xffff  }
0x3d7: {  	v2 =	vor.u32 $0xB, v0;
	_ =	sdelay $0x3  }
0x3d8: {  	[tilespmem:s25+$0x2D80] =	vst v1  }
0x3d9: {  	v1 =	vld.idx.msk [tilespmem:v2+s22+$0x0], $0xffff  }
0x3da: {  	v2 =	vor.u32 $0xC, v0;
	_ =	sdelay $0x3  }
0x3db: {  	[tilespmem:s25+$0x2E00] =	vst v1  }
0x3dc: {  	v1 =	vld.idx.msk [tilespmem:v2+s22+$0x0], $0xffff  }
0x3dd: {  	v2 =	vor.u32 $0xD, v0;
	_ =	sdelay $0x3  }
0x3de: {  	[tilespmem:s25+$0x2E80] =	vst v1  }
0x3df: {  	v1 =	vld.idx.msk [tilespmem:v2+s22+$0x0], $0xffff  }
0x3e0: {  	v2 =	vor.u32 $0xE, v0;
	_ =	sdelay $0x3  }
0x3e1: {  	[tilespmem:s25+$0x2F00] =	vst v1  }
0x3e2: {  	v1 =	vld.idx.msk [tilespmem:v2+s22+$0x0], $0xffff  }
0x3e3: {  	v2 =	vor.u32 $0xF, v0;
	_ =	sdelay $0x3  }
0x3e4: {  	[tilespmem:s25+$0x2F80] =	vst v1  }
0x3e5: {  	v1 =	vld.idx.msk [tilespmem:v2+s22+$0x0], $0xffff  }
0x3e6: {  	v2 =	vor.u32 $0x10, v0;
	_ =	sdelay $0x3  }
0x3e7: {  	[tilespmem:s25+$0x3000] =	vst v1  }
0x3e8: {  	v1 =	vld.idx.msk [tilespmem:v2+s22+$0x0], $0xffff  }
0x3e9: {  	v2 =	vor.u32 $0x11, v0;
	_ =	sdelay $0x3  }
0x3ea: {  	[tilespmem:s25+$0x3C80] =	vst v1  }
0x3eb: {  	v1 =	vld.idx.msk [tilespmem:v2+s22+$0x0], $0xffff  }
0x3ec: {  	v2 =	vor.u32 $0x12, v0;
	_ =	sdelay $0x3  }
0x3ed: {  	[tilespmem:s25+$0x3D00] =	vst v1  }
0x3ee: {  	v1 =	vld.idx.msk [tilespmem:v2+s22+$0x0], $0xffff  }
0x3ef: {  	v2 =	vor.u32 $0x13, v0;
	_ =	sdelay $0x3  }
0x3f0: {  	[tilespmem:s25+$0x3D80] =	vst v1  }
0x3f1: {  	v1 =	vld.idx.msk [tilespmem:v2+s22+$0x0], $0xffff  }
0x3f2: {  	v2 =	vor.u32 $0x14, v0;
	_ =	sdelay $0x3  }
0x3f3: {  	[tilespmem:s25+$0x3E00] =	vst v1  }
0x3f4: {  	v1 =	vld.idx.msk [tilespmem:v2+s22+$0x0], $0xffff  }
0x3f5: {  	v2 =	vor.u32 $0x15, v0;
	_ =	sdelay $0x3  }
0x3f6: {  	[tilespmem:s25+$0x3E80] =	vst v1  }
0x3f7: {  	v1 =	vld.idx.msk [tilespmem:v2+s22+$0x0], $0xffff  }
0x3f8: {  	v2 =	vor.u32 $0x16, v0;
	_ =	sdelay $0x3  }
0x3f9: {  	[tilespmem:s25+$0x3F00] =	vst v1  }
0x3fa: {  	v1 =	vld.idx.msk [tilespmem:v2+s22+$0x0], $0xffff  }
0x3fb: {  	v2 =	vor.u32 $0x17, v0;
	_ =	sdelay $0x3  }
0x3fc: {  	[tilespmem:s25+$0x3F80] =	vst v1  }
0x3fd: {  	v1 =	vld.idx.msk [tilespmem:v2+s22+$0x0], $0xffff  }
0x3fe: {  	v2 =	vor.u32 $0x18, v0;
	_ =	sdelay $0x3  }
0x3ff: {  	[tilespmem:s25+$0x4000] =	vst v1  }
0x400: {  	v1 =	vld.idx.msk [tilespmem:v2+s22+$0x0], $0xffff  }
0x401: {  	v2 =	vor.u32 $0x19, v0;
	_ =	sdelay $0x3  }
0x402: {  	[tilespmem:s25+$0x4C80] =	vst v1  }
0x403: {  	v1 =	vld.idx.msk [tilespmem:v2+s22+$0x0], $0xffff  }
0x404: {  	v2 =	vor.u32 $0x1A, v0;
	_ =	sdelay $0x3  }
0x405: {  	[tilespmem:s25+$0x4D00] =	vst v1  }
0x406: {  	v1 =	vld.idx.msk [tilespmem:v2+s22+$0x0], $0xffff  }
0x407: {  	v2 =	vor.u32 $0x1B, v0;
	_ =	sdelay $0x3  }
0x408: {  	[tilespmem:s25+$0x4D80] =	vst v1  }
0x409: {  	v1 =	vld.idx.msk [tilespmem:v2+s22+$0x0], $0xffff  }
0x40a: {  	v2 =	vor.u32 $0x1C, v0;
	_ =	sdelay $0x3  }
0x40b: {  	[tilespmem:s25+$0x4E00] =	vst v1  }
0x40c: {  	v1 =	vld.idx.msk [tilespmem:v2+s22+$0x0], $0xffff  }
0x40d: {  	v2 =	vor.u32 $0x1D, v0;
	_ =	sdelay $0x3  }
0x40e: {  	[tilespmem:s25+$0x4E80] =	vst v1  }
0x40f: {  	v1 =	vld.idx.msk [tilespmem:v2+s22+$0x0], $0xffff  }
0x410: {  	v2 =	vor.u32 $0x1E, v0;
	_ =	sdelay $0x3  }
0x411: {  	[tilespmem:s25+$0x4F00] =	vst v1  }
0x412: {  	v1 =	vld.idx.msk [tilespmem:v2+s22+$0x0], $0xffff  }
0x413: {  	v0 =	vor.u32 $0x1F, v0;
	_ =	sdelay $0x3  }
0x414: {  	[tilespmem:s25+$0x4F80] =	vst v1  }
0x415: {  	s29 =	simm.s32 $0x80;
	s26 =	simm.s32 $0x40;
	v0 =	vld.idx.msk [tilespmem:v0+s22+$0x0], $0xffff  }
.LBB2_8:
0x416: {  	_ =	sdelay $0x2  }
0x417: {  	s30 =	sshra.s32 s26, $0x2  }
0x418: {  	s24 =	sadd.s32 $0x10, s24;
	s26 =	smov.u32 s29;
	s28 =	sadd.s32 $0x40, s29;
	[tilespmem:s25+$0x5000] =	vst v0  }
0x419: {  	p0 =	sne.s32 s29, $0x1C0;
	v0 =	vld [tilespmem:s30+$0x180];
	_ =	sdelay $0x4  }
0x41a: {  	v0 =	vshll.u32 v0, $0x5;
	_ =	sdelay $0x4  }
0x41b: {  	v1 =	vld.idx.msk [tilespmem:v0+s22+$0x0], $0xffff;
	_ =	sdelay $0x1  }
0x41c: {  	v2 =	vor.u32 $0x1, v0;
	_ =	sdelay $0x1  }
0x41d: {  	s25 =	sand.u32 $0x3FFFFF80, s24  }
0x41e: {  	s25 =	sadd.s32 s30, s25  }
0x41f: {  	[tilespmem:s25+$0x1C80] =	vst v1  }
0x420: {  	v1 =	vld.idx.msk [tilespmem:v2+s22+$0x0], $0xffff;
	_ =	sdelay $0x1  }
0x421: {  	v2 =	vor.u32 $0x2, v0;
	_ =	sdelay $0x3  }
0x422: {  	[tilespmem:s25+$0x1D00] =	vst v1  }
0x423: {  	v1 =	vld.idx.msk [tilespmem:v2+s22+$0x0], $0xffff;
	_ =	sdelay $0x1  }
0x424: {  	v2 =	vor.u32 $0x3, v0;
	_ =	sdelay $0x3  }
0x425: {  	[tilespmem:s25+$0x1D80] =	vst v1  }
0x426: {  	v1 =	vld.idx.msk [tilespmem:v2+s22+$0x0], $0xffff;
	_ =	sdelay $0x1  }
0x427: {  	v2 =	vor.u32 $0x4, v0;
	_ =	sdelay $0x3  }
0x428: {  	[tilespmem:s25+$0x1E00] =	vst v1  }
0x429: {  	v1 =	vld.idx.msk [tilespmem:v2+s22+$0x0], $0xffff;
	_ =	sdelay $0x1  }
0x42a: {  	v2 =	vor.u32 $0x5, v0;
	_ =	sdelay $0x3  }
0x42b: {  	[tilespmem:s25+$0x1E80] =	vst v1  }
0x42c: {  	v1 =	vld.idx.msk [tilespmem:v2+s22+$0x0], $0xffff;
	_ =	sdelay $0x1  }
0x42d: {  	v2 =	vor.u32 $0x6, v0;
	_ =	sdelay $0x3  }
0x42e: {  	[tilespmem:s25+$0x1F00] =	vst v1  }
0x42f: {  	v1 =	vld.idx.msk [tilespmem:v2+s22+$0x0], $0xffff;
	_ =	sdelay $0x1  }
0x430: {  	v2 =	vor.u32 $0x7, v0;
	_ =	sdelay $0x3  }
0x431: {  	[tilespmem:s25+$0x1F80] =	vst v1  }
0x432: {  	v1 =	vld.idx.msk [tilespmem:v2+s22+$0x0], $0xffff;
	_ =	sdelay $0x1  }
0x433: {  	v2 =	vor.u32 $0x8, v0;
	_ =	sdelay $0x3  }
0x434: {  	[tilespmem:s25+$0x2000] =	vst v1  }
0x435: {  	v1 =	vld.idx.msk [tilespmem:v2+s22+$0x0], $0xffff;
	_ =	sdelay $0x1  }
0x436: {  	v2 =	vor.u32 $0x9, v0;
	_ =	sdelay $0x3  }
0x437: {  	[tilespmem:s25+$0x2C80] =	vst v1  }
0x438: {  	v1 =	vld.idx.msk [tilespmem:v2+s22+$0x0], $0xffff;
	_ =	sdelay $0x1  }
0x439: {  	v2 =	vor.u32 $0xA, v0;
	_ =	sdelay $0x3  }
0x43a: {  	[tilespmem:s25+$0x2D00] =	vst v1  }
0x43b: {  	v1 =	vld.idx.msk [tilespmem:v2+s22+$0x0], $0xffff;
	_ =	sdelay $0x1  }
0x43c: {  	v2 =	vor.u32 $0xB, v0;
	_ =	sdelay $0x3  }
0x43d: {  	[tilespmem:s25+$0x2D80] =	vst v1  }
0x43e: {  	v1 =	vld.idx.msk [tilespmem:v2+s22+$0x0], $0xffff;
	_ =	sdelay $0x1  }
0x43f: {  	v2 =	vor.u32 $0xC, v0;
	_ =	sdelay $0x3  }
0x440: {  	[tilespmem:s25+$0x2E00] =	vst v1  }
0x441: {  	v1 =	vld.idx.msk [tilespmem:v2+s22+$0x0], $0xffff;
	_ =	sdelay $0x1  }
0x442: {  	v2 =	vor.u32 $0xD, v0;
	_ =	sdelay $0x3  }
0x443: {  	[tilespmem:s25+$0x2E80] =	vst v1  }
0x444: {  	v1 =	vld.idx.msk [tilespmem:v2+s22+$0x0], $0xffff;
	_ =	sdelay $0x1  }
0x445: {  	v2 =	vor.u32 $0xE, v0;
	_ =	sdelay $0x3  }
0x446: {  	[tilespmem:s25+$0x2F00] =	vst v1  }
0x447: {  	v1 =	vld.idx.msk [tilespmem:v2+s22+$0x0], $0xffff;
	_ =	sdelay $0x1  }
0x448: {  	v2 =	vor.u32 $0xF, v0;
	_ =	sdelay $0x3  }
0x449: {  	[tilespmem:s25+$0x2F80] =	vst v1  }
0x44a: {  	v1 =	vld.idx.msk [tilespmem:v2+s22+$0x0], $0xffff;
	_ =	sdelay $0x1  }
0x44b: {  	v2 =	vor.u32 $0x10, v0;
	_ =	sdelay $0x3  }
0x44c: {  	[tilespmem:s25+$0x3000] =	vst v1  }
0x44d: {  	v1 =	vld.idx.msk [tilespmem:v2+s22+$0x0], $0xffff;
	_ =	sdelay $0x1  }
0x44e: {  	v2 =	vor.u32 $0x11, v0;
	_ =	sdelay $0x3  }
0x44f: {  	[tilespmem:s25+$0x3C80] =	vst v1  }
0x450: {  	v1 =	vld.idx.msk [tilespmem:v2+s22+$0x0], $0xffff;
	_ =	sdelay $0x1  }
0x451: {  	v2 =	vor.u32 $0x12, v0;
	_ =	sdelay $0x3  }
0x452: {  	[tilespmem:s25+$0x3D00] =	vst v1  }
0x453: {  	v1 =	vld.idx.msk [tilespmem:v2+s22+$0x0], $0xffff;
	_ =	sdelay $0x1  }
0x454: {  	v2 =	vor.u32 $0x13, v0;
	_ =	sdelay $0x3  }
0x455: {  	[tilespmem:s25+$0x3D80] =	vst v1  }
0x456: {  	v1 =	vld.idx.msk [tilespmem:v2+s22+$0x0], $0xffff;
	_ =	sdelay $0x1  }
0x457: {  	v2 =	vor.u32 $0x14, v0;
	_ =	sdelay $0x3  }
0x458: {  	[tilespmem:s25+$0x3E00] =	vst v1  }
0x459: {  	v1 =	vld.idx.msk [tilespmem:v2+s22+$0x0], $0xffff;
	_ =	sdelay $0x1  }
0x45a: {  	v2 =	vor.u32 $0x15, v0;
	_ =	sdelay $0x3  }
0x45b: {  	[tilespmem:s25+$0x3E80] =	vst v1  }
0x45c: {  	v1 =	vld.idx.msk [tilespmem:v2+s22+$0x0], $0xffff;
	_ =	sdelay $0x1  }
0x45d: {  	v2 =	vor.u32 $0x16, v0;
	_ =	sdelay $0x3  }
0x45e: {  	[tilespmem:s25+$0x3F00] =	vst v1  }
0x45f: {  	v1 =	vld.idx.msk [tilespmem:v2+s22+$0x0], $0xffff;
	_ =	sdelay $0x1  }
0x460: {  	v2 =	vor.u32 $0x17, v0;
	_ =	sdelay $0x3  }
0x461: {  	[tilespmem:s25+$0x3F80] =	vst v1  }
0x462: {  	v1 =	vld.idx.msk [tilespmem:v2+s22+$0x0], $0xffff;
	_ =	sdelay $0x1  }
0x463: {  	v2 =	vor.u32 $0x18, v0;
	_ =	sdelay $0x3  }
0x464: {  	[tilespmem:s25+$0x4000] =	vst v1  }
0x465: {  	v1 =	vld.idx.msk [tilespmem:v2+s22+$0x0], $0xffff;
	_ =	sdelay $0x1  }
0x466: {  	v2 =	vor.u32 $0x19, v0;
	_ =	sdelay $0x3  }
0x467: {  	[tilespmem:s25+$0x4C80] =	vst v1  }
0x468: {  	v1 =	vld.idx.msk [tilespmem:v2+s22+$0x0], $0xffff;
	_ =	sdelay $0x1  }
0x469: {  	v2 =	vor.u32 $0x1A, v0;
	_ =	sdelay $0x3  }
0x46a: {  	[tilespmem:s25+$0x4D00] =	vst v1  }
0x46b: {  	v1 =	vld.idx.msk [tilespmem:v2+s22+$0x0], $0xffff;
	_ =	sdelay $0x1  }
0x46c: {  	v2 =	vor.u32 $0x1B, v0;
	_ =	sdelay $0x3  }
0x46d: {  	[tilespmem:s25+$0x4D80] =	vst v1  }
0x46e: {  	v1 =	vld.idx.msk [tilespmem:v2+s22+$0x0], $0xffff;
	_ =	sdelay $0x1  }
0x46f: {  	v2 =	vor.u32 $0x1C, v0;
	_ =	sdelay $0x3  }
0x470: {  	[tilespmem:s25+$0x4E00] =	vst v1  }
0x471: {  	v1 =	vld.idx.msk [tilespmem:v2+s22+$0x0], $0xffff;
	_ =	sdelay $0x1  }
0x472: {  	v2 =	vor.u32 $0x1D, v0;
	_ =	sdelay $0x3  }
0x473: {  	[tilespmem:s25+$0x4E80] =	vst v1  }
0x474: {  	v1 =	vld.idx.msk [tilespmem:v2+s22+$0x0], $0xffff;
	_ =	sdelay $0x1  }
0x475: {  	v2 =	vor.u32 $0x1E, v0;
	_ =	sdelay $0x3  }
0x476: {  	[tilespmem:s25+$0x4F00] =	vst v1  }
0x477: {  	v1 =	vld.idx.msk [tilespmem:v2+s22+$0x0], $0xffff;
	_ =	sdelay $0x1  }
0x478: {  	v0 =	vor.u32 $0x1F, v0  }
.Ltmp3:
0x479: {  	(pc) =	sbr.rel @p0 .LBB2_8-.Ltmp3, $3  }
0x47a: {  	_ =	sdelay $0x1  }
0x47b: {  	[tilespmem:s25+$0x4F80] =	vst v1  }
0x47c: {  	s29 =	smov.u32 s28;
	v0 =	vld.idx.msk [tilespmem:v0+s22+$0x0], $0xffff  }
0x47d: {  	_ =	sdelay $0x3  }
0x47e: {  	s26 =	sshra.s32 s26, $0x2;
	[tilespmem:s25+$0x5000] =	vst v0  }
0x47f: {  	v0 =	vld [tilespmem:s26+$0x180];
	_ =	sdelay $0x4  }
0x480: {  	v0 =	vshll.u32 v0, $0x5;
	_ =	sdelay $0x4  }
0x481: {  	v1 =	vld.idx.msk [tilespmem:v0+s22+$0x0], $0xffff  }
0x482: {  	v2 =	vor.u32 $0x1, v0  }
0x483: {  	s24 =	sadd.s32 $0x10, s24  }
0x484: {  	s24 =	sand.u32 $0x3FFFFF80, s24  }
0x485: {  	s24 =	sadd.s32 s26, s24  }
0x486: {  	[tilespmem:s24+$0x1C80] =	vst v1  }
0x487: {  	v1 =	vld.idx.msk [tilespmem:v2+s22+$0x0], $0xffff  }
0x488: {  	v35 =	vor.u32 $0x2, v0;
	_ =	sdelay $0x3  }
0x489: {  	[tilespmem:s24+$0x1D00] =	vst v1  }
0x48a: {  	v1 =	vld.idx.msk [tilespmem:v35+s22+$0x0], $0xffff  }
0x48b: {  	v36 =	vor.u32 $0x3, v0;
	_ =	sdelay $0x3  }
0x48c: {  	[tilespmem:s24+$0x1D80] =	vst v1  }
0x48d: {  	v1 =	vld.idx.msk [tilespmem:v36+s22+$0x0], $0xffff  }
0x48e: {  	v37 =	vor.u32 $0x4, v0;
	_ =	sdelay $0x3  }
0x48f: {  	[tilespmem:s24+$0x1E00] =	vst v1  }
0x490: {  	v1 =	vld.idx.msk [tilespmem:v37+s22+$0x0], $0xffff  }
0x491: {  	v38 =	vor.u32 $0x5, v0;
	_ =	sdelay $0x3  }
0x492: {  	[tilespmem:s24+$0x1E80] =	vst v1  }
0x493: {  	v1 =	vld.idx.msk [tilespmem:v38+s22+$0x0], $0xffff  }
0x494: {  	v39 =	vor.u32 $0x6, v0;
	_ =	sdelay $0x3  }
0x495: {  	[tilespmem:s24+$0x1F00] =	vst v1  }
0x496: {  	v1 =	vld.idx.msk [tilespmem:v39+s22+$0x0], $0xffff  }
0x497: {  	v40 =	vor.u32 $0x7, v0;
	_ =	sdelay $0x3  }
0x498: {  	[tilespmem:s24+$0x1F80] =	vst v1  }
0x499: {  	v1 =	vld.idx.msk [tilespmem:v40+s22+$0x0], $0xffff  }
0x49a: {  	v41 =	vor.u32 $0x8, v0;
	_ =	sdelay $0x3  }
0x49b: {  	[tilespmem:s24+$0x2000] =	vst v1  }
0x49c: {  	v1 =	vld.idx.msk [tilespmem:v41+s22+$0x0], $0xffff  }
0x49d: {  	v42 =	vor.u32 $0x9, v0;
	_ =	sdelay $0x3  }
0x49e: {  	[tilespmem:s24+$0x2C80] =	vst v1  }
0x49f: {  	v1 =	vld.idx.msk [tilespmem:v42+s22+$0x0], $0xffff  }
0x4a0: {  	v43 =	vor.u32 $0xA, v0;
	_ =	sdelay $0x3  }
0x4a1: {  	[tilespmem:s24+$0x2D00] =	vst v1  }
0x4a2: {  	v1 =	vld.idx.msk [tilespmem:v43+s22+$0x0], $0xffff  }
0x4a3: {  	v44 =	vor.u32 $0xB, v0;
	_ =	sdelay $0x3  }
0x4a4: {  	[tilespmem:s24+$0x2D80] =	vst v1  }
0x4a5: {  	v1 =	vld.idx.msk [tilespmem:v44+s22+$0x0], $0xffff  }
0x4a6: {  	v45 =	vor.u32 $0xC, v0;
	_ =	sdelay $0x3  }
0x4a7: {  	[tilespmem:s24+$0x2E00] =	vst v1  }
0x4a8: {  	v1 =	vld.idx.msk [tilespmem:v45+s22+$0x0], $0xffff  }
0x4a9: {  	v46 =	vor.u32 $0xD, v0;
	_ =	sdelay $0x3  }
0x4aa: {  	[tilespmem:s24+$0x2E80] =	vst v1  }
0x4ab: {  	v1 =	vld.idx.msk [tilespmem:v46+s22+$0x0], $0xffff  }
0x4ac: {  	v47 =	vor.u32 $0xE, v0;
	_ =	sdelay $0x3  }
0x4ad: {  	[tilespmem:s24+$0x2F00] =	vst v1  }
0x4ae: {  	v1 =	vld.idx.msk [tilespmem:v47+s22+$0x0], $0xffff  }
0x4af: {  	v48 =	vor.u32 $0xF, v0;
	_ =	sdelay $0x3  }
0x4b0: {  	[tilespmem:s24+$0x2F80] =	vst v1  }
0x4b1: {  	v1 =	vld.idx.msk [tilespmem:v48+s22+$0x0], $0xffff  }
0x4b2: {  	v49 =	vor.u32 $0x10, v0;
	_ =	sdelay $0x3  }
0x4b3: {  	[tilespmem:s24+$0x3000] =	vst v1  }
0x4b4: {  	v1 =	vld.idx.msk [tilespmem:v49+s22+$0x0], $0xffff  }
0x4b5: {  	v50 =	vor.u32 $0x11, v0;
	_ =	sdelay $0x3  }
0x4b6: {  	[tilespmem:s24+$0x3C80] =	vst v1  }
0x4b7: {  	v1 =	vld.idx.msk [tilespmem:v50+s22+$0x0], $0xffff  }
0x4b8: {  	v51 =	vor.u32 $0x12, v0;
	_ =	sdelay $0x3  }
0x4b9: {  	[tilespmem:s24+$0x3D00] =	vst v1  }
0x4ba: {  	v1 =	vld.idx.msk [tilespmem:v51+s22+$0x0], $0xffff  }
0x4bb: {  	v52 =	vor.u32 $0x13, v0;
	_ =	sdelay $0x3  }
0x4bc: {  	[tilespmem:s24+$0x3D80] =	vst v1  }
0x4bd: {  	v1 =	vld.idx.msk [tilespmem:v52+s22+$0x0], $0xffff  }
0x4be: {  	v53 =	vor.u32 $0x14, v0;
	_ =	sdelay $0x3  }
0x4bf: {  	[tilespmem:s24+$0x3E00] =	vst v1  }
0x4c0: {  	v1 =	vld.idx.msk [tilespmem:v53+s22+$0x0], $0xffff  }
0x4c1: {  	v54 =	vor.u32 $0x15, v0;
	_ =	sdelay $0x3  }
0x4c2: {  	[tilespmem:s24+$0x3E80] =	vst v1  }
0x4c3: {  	v1 =	vld.idx.msk [tilespmem:v54+s22+$0x0], $0xffff  }
0x4c4: {  	v55 =	vor.u32 $0x16, v0;
	_ =	sdelay $0x3  }
0x4c5: {  	[tilespmem:s24+$0x3F00] =	vst v1  }
0x4c6: {  	v1 =	vld.idx.msk [tilespmem:v55+s22+$0x0], $0xffff  }
0x4c7: {  	v56 =	vor.u32 $0x17, v0;
	_ =	sdelay $0x3  }
0x4c8: {  	[tilespmem:s24+$0x3F80] =	vst v1  }
0x4c9: {  	v1 =	vld.idx.msk [tilespmem:v56+s22+$0x0], $0xffff  }
0x4ca: {  	v57 =	vor.u32 $0x18, v0;
	_ =	sdelay $0x3  }
0x4cb: {  	[tilespmem:s24+$0x4000] =	vst v1  }
0x4cc: {  	v1 =	vld.idx.msk [tilespmem:v57+s22+$0x0], $0xffff  }
0x4cd: {  	v58 =	vor.u32 $0x19, v0;
	_ =	sdelay $0x3  }
0x4ce: {  	[tilespmem:s24+$0x4C80] =	vst v1  }
0x4cf: {  	v1 =	vld.idx.msk [tilespmem:v58+s22+$0x0], $0xffff  }
0x4d0: {  	v59 =	vor.u32 $0x1A, v0;
	_ =	sdelay $0x3  }
0x4d1: {  	[tilespmem:s24+$0x4D00] =	vst v1  }
0x4d2: {  	v1 =	vld.idx.msk [tilespmem:v59+s22+$0x0], $0xffff  }
0x4d3: {  	v60 =	vor.u32 $0x1B, v0;
	_ =	sdelay $0x3  }
0x4d4: {  	[tilespmem:s24+$0x4D80] =	vst v1  }
0x4d5: {  	v1 =	vld.idx.msk [tilespmem:v60+s22+$0x0], $0xffff  }
0x4d6: {  	v61 =	vor.u32 $0x1C, v0;
	_ =	sdelay $0x3  }
0x4d7: {  	[tilespmem:s24+$0x4E00] =	vst v1  }
0x4d8: {  	v1 =	vld.idx.msk [tilespmem:v61+s22+$0x0], $0xffff  }
0x4d9: {  	v62 =	vor.u32 $0x1D, v0;
	_ =	sdelay $0x3  }
0x4da: {  	[tilespmem:s24+$0x4E80] =	vst v1  }
0x4db: {  	v1 =	vld.idx.msk [tilespmem:v62+s22+$0x0], $0xffff  }
0x4dc: {  	v63 =	vor.u32 $0x1E, v0;
	_ =	sdelay $0x3  }
0x4dd: {  	[tilespmem:s24+$0x4F00] =	vst v1  }
0x4de: {  	v1 =	vld.idx.msk [tilespmem:v63+s22+$0x0], $0xffff  }
0x4df: {  	v0 =	vor.u32 $0x1F, v0;
	_ =	sdelay $0x3  }
0x4e0: {  	[tilespmem:s24+$0x4F80] =	vst v1  }
0x4e1: {  	v0 =	vld.idx.msk [tilespmem:v0+s22+$0x0], $0xffff;
	_ =	sdelay $0x4  }
0x4e2: {  	s28 =	simm.s32 $0x1E00;
	[tilespmem:s24+$0x5000] =	vst v0  }
0x4e3: {  	[hbm4b:s17+s2] =	stream.linear.scatter [tilespmem:s28], [sflag:$0x1], $0x400, $0x38;
	[tilespmem:$0x5200] =	vst v63  }
0x4e4: {  	s29 =	simm.s32 $0x2E00  }
0x4e5: {  	[hbm4b:s18+s2] =	stream.linear.scatter [tilespmem:s29], [sflag:$0x1], $0x400, $0x38;
	[tilespmem:$0x5200] =	vst v63  }
0x4e6: {  	s30 =	simm.s32 $0x3E00  }
0x4e7: {  	[hbm4b:s19+s2] =	stream.linear.scatter [tilespmem:s30], [sflag:$0x1], $0x400, $0x38;
	[tilespmem:$0x5200] =	vst v63  }
0x4e8: {  	_ = 	snop  }
0x4e9: {  	[hbm4b:s20+s2] =	stream.linear.scatter [tilespmem:s31], [sflag:$0x1], $0x400, $0x38;
	[tilespmem:$0x5200] =	vst v63  }
0x4ea: {  	_ =	swait.ge [sflag:s0], $0x400  }
0x4eb: {  	[sflag:s0] =	ssyncset.done $0x0  }
0x4ec: {  	[sflag:s0] =	ssyncadd.s32 $0xFFFFFC00  }
0x4ed: {  	_ =	swait.ge [sflag:s0], $0x400  }
0x4ee: {  	[sflag:s0] =	ssyncset.done $0x0  }
0x4ef: {  	[sflag:s0] =	ssyncadd.s32 $0xFFFFFC00  }
0x4f0: {  	_ =	swait.ge [sflag:s0], $0x400  }
0x4f1: {  	[sflag:s0] =	ssyncset.done $0x0  }
0x4f2: {  	[sflag:s0] =	ssyncadd.s32 $0xFFFFFC00  }
0x4f3: {  	_ =	swait.ge [sflag:s0], $0x400  }
0x4f4: {  	[sflag:s0] =	ssyncset.done $0x0  }
0x4f5: {  	[sflag:s0] =	ssyncadd.s32 $0xFFFFFC00  }
0x4f6: {  	_ =	swait.ge [sflag:s0], $0x400  }
0x4f7: {  	[sflag:s0] =	ssyncset.done $0x0  }
0x4f8: {  	[sflag:s0] =	ssyncadd.s32 $0xFFFFFC00  }
0x4f9: {  	_ =	swait.ge [sflag:s0], $0x400  }
0x4fa: {  	[sflag:s0] =	ssyncset.done $0x0  }
0x4fb: {  	[sflag:s0] =	ssyncadd.s32 $0xFFFFFC00  }
0x4fc: {  	_ =	swait.ge [sflag:s0], $0x400  }
0x4fd: {  	[sflag:s0] =	ssyncset.done $0x0  }
0x4fe: {  	[sflag:s0] =	ssyncadd.s32 $0xFFFFFC00  }
0x4ff: {  	_ =	swait.ge [sflag:s0], $0x400  }
0x500: {  	[sflag:s0] =	ssyncset.done $0x0  }
0x501: {  	[sflag:s0] =	ssyncadd.s32 $0xFFFFFC00  }
0x502: {  	_ =	swait.ge [sflag:s0], $0x400  }
0x503: {  	[sflag:s0] =	ssyncset.done $0x0  }
0x504: {  	[sflag:s0] =	ssyncadd.s32 $0xFFFFFC00  }
0x505: {  	_ =	swait.ge [sflag:s0], $0x400  }
0x506: {  	[sflag:s0] =	ssyncset.done $0x0  }
0x507: {  	[sflag:s0] =	ssyncadd.s32 $0xFFFFFC00  }
0x508: {  	_ =	swait.ge [sflag:s0], $0x400  }
0x509: {  	[sflag:s0] =	ssyncset.done $0x0  }
0x50a: {  	[sflag:s0] =	ssyncadd.s32 $0xFFFFFC00  }
0x50b: {  	_ =	swait.ge [sflag:s0], $0x400  }
0x50c: {  	[sflag:s0] =	ssyncset.done $0x0  }
0x50d: {  	[sflag:s0] =	ssyncadd.s32 $0xFFFFFC00  }
0x50e: {  	_ =	swait.ge [sflag:s0], $0x400  }
0x50f: {  	[sflag:s0] =	ssyncset.done $0x0  }
0x510: {  	[sflag:s0] =	ssyncadd.s32 $0xFFFFFC00  }
0x511: {  	_ =	swait.ge [sflag:s0], $0x400  }
0x512: {  	[sflag:s0] =	ssyncset.done $0x0  }
0x513: {  	s1 =	sadd.s32 $0x1, s1;
	[sflag:s0] =	ssyncadd.s32 $0xFFFFFC00  }
0x514: {  	p0 =	sne.s32 s1, s21;
	_ =	swait.ge [sflag:s0], $0x400  }
.Ltmp4:
0x515: {  	[sflag:s0] =	ssyncset.done $0x0;
	(pc) =	sbr.rel @p0 .LBB2_1-.Ltmp4, $4  }
0x516: {  	[sflag:s0] =	ssyncadd.s32 $0xFFFFFC00  }
0x517: {  	_ =	swait.ge [sflag:s0], $0x400  }
0x518: {  	[sflag:s0] =	ssyncset.done $0x0  }
0x519: {  	[sflag:s0] =	ssyncadd.s32 $0xFFFFFC00  }
0x51a: {  	_ =	sfence.sel $0x180000  }
0x51b: {  	[bflag:$0x0] =	sbarrier.arrive $0xFFFF  }
0x51c: {  	_ =	strace $0x90000047  }
0x51d: {  	s0 =	stileid.u32;
	[bflag:$0x2] =	sbarrier.arrive $0xFFFF  }
0x51e: {  	p0 =	sne.s32 s0, $0x0;
	s0 =	rddreg [dreg:$0x2]  }
0x51f: {  	s0 =	sadd.s32 @!p0 $0x100000, s0  }
0x520: {  	[sflag:s0] =	ssyncadd.tile.s32 @!p0 $0x1;
	_ =	shalt  }
.Lfunc_end2:
_tile_overlayer_lowered:
.L_overlay_start_2:
0x521: {  	(tag) =	ssettag $0x2  }
0x522: {  	s0 =	rddreg [dreg:$0x0];
	s2 =	stileid.u32  }
0x523: {  	s1 =	rddreg [dreg:$0x1];
	p0 =	sne.s32 s2, $0x0  }
0x524: {  	s3 =	rddreg [dreg:$0x2];
	[bflag:$0x3] =	sbarrier.arrive $0xFFFF;
	s2 =	simm.s32 @!p0 $0x1C03  }
0x525: {  	[timem:s3], [sflag:s2] =	dma.local @!p0 [hbm:s0], s1  }
0x526: {  	s0 =	simm.s32 @!p0 $0x3  }
0x527: {  	_ =	swait.ge @!p0 [sflag:s0], s1  }
0x528: {  	s1 =	ssub.s32 @!p0 $0x0, s1;
	[sflag:s0] =	ssyncset.done @!p0 $0x0  }
0x529: {  	[sflag:s0] =	ssyncadd.s32 @!p0 s1  }
0x52a: {  	[bflag:$0x3] =	sbarrier.arrive $0xFFFF  }
0x52b: {  	_ =	shalt  }

</sc_bundles>
